<compile_context>
chip_gen: v7x
topology: tpu7x:2x2x1
jax: 0.10.2.dev20260603
libtpu: 0.0.44.dev20260713+nightly
codegen_flags: <defaults>
</compile_context>

<pallas_src>
import functools

import jax
import jax.numpy as jnp
from jax import lax
from jax.experimental import pallas as pl
from jax.experimental.pallas import tpu as pltpu
from jax.experimental.pallas import tpu_sc as plsc

E = 320000
D = 128
V = 10000
NW = 32
E_PER_W = E // NW
B = 200
BP = 208
NCHUNK = E_PER_W // B
NPAIR = NCHUNK // 2
NGROUP = BP // 16
IDX_PER_W = NCHUNK * 2 * B

_mesh = plsc.VectorSubcoreMesh(core_axis_name="c", subcore_axis_name="s")

_SHUFFLE_DNUMS = lax.GatherDimensionNumbers(
    offset_dims=(), collapsed_slice_dims=(0,), start_index_map=(0,))


def _lane_shuffle(x, idx):
    return lax.gather(x, idx[:, None], _SHUFFLE_DNUMS, (1,),
                      mode=lax.GatherScatterMode.PROMISE_IN_BOUNDS)


def _unpack_bf16_pair(x_i32):
    lo = lax.bitcast_convert_type(lax.shift_left(x_i32, 16), jnp.float32)
    hi = lax.bitcast_convert_type(
        lax.bitwise_and(x_i32, jnp.int32(-65536)), jnp.float32)
    return lo, hi


@functools.partial(
    pl.kernel,
    mesh=_mesh,
    compiler_params=pltpu.CompilerParams(use_tc_tiling_on_sc=False),
    out_type=jax.ShapeDtypeStruct((E,), jnp.float32),
    scratch_types=[
        pltpu.VMEM((IDX_PER_W,), jnp.int32),
        pltpu.VMEM((B + BP, D // 2), jnp.int32),
        pltpu.VMEM((B + BP, D // 2), jnp.int32),
        pltpu.VMEM((BP,), jnp.float32),
        pltpu.VMEM((BP,), jnp.float32),
        pltpu.VMEM_SHARED((V, D // 2), jnp.int32),
        pltpu.SemaphoreType.DMA((2,)),
        pltpu.SemaphoreType.DMA((2,)),
    ],
)
def _decoder_sc(z_hbm, comb_hbm, out_hbm,
                cidx_v, rows0_v, rows1_v, o0_v, o1_v, z_sh, rsem, osem):
    sid = lax.axis_index("s")
    wid = sid * 2 + lax.axis_index("c")
    base = wid * E_PER_W
    lane = lax.iota(jnp.int32, 16)
    rows_v = (rows0_v, rows1_v)
    os_v = (o0_v, o1_v)

    def start_gather(c, b):
        pltpu.async_copy(z_sh.at[cidx_v.at[pl.ds(c * 2 * B, 2 * B)]],
                         rows_v[b].at[pl.ds(0, 2 * B)], rsem.at[b])

    def wait_gather(b):
        pltpu.make_async_copy(z_sh.at[cidx_v.at[pl.ds(0, 2 * B)]],
                              rows_v[b].at[pl.ds(0, 2 * B)],
                              rsem.at[b]).wait()

    def compute(c, b):
        rv = rows_v[b]

        def group_body(g, carry):
            e0 = g * 16

            def half_body(h, tot):
                eh = e0 + h * 8
                for e8 in range(8):
                    e = eh + e8
                    acc = jnp.zeros((16,), jnp.float32)
                    for k in range(D // 32):
                        sa, sb = _unpack_bf16_pair(rv[e, pl.ds(k * 16, 16)])
                        ta, tb = _unpack_bf16_pair(rv[B + e, pl.ds(k * 16, 16)])
                        acc += sa * ta
                        acc += sb * tb
                    for shift in (8, 4, 2, 1):
                        acc = acc + _lane_shuffle(acc, lane ^ shift)
                    tot = jnp.where(lane == h * 8 + e8, acc, tot)
                return tot

            tot = lax.fori_loop(0, 2, half_body, jnp.zeros((16,), jnp.float32))
            os_v[b][pl.ds(e0, 16)] = tot
            return carry

        lax.fori_loop(0, NGROUP, group_body, 0)
        pltpu.async_copy(os_v[b].at[pl.ds(0, B)],
                         out_hbm.at[pl.ds(base + c * B, B)], osem.at[b])

    def wait_out(b):
        pltpu.make_async_copy(os_v[b].at[pl.ds(0, B)],
                              out_hbm.at[pl.ds(0, B)], osem.at[b]).wait()

    srows = V // 16
    pltpu.sync_copy(z_hbm.at[pl.ds(sid * srows, srows)],
                    z_sh.at[pl.ds(sid * srows, srows)])
    pltpu.sync_copy(comb_hbm.at[pl.ds(wid * IDX_PER_W, IDX_PER_W)], cidx_v)
    plsc.subcore_barrier()
    start_gather(0, 0)
    start_gather(1, 1)

    def pair_body(g, carry):
        c0 = 2 * g
        wait_gather(0)

        @pl.when(g >= 1)
        def _drain_out0():
            wait_out(0)

        compute(c0, 0)

        @pl.when(g < NPAIR - 1)
        def _gather_even():
            start_gather(c0 + 2, 0)

        wait_gather(1)

        @pl.when(g >= 1)
        def _drain_out1():
            wait_out(1)

        compute(c0 + 1, 1)

        @pl.when(g < NPAIR - 1)
        def _gather_odd():
            start_gather(c0 + 3, 1)

        return carry

    lax.fori_loop(0, NPAIR, pair_body, 0)
    wait_out(0)
    wait_out(1)


def kernel(z, edge_index):
    ei = edge_index.astype(jnp.int32)
    comb = (ei.reshape(2, NW, NCHUNK, B)
            .transpose(1, 2, 0, 3)
            .reshape(NW * IDX_PER_W))
    zp = lax.bitcast_convert_type(
        z.astype(jnp.bfloat16).reshape(V, D // 2, 2), jnp.int32)
    return _decoder_sc(zp, comb)

# --- scband reference (transcript-rebuilt; emitter-appended) ---
"""Pipeline reference for scband-decoder-56186762166492 (READ-ONLY COPY).

The authoritative reference and input builder live on the scoring server;
editing this copy changes nothing except your own understanding.
"""

import jax, jax.numpy as jnp
import numpy as np


def setup_inputs(seed: int = 0) -> dict:
    key = jax.random.key(seed)
    k1, k2 = jax.random.split(key)
    z = jax.random.normal(k1, (10000, 128), dtype=jnp.float32)
    edge_index = jax.random.randint(k2, (2, 320000), 0, 10000, dtype=jnp.int64)
    return {"z": z, "edge_index": edge_index}


def reference(z, edge_index):
    z_i = jnp.take(z, edge_index[0], axis=0)
    z_j = jnp.take(z, edge_index[1], axis=0)
    return jnp.sum(z_i * z_j, axis=-1)

if __name__ == "__main__":
    import jax
    _d = setup_inputs()
    print(jax.jit(kernel)(*tuple(_d.values())))

</pallas_src>

<mosaic_0001>
#map = affine_map<(d0, d1) -> (0, 0)>
#map1 = affine_map<(d0, d1) -> (0)>
module attributes {stable_mosaic.version = 14 : i64} {
  func.func @_decoder_sc(%arg0: i32, %arg1: i32, %arg2: memref<10000x64xi32, #tpu.memory_space<hbm>>, %arg3: memref<640000xi32, #tpu.memory_space<hbm>>, %arg4: memref<320000xf32, #tpu.memory_space<hbm>>, %arg5: memref<20000xi32, #tpu.memory_space<vmem>>, %arg6: memref<408x64xi32, #tpu.memory_space<vmem>>, %arg7: memref<408x64xi32, #tpu.memory_space<vmem>>, %arg8: memref<208xf32, #tpu.memory_space<vmem>>, %arg9: memref<208xf32, #tpu.memory_space<vmem>>, %arg10: memref<10000x64xi32, #tpu.memory_space<vmem_shared>>, %arg11: memref<2x!tpu.dma_semaphore, #tpu.memory_space<semaphore_mem>>, %arg12: memref<2x!tpu.dma_semaphore, #tpu.memory_space<semaphore_mem>>) attributes {dimension_semantics = [#tpu.dimension_semantics<core_parallel>, #tpu.dimension_semantics<subcore_parallel>], iteration_bounds = array<i64: 2, 16>, scalar_prefetch = 0 : i64, scratch_operands = 8 : i64, tpu.core_type = #tpu.core_type<sc_vector_subcore>, window_params = [{transform_indices = #map}, {transform_indices = #map1}, {transform_indices = #map1}]} {
    %mul3A = arith.constant 2 : i32
    %mul3A_0 = arith.muli %arg1, %mul3A : i32
    %add3A = arith.addi %mul3A_0, %arg0 : i32
    %mul3A_1 = arith.constant 10000 : i32
    %mul3A_2 = arith.muli %add3A, %mul3A_1 : i32
    %iota3A = tpu.iota {dimensions = array<i32: 0>} : vector<16xi32>
    %mul3A_3 = arith.constant 625 : i32
    %mul3A_4 = arith.muli %arg1, %mul3A_3 : i32
    %mul3A_5 = arith.constant 625 : i32
    %mul3A_6 = arith.muli %arg1, %mul3A_5 : i32
    "tpu.region"() ({
      %run_scoped3A = tpu.sem_alloc : memref<!tpu.dma_semaphore, #tpu.memory_space<semaphore_mem>>
      %dma_start3A_56 = arith.constant 0 : i32
      %dma_start3A_57 = tpu.memref_slice %arg10[%mul3A_6, %dma_start3A_56] : memref<10000x64xi32, #tpu.memory_space<vmem_shared>> -> memref<625x64xi32, #tpu.memory_space<vmem_shared>>
      %dma_start3A_58 = arith.constant 0 : i32
      %dma_start3A_59 = tpu.memref_slice %arg2[%mul3A_4, %dma_start3A_58] : memref<10000x64xi32, #tpu.memory_space<hbm>> -> memref<625x64xi32, #tpu.memory_space<hbm>>
      tpu.enqueue_dma source(%dma_start3A_59 : memref<625x64xi32, #tpu.memory_space<hbm>>) target(%dma_start3A_57 : memref<625x64xi32, #tpu.memory_space<vmem_shared>>) target_semaphore(%run_scoped3A : memref<!tpu.dma_semaphore, #tpu.memory_space<semaphore_mem>>)
      %dma_wait3A_60 = arith.constant 0 : i32
      %dma_wait3A_61 = tpu.memref_slice %arg10[%mul3A_6, %dma_wait3A_60] : memref<10000x64xi32, #tpu.memory_space<vmem_shared>> -> memref<625x64xi32, #tpu.memory_space<vmem_shared>>
      %dma_wait3A_62 = arith.constant 0 : i32
      %dma_wait3A_63 = tpu.memref_slice %arg2[%mul3A_4, %dma_wait3A_62] : memref<10000x64xi32, #tpu.memory_space<hbm>> -> memref<625x64xi32, #tpu.memory_space<hbm>>
      tpu.wait_dma2 semaphore(%run_scoped3A : memref<!tpu.dma_semaphore, #tpu.memory_space<semaphore_mem>>) src(%dma_wait3A_63 : memref<625x64xi32, #tpu.memory_space<hbm>>) dst(%dma_wait3A_61 : memref<625x64xi32, #tpu.memory_space<vmem_shared>>)
      tpu.yield
    }) : () -> ()
    %mul3A_7 = arith.constant 20000 : i32
    %mul3A_8 = arith.muli %add3A, %mul3A_7 : i32
    "tpu.region"() ({
      %run_scoped3A = tpu.sem_alloc : memref<!tpu.dma_semaphore, #tpu.memory_space<semaphore_mem>>
      %dma_start3A_56 = tpu.memref_slice %arg3[%mul3A_8] : memref<640000xi32, #tpu.memory_space<hbm>> -> memref<20000xi32, #tpu.memory_space<hbm>>
      %dma_start3A_57 = tpu.memref_slice %arg3[%mul3A_8] : memref<640000xi32, #tpu.memory_space<hbm>> -> memref<20000xi32, #tpu.memory_space<hbm>>
      tpu.enqueue_dma source(%dma_start3A_57 : memref<20000xi32, #tpu.memory_space<hbm>>) target(%arg5 : memref<20000xi32, #tpu.memory_space<vmem>>) target_semaphore(%run_scoped3A : memref<!tpu.dma_semaphore, #tpu.memory_space<semaphore_mem>>)
      %dma_wait3A_58 = tpu.memref_slice %arg3[%mul3A_8] : memref<640000xi32, #tpu.memory_space<hbm>> -> memref<20000xi32, #tpu.memory_space<hbm>>
      %dma_wait3A_59 = tpu.memref_slice %arg3[%mul3A_8] : memref<640000xi32, #tpu.memory_space<hbm>> -> memref<20000xi32, #tpu.memory_space<hbm>>
      tpu.wait_dma2 semaphore(%run_scoped3A : memref<!tpu.dma_semaphore, #tpu.memory_space<semaphore_mem>>) src(%dma_wait3A_59 : memref<20000xi32, #tpu.memory_space<hbm>>) dst(%arg5 : memref<20000xi32, #tpu.memory_space<vmem>>)
      tpu.yield
    }) : () -> ()
    %barrier3A = arith.constant 0 : index
    tpu.barrier barrier_id(%barrier3A)
    %dma_start3A = arith.constant 0 : i32
    %dma_start3A_9 = arith.constant 0 : i32
    %dma_start3A_10 = arith.constant 0 : i32
    %dma_start3A_11 = tpu.memref_slice %arg6[%dma_start3A_9, %dma_start3A_10] : memref<408x64xi32, #tpu.memory_space<vmem>> -> memref<400x64xi32, #tpu.memory_space<vmem>>
    %dma_start3A_12 = arith.constant 0 : i32
    %dma_start3A_13 = tpu.memref_slice %arg5[%dma_start3A_12] : memref<20000xi32, #tpu.memory_space<vmem>> -> memref<400xi32, #tpu.memory_space<vmem>>
    %dma_start3A_14 = arith.constant 0 : i32
    %dma_start3A_15 = arith.constant 0 : i32
    %dma_start3A_16 = tpu.memref_slice %arg10[%dma_start3A_14, %dma_start3A_15] : memref<10000x64xi32, #tpu.memory_space<vmem_shared>> -> memref<10000x64xi32, #tpu.memory_space<vmem_shared>>
    %dma_start3A_17 = tpu.memref_slice %arg11[%dma_start3A] : memref<2x!tpu.dma_semaphore, #tpu.memory_space<semaphore_mem>> -> memref<1x!tpu.dma_semaphore, #tpu.memory_space<semaphore_mem>>
    %dma_start3A_18 = tpu.memref_squeeze %dma_start3A_17 : memref<1x!tpu.dma_semaphore, #tpu.memory_space<semaphore_mem>> -> memref<!tpu.dma_semaphore, #tpu.memory_space<semaphore_mem>>
    tpu.enqueue_indirect_dma source(%dma_start3A_16 : memref<10000x64xi32, #tpu.memory_space<vmem_shared>>) target(%dma_start3A_11 : memref<400x64xi32, #tpu.memory_space<vmem>>) offsets(%dma_start3A_13 : memref<400xi32, #tpu.memory_space<vmem>>) semaphore(%dma_start3A_18 : memref<!tpu.dma_semaphore, #tpu.memory_space<semaphore_mem>>)
    %dma_start3A_19 = arith.constant 1 : i32
    %dma_start3A_20 = arith.constant 0 : i32
    %dma_start3A_21 = arith.constant 0 : i32
    %dma_start3A_22 = tpu.memref_slice %arg7[%dma_start3A_20, %dma_start3A_21] : memref<408x64xi32, #tpu.memory_space<vmem>> -> memref<400x64xi32, #tpu.memory_space<vmem>>
    %dma_start3A_23 = arith.constant 400 : i32
    %dma_start3A_24 = tpu.memref_slice %arg5[%dma_start3A_23] : memref<20000xi32, #tpu.memory_space<vmem>> -> memref<400xi32, #tpu.memory_space<vmem>>
    %dma_start3A_25 = arith.constant 0 : i32
    %dma_start3A_26 = arith.constant 0 : i32
    %dma_start3A_27 = tpu.memref_slice %arg10[%dma_start3A_25, %dma_start3A_26] : memref<10000x64xi32, #tpu.memory_space<vmem_shared>> -> memref<10000x64xi32, #tpu.memory_space<vmem_shared>>
    %dma_start3A_28 = tpu.memref_slice %arg11[%dma_start3A_19] : memref<2x!tpu.dma_semaphore, #tpu.memory_space<semaphore_mem>> -> memref<1x!tpu.dma_semaphore, #tpu.memory_space<semaphore_mem>>
    %dma_start3A_29 = tpu.memref_squeeze %dma_start3A_28 : memref<1x!tpu.dma_semaphore, #tpu.memory_space<semaphore_mem>> -> memref<!tpu.dma_semaphore, #tpu.memory_space<semaphore_mem>>
    tpu.enqueue_indirect_dma source(%dma_start3A_27 : memref<10000x64xi32, #tpu.memory_space<vmem_shared>>) target(%dma_start3A_22 : memref<400x64xi32, #tpu.memory_space<vmem>>) offsets(%dma_start3A_24 : memref<400xi32, #tpu.memory_space<vmem>>) semaphore(%dma_start3A_29 : memref<!tpu.dma_semaphore, #tpu.memory_space<semaphore_mem>>)
    %scan3A = arith.constant 0 : i32
    %scan3A_30 = arith.constant 0 : i32
    %scan3A_31 = arith.constant 25 : i32
    %scan3A_32 = arith.addi %scan3A_30, %scan3A_31 : i32
    %scan3A_33 = arith.constant 1 : i32
    scf.for %scan3A_56 = %scan3A_30 to %scan3A_32 step %scan3A_33  : i32 {
      %mul3A_57 = arith.constant 2 : i32
      %mul3A_58 = arith.muli %mul3A_57, %scan3A_56 : i32
      %dma_wait3A_59 = arith.constant 0 : i32
      %dma_wait3A_60 = arith.constant 0 : i32
      %dma_wait3A_61 = arith.constant 0 : i32
      %dma_wait3A_62 = tpu.memref_slice %arg6[%dma_wait3A_60, %dma_wait3A_61] : memref<408x64xi32, #tpu.memory_space<vmem>> -> memref<400x64xi32, #tpu.memory_space<vmem>>
      %dma_wait3A_63 = arith.constant 0 : i32
      %dma_wait3A_64 = tpu.memref_slice %arg5[%dma_wait3A_63] : memref<20000xi32, #tpu.memory_space<vmem>> -> memref<400xi32, #tpu.memory_space<vmem>>
      %dma_wait3A_65 = arith.constant 0 : i32
      %dma_wait3A_66 = arith.constant 0 : i32
      %dma_wait3A_67 = tpu.memref_slice %arg10[%dma_wait3A_65, %dma_wait3A_66] : memref<10000x64xi32, #tpu.memory_space<vmem_shared>> -> memref<10000x64xi32, #tpu.memory_space<vmem_shared>>
      %dma_wait3A_68 = tpu.memref_slice %arg11[%dma_wait3A_59] : memref<2x!tpu.dma_semaphore, #tpu.memory_space<semaphore_mem>> -> memref<1x!tpu.dma_semaphore, #tpu.memory_space<semaphore_mem>>
      %dma_wait3A_69 = tpu.memref_squeeze %dma_wait3A_68 : memref<1x!tpu.dma_semaphore, #tpu.memory_space<semaphore_mem>> -> memref<!tpu.dma_semaphore, #tpu.memory_space<semaphore_mem>>
      tpu.wait_indirect_dma semaphore(%dma_wait3A_69 : memref<!tpu.dma_semaphore, #tpu.memory_space<semaphore_mem>>) src(%dma_wait3A_67 : memref<10000x64xi32, #tpu.memory_space<vmem_shared>>) dst(%dma_wait3A_62 : memref<400x64xi32, #tpu.memory_space<vmem>>)
      %ge3A = arith.constant 1 : i32
      %ge3A_70 = arith.cmpi sge, %scan3A_56, %ge3A : i32
      %convert_element_type3A = arith.extui %ge3A_70 : i1 to i32
      %cond3A = arith.constant 0 : i32
      %cond3A_71 = arith.cmpi ne, %convert_element_type3A, %cond3A : i32
      scf.if %cond3A_71 {
        %dma_wait3A_135 = arith.constant 0 : i32
        %dma_wait3A_136 = arith.constant 0 : i32
        %dma_wait3A_137 = tpu.memref_slice %arg8[%dma_wait3A_136] : memref<208xf32, #tpu.memory_space<vmem>> -> memref<200xf32, #tpu.memory_space<vmem>>
        %dma_wait3A_138 = arith.constant 0 : i32
        %dma_wait3A_139 = tpu.memref_slice %arg4[%dma_wait3A_138] : memref<320000xf32, #tpu.memory_space<hbm>> -> memref<200xf32, #tpu.memory_space<hbm>>
        %dma_wait3A_140 = tpu.memref_slice %arg12[%dma_wait3A_135] : memref<2x!tpu.dma_semaphore, #tpu.memory_space<semaphore_mem>> -> memref<1x!tpu.dma_semaphore, #tpu.memory_space<semaphore_mem>>
        %dma_wait3A_141 = tpu.memref_squeeze %dma_wait3A_140 : memref<1x!tpu.dma_semaphore, #tpu.memory_space<semaphore_mem>> -> memref<!tpu.dma_semaphore, #tpu.memory_space<semaphore_mem>>
        %dma_wait3A_142 = arith.constant 0 : i32
        %dma_wait3A_143 = tpu.memref_slice %arg4[%dma_wait3A_142] : memref<320000xf32, #tpu.memory_space<hbm>> -> memref<200xf32, #tpu.memory_space<hbm>>
        %dma_wait3A_144 = arith.constant 0 : i32
        %dma_wait3A_145 = tpu.memref_slice %arg8[%dma_wait3A_144] : memref<208xf32, #tpu.memory_space<vmem>> -> memref<200xf32, #tpu.memory_space<vmem>>
        tpu.wait_dma2 semaphore(%dma_wait3A_141 : memref<!tpu.dma_semaphore, #tpu.memory_space<semaphore_mem>>) src(%dma_wait3A_145 : memref<200xf32, #tpu.memory_space<vmem>>) dst(%dma_wait3A_143 : memref<200xf32, #tpu.memory_space<hbm>>)
      } else {
      }
      %scan3A_72 = arith.constant 0 : i32
      %scan3A_73 = arith.constant 0 : i32
      %scan3A_74 = arith.constant 13 : i32
      %scan3A_75 = arith.addi %scan3A_73, %scan3A_74 : i32
      %scan3A_76 = arith.constant 1 : i32
      scf.for %scan3A_135 = %scan3A_73 to %scan3A_75 step %scan3A_76  : i32 {
        %mul3A_136 = arith.constant 16 : i32
        %mul3A_137 = arith.muli %scan3A_135, %mul3A_136 : i32
        %broadcast_in_dim3A = arith.constant 0.000000e+00 : f32
        %broadcast_in_dim3A_138 = vector.broadcast %broadcast_in_dim3A : f32 to vector<16xf32>
        %scan3A_139 = arith.constant 0 : i32
        %scan3A_140 = arith.constant 2 : i32
        %scan3A_141 = arith.addi %scan3A_139, %scan3A_140 : i32
        %scan3A_142 = arith.constant 1 : i32
        %scan3A_143 = scf.for %scan3A_148 = %scan3A_139 to %scan3A_141 step %scan3A_142 iter_args(%scan3A_149 = %broadcast_in_dim3A_138) -> (vector<16xf32>)  : i32 {
          %mul3A_150 = arith.constant 8 : i32
          %mul3A_151 = arith.muli %scan3A_148, %mul3A_150 : i32
          %add3A_152 = arith.addi %mul3A_137, %mul3A_151 : i32
          %add3A_153 = arith.constant 0 : i32
          %add3A_154 = arith.addi %add3A_152, %add3A_153 : i32
          %broadcast_in_dim3A_155 = arith.constant 0.000000e+00 : f32
          %broadcast_in_dim3A_156 = vector.broadcast %broadcast_in_dim3A_155 : f32 to vector<16xf32>
          %get3A = arith.index_cast %add3A_154 : i32 to index
          %get3A_157 = arith.constant 0 : index
          %get3A_158 = tpu.vector_load %arg6[%get3A, %get3A_157] {strides = array<i32>} : memref<408x64xi32, #tpu.memory_space<vmem>>, vector<1x16xi32>,
          %get3A_159 = vector.shape_cast %get3A_158 : vector<1x16xi32> to vector<16xi32>
          %shift_left3A = arith.constant 16 : i32
          %shift_left3A_160 = vector.broadcast %shift_left3A : i32 to vector<16xi32>
          %shift_left3A_161 = arith.shli %get3A_159, %shift_left3A_160 : vector<16xi32>
          %bitcast_convert_type3A = tpu.bitcast %shift_left3A_161 : vector<16xi32> -> vector<16xf32>
          %and3A = arith.constant -65536 : i32
          %and3A_162 = vector.broadcast %and3A : i32 to vector<16xi32>
          %and3A_163 = arith.andi %get3A_159, %and3A_162 : vector<16xi32>
          %bitcast_convert_type3A_164 = tpu.bitcast %and3A_163 : vector<16xi32> -> vector<16xf32>
          %add3A_165 = arith.constant 200 : i32
          %add3A_166 = arith.addi %add3A_165, %add3A_154 : i32
          %get3A_167 = arith.index_cast %add3A_166 : i32 to index
          %get3A_168 = arith.constant 0 : index
          %get3A_169 = tpu.vector_load %arg6[%get3A_167, %get3A_168] {strides = array<i32>} : memref<408x64xi32, #tpu.memory_space<vmem>>, vector<1x16xi32>,
          %get3A_170 = vector.shape_cast %get3A_169 : vector<1x16xi32> to vector<16xi32>
          %shift_left3A_171 = arith.constant 16 : i32
          %shift_left3A_172 = vector.broadcast %shift_left3A_171 : i32 to vector<16xi32>
          %shift_left3A_173 = arith.shli %get3A_170, %shift_left3A_172 : vector<16xi32>
          %bitcast_convert_type3A_174 = tpu.bitcast %shift_left3A_173 : vector<16xi32> -> vector<16xf32>
          %and3A_175 = arith.constant -65536 : i32
          %and3A_176 = vector.broadcast %and3A_175 : i32 to vector<16xi32>
          %and3A_177 = arith.andi %get3A_170, %and3A_176 : vector<16xi32>
          %bitcast_convert_type3A_178 = tpu.bitcast %and3A_177 : vector<16xi32> -> vector<16xf32>
          %mul3A_179 = arith.mulf %bitcast_convert_type3A, %bitcast_convert_type3A_174 : vector<16xf32>
          %add3A_180 = arith.addf %broadcast_in_dim3A_156, %mul3A_179 : vector<16xf32>
          %mul3A_181 = arith.mulf %bitcast_convert_type3A_164, %bitcast_convert_type3A_178 : vector<16xf32>
          %add3A_182 = arith.addf %add3A_180, %mul3A_181 : vector<16xf32>
          %get3A_183 = arith.index_cast %add3A_154 : i32 to index
          %get3A_184 = arith.constant 16 : index
          %get3A_185 = tpu.vector_load %arg6[%get3A_183, %get3A_184] {strides = array<i32>} : memref<408x64xi32, #tpu.memory_space<vmem>>, vector<1x16xi32>,
          %get3A_186 = vector.shape_cast %get3A_185 : vector<1x16xi32> to vector<16xi32>
          %shift_left3A_187 = arith.constant 16 : i32
          %shift_left3A_188 = vector.broadcast %shift_left3A_187 : i32 to vector<16xi32>
          %shift_left3A_189 = arith.shli %get3A_186, %shift_left3A_188 : vector<16xi32>
          %bitcast_convert_type3A_190 = tpu.bitcast %shift_left3A_189 : vector<16xi32> -> vector<16xf32>
          %and3A_191 = arith.constant -65536 : i32
          %and3A_192 = vector.broadcast %and3A_191 : i32 to vector<16xi32>
          %and3A_193 = arith.andi %get3A_186, %and3A_192 : vector<16xi32>
          %bitcast_convert_type3A_194 = tpu.bitcast %and3A_193 : vector<16xi32> -> vector<16xf32>
          %add3A_195 = arith.constant 200 : i32
          %add3A_196 = arith.addi %add3A_195, %add3A_154 : i32
          %get3A_197 = arith.index_cast %add3A_196 : i32 to index
          %get3A_198 = arith.constant 16 : index
          %get3A_199 = tpu.vector_load %arg6[%get3A_197, %get3A_198] {strides = array<i32>} : memref<408x64xi32, #tpu.memory_space<vmem>>, vector<1x16xi32>,
          %get3A_200 = vector.shape_cast %get3A_199 : vector<1x16xi32> to vector<16xi32>
          %shift_left3A_201 = arith.constant 16 : i32
          %shift_left3A_202 = vector.broadcast %shift_left3A_201 : i32 to vector<16xi32>
          %shift_left3A_203 = arith.shli %get3A_200, %shift_left3A_202 : vector<16xi32>
          %bitcast_convert_type3A_204 = tpu.bitcast %shift_left3A_203 : vector<16xi32> -> vector<16xf32>
          %and3A_205 = arith.constant -65536 : i32
          %and3A_206 = vector.broadcast %and3A_205 : i32 to vector<16xi32>
          %and3A_207 = arith.andi %get3A_200, %and3A_206 : vector<16xi32>
          %bitcast_convert_type3A_208 = tpu.bitcast %and3A_207 : vector<16xi32> -> vector<16xf32>
          %mul3A_209 = arith.mulf %bitcast_convert_type3A_190, %bitcast_convert_type3A_204 : vector<16xf32>
          %add3A_210 = arith.addf %add3A_182, %mul3A_209 : vector<16xf32>
          %mul3A_211 = arith.mulf %bitcast_convert_type3A_194, %bitcast_convert_type3A_208 : vector<16xf32>
          %add3A_212 = arith.addf %add3A_210, %mul3A_211 : vector<16xf32>
          %get3A_213 = arith.index_cast %add3A_154 : i32 to index
          %get3A_214 = arith.constant 32 : index
          %get3A_215 = tpu.vector_load %arg6[%get3A_213, %get3A_214] {strides = array<i32>} : memref<408x64xi32, #tpu.memory_space<vmem>>, vector<1x16xi32>,
          %get3A_216 = vector.shape_cast %get3A_215 : vector<1x16xi32> to vector<16xi32>
          %shift_left3A_217 = arith.constant 16 : i32
          %shift_left3A_218 = vector.broadcast %shift_left3A_217 : i32 to vector<16xi32>
          %shift_left3A_219 = arith.shli %get3A_216, %shift_left3A_218 : vector<16xi32>
          %bitcast_convert_type3A_220 = tpu.bitcast %shift_left3A_219 : vector<16xi32> -> vector<16xf32>
          %and3A_221 = arith.constant -65536 : i32
          %and3A_222 = vector.broadcast %and3A_221 : i32 to vector<16xi32>
          %and3A_223 = arith.andi %get3A_216, %and3A_222 : vector<16xi32>
          %bitcast_convert_type3A_224 = tpu.bitcast %and3A_223 : vector<16xi32> -> vector<16xf32>
          %add3A_225 = arith.constant 200 : i32
          %add3A_226 = arith.addi %add3A_225, %add3A_154 : i32
          %get3A_227 = arith.index_cast %add3A_226 : i32 to index
          %get3A_228 = arith.constant 32 : index
          %get3A_229 = tpu.vector_load %arg6[%get3A_227, %get3A_228] {strides = array<i32>} : memref<408x64xi32, #tpu.memory_space<vmem>>, vector<1x16xi32>,
          %get3A_230 = vector.shape_cast %get3A_229 : vector<1x16xi32> to vector<16xi32>
          %shift_left3A_231 = arith.constant 16 : i32
          %shift_left3A_232 = vector.broadcast %shift_left3A_231 : i32 to vector<16xi32>
          %shift_left3A_233 = arith.shli %get3A_230, %shift_left3A_232 : vector<16xi32>
          %bitcast_convert_type3A_234 = tpu.bitcast %shift_left3A_233 : vector<16xi32> -> vector<16xf32>
          %and3A_235 = arith.constant -65536 : i32
          %and3A_236 = vector.broadcast %and3A_235 : i32 to vector<16xi32>
          %and3A_237 = arith.andi %get3A_230, %and3A_236 : vector<16xi32>
          %bitcast_convert_type3A_238 = tpu.bitcast %and3A_237 : vector<16xi32> -> vector<16xf32>
          %mul3A_239 = arith.mulf %bitcast_convert_type3A_220, %bitcast_convert_type3A_234 : vector<16xf32>
          %add3A_240 = arith.addf %add3A_212, %mul3A_239 : vector<16xf32>
          %mul3A_241 = arith.mulf %bitcast_convert_type3A_224, %bitcast_convert_type3A_238 : vector<16xf32>
          %add3A_242 = arith.addf %add3A_240, %mul3A_241 : vector<16xf32>
          %get3A_243 = arith.index_cast %add3A_154 : i32 to index
          %get3A_244 = arith.constant 48 : index
          %get3A_245 = tpu.vector_load %arg6[%get3A_243, %get3A_244] {strides = array<i32>} : memref<408x64xi32, #tpu.memory_space<vmem>>, vector<1x16xi32>,
          %get3A_246 = vector.shape_cast %get3A_245 : vector<1x16xi32> to vector<16xi32>
          %shift_left3A_247 = arith.constant 16 : i32
          %shift_left3A_248 = vector.broadcast %shift_left3A_247 : i32 to vector<16xi32>
          %shift_left3A_249 = arith.shli %get3A_246, %shift_left3A_248 : vector<16xi32>
          %bitcast_convert_type3A_250 = tpu.bitcast %shift_left3A_249 : vector<16xi32> -> vector<16xf32>
          %and3A_251 = arith.constant -65536 : i32
          %and3A_252 = vector.broadcast %and3A_251 : i32 to vector<16xi32>
          %and3A_253 = arith.andi %get3A_246, %and3A_252 : vector<16xi32>
          %bitcast_convert_type3A_254 = tpu.bitcast %and3A_253 : vector<16xi32> -> vector<16xf32>
          %add3A_255 = arith.constant 200 : i32
          %add3A_256 = arith.addi %add3A_255, %add3A_154 : i32
          %get3A_257 = arith.index_cast %add3A_256 : i32 to index
          %get3A_258 = arith.constant 48 : index
          %get3A_259 = tpu.vector_load %arg6[%get3A_257, %get3A_258] {strides = array<i32>} : memref<408x64xi32, #tpu.memory_space<vmem>>, vector<1x16xi32>,
          %get3A_260 = vector.shape_cast %get3A_259 : vector<1x16xi32> to vector<16xi32>
          %shift_left3A_261 = arith.constant 16 : i32
          %shift_left3A_262 = vector.broadcast %shift_left3A_261 : i32 to vector<16xi32>
          %shift_left3A_263 = arith.shli %get3A_260, %shift_left3A_262 : vector<16xi32>
          %bitcast_convert_type3A_264 = tpu.bitcast %shift_left3A_263 : vector<16xi32> -> vector<16xf32>
          %and3A_265 = arith.constant -65536 : i32
          %and3A_266 = vector.broadcast %and3A_265 : i32 to vector<16xi32>
          %and3A_267 = arith.andi %get3A_260, %and3A_266 : vector<16xi32>
          %bitcast_convert_type3A_268 = tpu.bitcast %and3A_267 : vector<16xi32> -> vector<16xf32>
          %mul3A_269 = arith.mulf %bitcast_convert_type3A_250, %bitcast_convert_type3A_264 : vector<16xf32>
          %add3A_270 = arith.addf %add3A_242, %mul3A_269 : vector<16xf32>
          %mul3A_271 = arith.mulf %bitcast_convert_type3A_254, %bitcast_convert_type3A_268 : vector<16xf32>
          %add3A_272 = arith.addf %add3A_270, %mul3A_271 : vector<16xf32>
          %xor3A = arith.constant 8 : i32
          %xor3A_273 = vector.broadcast %xor3A : i32 to vector<16xi32>
          %xor3A_274 = arith.xori %iota3A, %xor3A_273 : vector<16xi32>
          %broadcast_in_dim3A_275 = vector.shape_cast %xor3A_274 : vector<16xi32> to vector<16x1xi32>
          %gather3A = vector.shape_cast %broadcast_in_dim3A_275 : vector<16x1xi32> to vector<16xi32>
          %gather3A_276 = tpu.dynamic_gather %add3A_272[%gather3A] in [0] : vector<16xf32>, vector<16xi32> -> vector<16xf32>
          %add3A_277 = arith.addf %add3A_272, %gather3A_276 : vector<16xf32>
          %xor3A_278 = arith.constant 4 : i32
          %xor3A_279 = vector.broadcast %xor3A_278 : i32 to vector<16xi32>
          %xor3A_280 = arith.xori %iota3A, %xor3A_279 : vector<16xi32>
          %broadcast_in_dim3A_281 = vector.shape_cast %xor3A_280 : vector<16xi32> to vector<16x1xi32>
          %gather3A_282 = vector.shape_cast %broadcast_in_dim3A_281 : vector<16x1xi32> to vector<16xi32>
          %gather3A_283 = tpu.dynamic_gather %add3A_277[%gather3A_282] in [0] : vector<16xf32>, vector<16xi32> -> vector<16xf32>
          %add3A_284 = arith.addf %add3A_277, %gather3A_283 : vector<16xf32>
          %xor3A_285 = arith.constant 2 : i32
          %xor3A_286 = vector.broadcast %xor3A_285 : i32 to vector<16xi32>
          %xor3A_287 = arith.xori %iota3A, %xor3A_286 : vector<16xi32>
          %broadcast_in_dim3A_288 = vector.shape_cast %xor3A_287 : vector<16xi32> to vector<16x1xi32>
          %gather3A_289 = vector.shape_cast %broadcast_in_dim3A_288 : vector<16x1xi32> to vector<16xi32>
          %gather3A_290 = tpu.dynamic_gather %add3A_284[%gather3A_289] in [0] : vector<16xf32>, vector<16xi32> -> vector<16xf32>
          %add3A_291 = arith.addf %add3A_284, %gather3A_290 : vector<16xf32>
          %xor3A_292 = arith.constant 1 : i32
          %xor3A_293 = vector.broadcast %xor3A_292 : i32 to vector<16xi32>
          %xor3A_294 = arith.xori %iota3A, %xor3A_293 : vector<16xi32>
          %broadcast_in_dim3A_295 = vector.shape_cast %xor3A_294 : vector<16xi32> to vector<16x1xi32>
          %gather3A_296 = vector.shape_cast %broadcast_in_dim3A_295 : vector<16x1xi32> to vector<16xi32>
          %gather3A_297 = tpu.dynamic_gather %add3A_291[%gather3A_296] in [0] : vector<16xf32>, vector<16xi32> -> vector<16xf32>
          %add3A_298 = arith.addf %add3A_291, %gather3A_297 : vector<16xf32>
          %mul3A_299 = arith.constant 8 : i32
          %mul3A_300 = arith.muli %scan3A_148, %mul3A_299 : i32
          %add3A_301 = arith.constant 0 : i32
          %add3A_302 = arith.addi %mul3A_300, %add3A_301 : i32
          %eq3A = vector.broadcast %add3A_302 : i32 to vector<16xi32>
          %eq3A_303 = arith.cmpi eq, %iota3A, %eq3A : vector<16xi32>
          %select_n3A = arith.select %eq3A_303, %add3A_298, %scan3A_149 : vector<16xi1>, vector<16xf32>
          %add3A_304 = arith.constant 1 : i32
          %add3A_305 = arith.addi %add3A_152, %add3A_304 : i32
          %broadcast_in_dim3A_306 = arith.constant 0.000000e+00 : f32
          %broadcast_in_dim3A_307 = vector.broadcast %broadcast_in_dim3A_306 : f32 to vector<16xf32>
          %get3A_308 = arith.index_cast %add3A_305 : i32 to index
          %get3A_309 = arith.constant 0 : index
          %get3A_310 = tpu.vector_load %arg6[%get3A_308, %get3A_309] {strides = array<i32>} : memref<408x64xi32, #tpu.memory_space<vmem>>, vector<1x16xi32>,
          %get3A_311 = vector.shape_cast %get3A_310 : vector<1x16xi32> to vector<16xi32>
          %shift_left3A_312 = arith.constant 16 : i32
          %shift_left3A_313 = vector.broadcast %shift_left3A_312 : i32 to vector<16xi32>
          %shift_left3A_314 = arith.shli %get3A_311, %shift_left3A_313 : vector<16xi32>
          %bitcast_convert_type3A_315 = tpu.bitcast %shift_left3A_314 : vector<16xi32> -> vector<16xf32>
          %and3A_316 = arith.constant -65536 : i32
          %and3A_317 = vector.broadcast %and3A_316 : i32 to vector<16xi32>
          %and3A_318 = arith.andi %get3A_311, %and3A_317 : vector<16xi32>
          %bitcast_convert_type3A_319 = tpu.bitcast %and3A_318 : vector<16xi32> -> vector<16xf32>
          %add3A_320 = arith.constant 200 : i32
          %add3A_321 = arith.addi %add3A_320, %add3A_305 : i32
          %get3A_322 = arith.index_cast %add3A_321 : i32 to index
          %get3A_323 = arith.constant 0 : index
          %get3A_324 = tpu.vector_load %arg6[%get3A_322, %get3A_323] {strides = array<i32>} : memref<408x64xi32, #tpu.memory_space<vmem>>, vector<1x16xi32>,
          %get3A_325 = vector.shape_cast %get3A_324 : vector<1x16xi32> to vector<16xi32>
          %shift_left3A_326 = arith.constant 16 : i32
          %shift_left3A_327 = vector.broadcast %shift_left3A_326 : i32 to vector<16xi32>
          %shift_left3A_328 = arith.shli %get3A_325, %shift_left3A_327 : vector<16xi32>
          %bitcast_convert_type3A_329 = tpu.bitcast %shift_left3A_328 : vector<16xi32> -> vector<16xf32>
          %and3A_330 = arith.constant -65536 : i32
          %and3A_331 = vector.broadcast %and3A_330 : i32 to vector<16xi32>
          %and3A_332 = arith.andi %get3A_325, %and3A_331 : vector<16xi32>
          %bitcast_convert_type3A_333 = tpu.bitcast %and3A_332 : vector<16xi32> -> vector<16xf32>
          %mul3A_334 = arith.mulf %bitcast_convert_type3A_315, %bitcast_convert_type3A_329 : vector<16xf32>
          %add3A_335 = arith.addf %broadcast_in_dim3A_307, %mul3A_334 : vector<16xf32>
          %mul3A_336 = arith.mulf %bitcast_convert_type3A_319, %bitcast_convert_type3A_333 : vector<16xf32>
          %add3A_337 = arith.addf %add3A_335, %mul3A_336 : vector<16xf32>
          %get3A_338 = arith.index_cast %add3A_305 : i32 to index
          %get3A_339 = arith.constant 16 : index
          %get3A_340 = tpu.vector_load %arg6[%get3A_338, %get3A_339] {strides = array<i32>} : memref<408x64xi32, #tpu.memory_space<vmem>>, vector<1x16xi32>,
          %get3A_341 = vector.shape_cast %get3A_340 : vector<1x16xi32> to vector<16xi32>
          %shift_left3A_342 = arith.constant 16 : i32
          %shift_left3A_343 = vector.broadcast %shift_left3A_342 : i32 to vector<16xi32>
          %shift_left3A_344 = arith.shli %get3A_341, %shift_left3A_343 : vector<16xi32>
          %bitcast_convert_type3A_345 = tpu.bitcast %shift_left3A_344 : vector<16xi32> -> vector<16xf32>
          %and3A_346 = arith.constant -65536 : i32
          %and3A_347 = vector.broadcast %and3A_346 : i32 to vector<16xi32>
          %and3A_348 = arith.andi %get3A_341, %and3A_347 : vector<16xi32>
          %bitcast_convert_type3A_349 = tpu.bitcast %and3A_348 : vector<16xi32> -> vector<16xf32>
          %add3A_350 = arith.constant 200 : i32
          %add3A_351 = arith.addi %add3A_350, %add3A_305 : i32
          %get3A_352 = arith.index_cast %add3A_351 : i32 to index
          %get3A_353 = arith.constant 16 : index
          %get3A_354 = tpu.vector_load %arg6[%get3A_352, %get3A_353] {strides = array<i32>} : memref<408x64xi32, #tpu.memory_space<vmem>>, vector<1x16xi32>,
          %get3A_355 = vector.shape_cast %get3A_354 : vector<1x16xi32> to vector<16xi32>
          %shift_left3A_356 = arith.constant 16 : i32
          %shift_left3A_357 = vector.broadcast %shift_left3A_356 : i32 to vector<16xi32>
          %shift_left3A_358 = arith.shli %get3A_355, %shift_left3A_357 : vector<16xi32>
          %bitcast_convert_type3A_359 = tpu.bitcast %shift_left3A_358 : vector<16xi32> -> vector<16xf32>
          %and3A_360 = arith.constant -65536 : i32
          %and3A_361 = vector.broadcast %and3A_360 : i32 to vector<16xi32>
          %and3A_362 = arith.andi %get3A_355, %and3A_361 : vector<16xi32>
          %bitcast_convert_type3A_363 = tpu.bitcast %and3A_362 : vector<16xi32> -> vector<16xf32>
          %mul3A_364 = arith.mulf %bitcast_convert_type3A_345, %bitcast_convert_type3A_359 : vector<16xf32>
          %add3A_365 = arith.addf %add3A_337, %mul3A_364 : vector<16xf32>
          %mul3A_366 = arith.mulf %bitcast_convert_type3A_349, %bitcast_convert_type3A_363 : vector<16xf32>
          %add3A_367 = arith.addf %add3A_365, %mul3A_366 : vector<16xf32>
          %get3A_368 = arith.index_cast %add3A_305 : i32 to index
          %get3A_369 = arith.constant 32 : index
          %get3A_370 = tpu.vector_load %arg6[%get3A_368, %get3A_369] {strides = array<i32>} : memref<408x64xi32, #tpu.memory_space<vmem>>, vector<1x16xi32>,
          %get3A_371 = vector.shape_cast %get3A_370 : vector<1x16xi32> to vector<16xi32>
          %shift_left3A_372 = arith.constant 16 : i32
          %shift_left3A_373 = vector.broadcast %shift_left3A_372 : i32 to vector<16xi32>
          %shift_left3A_374 = arith.shli %get3A_371, %shift_left3A_373 : vector<16xi32>
          %bitcast_convert_type3A_375 = tpu.bitcast %shift_left3A_374 : vector<16xi32> -> vector<16xf32>
          %and3A_376 = arith.constant -65536 : i32
          %and3A_377 = vector.broadcast %and3A_376 : i32 to vector<16xi32>
          %and3A_378 = arith.andi %get3A_371, %and3A_377 : vector<16xi32>
          %bitcast_convert_type3A_379 = tpu.bitcast %and3A_378 : vector<16xi32> -> vector<16xf32>
          %add3A_380 = arith.constant 200 : i32
          %add3A_381 = arith.addi %add3A_380, %add3A_305 : i32
          %get3A_382 = arith.index_cast %add3A_381 : i32 to index
          %get3A_383 = arith.constant 32 : index
          %get3A_384 = tpu.vector_load %arg6[%get3A_382, %get3A_383] {strides = array<i32>} : memref<408x64xi32, #tpu.memory_space<vmem>>, vector<1x16xi32>,
          %get3A_385 = vector.shape_cast %get3A_384 : vector<1x16xi32> to vector<16xi32>
          %shift_left3A_386 = arith.constant 16 : i32
          %shift_left3A_387 = vector.broadcast %shift_left3A_386 : i32 to vector<16xi32>
          %shift_left3A_388 = arith.shli %get3A_385, %shift_left3A_387 : vector<16xi32>
          %bitcast_convert_type3A_389 = tpu.bitcast %shift_left3A_388 : vector<16xi32> -> vector<16xf32>
          %and3A_390 = arith.constant -65536 : i32
          %and3A_391 = vector.broadcast %and3A_390 : i32 to vector<16xi32>
          %and3A_392 = arith.andi %get3A_385, %and3A_391 : vector<16xi32>
          %bitcast_convert_type3A_393 = tpu.bitcast %and3A_392 : vector<16xi32> -> vector<16xf32>
          %mul3A_394 = arith.mulf %bitcast_convert_type3A_375, %bitcast_convert_type3A_389 : vector<16xf32>
          %add3A_395 = arith.addf %add3A_367, %mul3A_394 : vector<16xf32>
          %mul3A_396 = arith.mulf %bitcast_convert_type3A_379, %bitcast_convert_type3A_393 : vector<16xf32>
          %add3A_397 = arith.addf %add3A_395, %mul3A_396 : vector<16xf32>
          %get3A_398 = arith.index_cast %add3A_305 : i32 to index
          %get3A_399 = arith.constant 48 : index
          %get3A_400 = tpu.vector_load %arg6[%get3A_398, %get3A_399] {strides = array<i32>} : memref<408x64xi32, #tpu.memory_space<vmem>>, vector<1x16xi32>,
          %get3A_401 = vector.shape_cast %get3A_400 : vector<1x16xi32> to vector<16xi32>
          %shift_left3A_402 = arith.constant 16 : i32
          %shift_left3A_403 = vector.broadcast %shift_left3A_402 : i32 to vector<16xi32>
          %shift_left3A_404 = arith.shli %get3A_401, %shift_left3A_403 : vector<16xi32>
          %bitcast_convert_type3A_405 = tpu.bitcast %shift_left3A_404 : vector<16xi32> -> vector<16xf32>
          %and3A_406 = arith.constant -65536 : i32
          %and3A_407 = vector.broadcast %and3A_406 : i32 to vector<16xi32>
          %and3A_408 = arith.andi %get3A_401, %and3A_407 : vector<16xi32>
          %bitcast_convert_type3A_409 = tpu.bitcast %and3A_408 : vector<16xi32> -> vector<16xf32>
          %add3A_410 = arith.constant 200 : i32
          %add3A_411 = arith.addi %add3A_410, %add3A_305 : i32
          %get3A_412 = arith.index_cast %add3A_411 : i32 to index
          %get3A_413 = arith.constant 48 : index
          %get3A_414 = tpu.vector_load %arg6[%get3A_412, %get3A_413] {strides = array<i32>} : memref<408x64xi32, #tpu.memory_space<vmem>>, vector<1x16xi32>,
          %get3A_415 = vector.shape_cast %get3A_414 : vector<1x16xi32> to vector<16xi32>
          %shift_left3A_416 = arith.constant 16 : i32
          %shift_left3A_417 = vector.broadcast %shift_left3A_416 : i32 to vector<16xi32>
          %shift_left3A_418 = arith.shli %get3A_415, %shift_left3A_417 : vector<16xi32>
          %bitcast_convert_type3A_419 = tpu.bitcast %shift_left3A_418 : vector<16xi32> -> vector<16xf32>
          %and3A_420 = arith.constant -65536 : i32
          %and3A_421 = vector.broadcast %and3A_420 : i32 to vector<16xi32>
          %and3A_422 = arith.andi %get3A_415, %and3A_421 : vector<16xi32>
          %bitcast_convert_type3A_423 = tpu.bitcast %and3A_422 : vector<16xi32> -> vector<16xf32>
          %mul3A_424 = arith.mulf %bitcast_convert_type3A_405, %bitcast_convert_type3A_419 : vector<16xf32>
          %add3A_425 = arith.addf %add3A_397, %mul3A_424 : vector<16xf32>
          %mul3A_426 = arith.mulf %bitcast_convert_type3A_409, %bitcast_convert_type3A_423 : vector<16xf32>
          %add3A_427 = arith.addf %add3A_425, %mul3A_426 : vector<16xf32>
          %xor3A_428 = arith.constant 8 : i32
          %xor3A_429 = vector.broadcast %xor3A_428 : i32 to vector<16xi32>
          %xor3A_430 = arith.xori %iota3A, %xor3A_429 : vector<16xi32>
          %broadcast_in_dim3A_431 = vector.shape_cast %xor3A_430 : vector<16xi32> to vector<16x1xi32>
          %gather3A_432 = vector.shape_cast %broadcast_in_dim3A_431 : vector<16x1xi32> to vector<16xi32>
          %gather3A_433 = tpu.dynamic_gather %add3A_427[%gather3A_432] in [0] : vector<16xf32>, vector<16xi32> -> vector<16xf32>
          %add3A_434 = arith.addf %add3A_427, %gather3A_433 : vector<16xf32>
          %xor3A_435 = arith.constant 4 : i32
          %xor3A_436 = vector.broadcast %xor3A_435 : i32 to vector<16xi32>
          %xor3A_437 = arith.xori %iota3A, %xor3A_436 : vector<16xi32>
          %broadcast_in_dim3A_438 = vector.shape_cast %xor3A_437 : vector<16xi32> to vector<16x1xi32>
          %gather3A_439 = vector.shape_cast %broadcast_in_dim3A_438 : vector<16x1xi32> to vector<16xi32>
          %gather3A_440 = tpu.dynamic_gather %add3A_434[%gather3A_439] in [0] : vector<16xf32>, vector<16xi32> -> vector<16xf32>
          %add3A_441 = arith.addf %add3A_434, %gather3A_440 : vector<16xf32>
          %xor3A_442 = arith.constant 2 : i32
          %xor3A_443 = vector.broadcast %xor3A_442 : i32 to vector<16xi32>
          %xor3A_444 = arith.xori %iota3A, %xor3A_443 : vector<16xi32>
          %broadcast_in_dim3A_445 = vector.shape_cast %xor3A_444 : vector<16xi32> to vector<16x1xi32>
          %gather3A_446 = vector.shape_cast %broadcast_in_dim3A_445 : vector<16x1xi32> to vector<16xi32>
          %gather3A_447 = tpu.dynamic_gather %add3A_441[%gather3A_446] in [0] : vector<16xf32>, vector<16xi32> -> vector<16xf32>
          %add3A_448 = arith.addf %add3A_441, %gather3A_447 : vector<16xf32>
          %xor3A_449 = arith.constant 1 : i32
          %xor3A_450 = vector.broadcast %xor3A_449 : i32 to vector<16xi32>
          %xor3A_451 = arith.xori %iota3A, %xor3A_450 : vector<16xi32>
          %broadcast_in_dim3A_452 = vector.shape_cast %xor3A_451 : vector<16xi32> to vector<16x1xi32>
          %gather3A_453 = vector.shape_cast %broadcast_in_dim3A_452 : vector<16x1xi32> to vector<16xi32>
          %gather3A_454 = tpu.dynamic_gather %add3A_448[%gather3A_453] in [0] : vector<16xf32>, vector<16xi32> -> vector<16xf32>
          %add3A_455 = arith.addf %add3A_448, %gather3A_454 : vector<16xf32>
          %mul3A_456 = arith.constant 8 : i32
          %mul3A_457 = arith.muli %scan3A_148, %mul3A_456 : i32
          %add3A_458 = arith.constant 1 : i32
          %add3A_459 = arith.addi %mul3A_457, %add3A_458 : i32
          %eq3A_460 = vector.broadcast %add3A_459 : i32 to vector<16xi32>
          %eq3A_461 = arith.cmpi eq, %iota3A, %eq3A_460 : vector<16xi32>
          %select_n3A_462 = arith.select %eq3A_461, %add3A_455, %select_n3A : vector<16xi1>, vector<16xf32>
          %add3A_463 = arith.constant 2 : i32
          %add3A_464 = arith.addi %add3A_152, %add3A_463 : i32
          %broadcast_in_dim3A_465 = arith.constant 0.000000e+00 : f32
          %broadcast_in_dim3A_466 = vector.broadcast %broadcast_in_dim3A_465 : f32 to vector<16xf32>
          %get3A_467 = arith.index_cast %add3A_464 : i32 to index
          %get3A_468 = arith.constant 0 : index
          %get3A_469 = tpu.vector_load %arg6[%get3A_467, %get3A_468] {strides = array<i32>} : memref<408x64xi32, #tpu.memory_space<vmem>>, vector<1x16xi32>,
          %get3A_470 = vector.shape_cast %get3A_469 : vector<1x16xi32> to vector<16xi32>
          %shift_left3A_471 = arith.constant 16 : i32
          %shift_left3A_472 = vector.broadcast %shift_left3A_471 : i32 to vector<16xi32>
          %shift_left3A_473 = arith.shli %get3A_470, %shift_left3A_472 : vector<16xi32>
          %bitcast_convert_type3A_474 = tpu.bitcast %shift_left3A_473 : vector<16xi32> -> vector<16xf32>
          %and3A_475 = arith.constant -65536 : i32
          %and3A_476 = vector.broadcast %and3A_475 : i32 to vector<16xi32>
          %and3A_477 = arith.andi %get3A_470, %and3A_476 : vector<16xi32>
          %bitcast_convert_type3A_478 = tpu.bitcast %and3A_477 : vector<16xi32> -> vector<16xf32>
          %add3A_479 = arith.constant 200 : i32
          %add3A_480 = arith.addi %add3A_479, %add3A_464 : i32
          %get3A_481 = arith.index_cast %add3A_480 : i32 to index
          %get3A_482 = arith.constant 0 : index
          %get3A_483 = tpu.vector_load %arg6[%get3A_481, %get3A_482] {strides = array<i32>} : memref<408x64xi32, #tpu.memory_space<vmem>>, vector<1x16xi32>,
          %get3A_484 = vector.shape_cast %get3A_483 : vector<1x16xi32> to vector<16xi32>
          %shift_left3A_485 = arith.constant 16 : i32
          %shift_left3A_486 = vector.broadcast %shift_left3A_485 : i32 to vector<16xi32>
          %shift_left3A_487 = arith.shli %get3A_484, %shift_left3A_486 : vector<16xi32>
          %bitcast_convert_type3A_488 = tpu.bitcast %shift_left3A_487 : vector<16xi32> -> vector<16xf32>
          %and3A_489 = arith.constant -65536 : i32
          %and3A_490 = vector.broadcast %and3A_489 : i32 to vector<16xi32>
          %and3A_491 = arith.andi %get3A_484, %and3A_490 : vector<16xi32>
          %bitcast_convert_type3A_492 = tpu.bitcast %and3A_491 : vector<16xi32> -> vector<16xf32>
          %mul3A_493 = arith.mulf %bitcast_convert_type3A_474, %bitcast_convert_type3A_488 : vector<16xf32>
          %add3A_494 = arith.addf %broadcast_in_dim3A_466, %mul3A_493 : vector<16xf32>
          %mul3A_495 = arith.mulf %bitcast_convert_type3A_478, %bitcast_convert_type3A_492 : vector<16xf32>
          %add3A_496 = arith.addf %add3A_494, %mul3A_495 : vector<16xf32>
          %get3A_497 = arith.index_cast %add3A_464 : i32 to index
          %get3A_498 = arith.constant 16 : index
          %get3A_499 = tpu.vector_load %arg6[%get3A_497, %get3A_498] {strides = array<i32>} : memref<408x64xi32, #tpu.memory_space<vmem>>, vector<1x16xi32>,
          %get3A_500 = vector.shape_cast %get3A_499 : vector<1x16xi32> to vector<16xi32>
          %shift_left3A_501 = arith.constant 16 : i32
          %shift_left3A_502 = vector.broadcast %shift_left3A_501 : i32 to vector<16xi32>
          %shift_left3A_503 = arith.shli %get3A_500, %shift_left3A_502 : vector<16xi32>
          %bitcast_convert_type3A_504 = tpu.bitcast %shift_left3A_503 : vector<16xi32> -> vector<16xf32>
          %and3A_505 = arith.constant -65536 : i32
          %and3A_506 = vector.broadcast %and3A_505 : i32 to vector<16xi32>
          %and3A_507 = arith.andi %get3A_500, %and3A_506 : vector<16xi32>
          %bitcast_convert_type3A_508 = tpu.bitcast %and3A_507 : vector<16xi32> -> vector<16xf32>
          %add3A_509 = arith.constant 200 : i32
          %add3A_510 = arith.addi %add3A_509, %add3A_464 : i32
          %get3A_511 = arith.index_cast %add3A_510 : i32 to index
          %get3A_512 = arith.constant 16 : index
          %get3A_513 = tpu.vector_load %arg6[%get3A_511, %get3A_512] {strides = array<i32>} : memref<408x64xi32, #tpu.memory_space<vmem>>, vector<1x16xi32>,
          %get3A_514 = vector.shape_cast %get3A_513 : vector<1x16xi32> to vector<16xi32>
          %shift_left3A_515 = arith.constant 16 : i32
          %shift_left3A_516 = vector.broadcast %shift_left3A_515 : i32 to vector<16xi32>
          %shift_left3A_517 = arith.shli %get3A_514, %shift_left3A_516 : vector<16xi32>
          %bitcast_convert_type3A_518 = tpu.bitcast %shift_left3A_517 : vector<16xi32> -> vector<16xf32>
          %and3A_519 = arith.constant -65536 : i32
          %and3A_520 = vector.broadcast %and3A_519 : i32 to vector<16xi32>
          %and3A_521 = arith.andi %get3A_514, %and3A_520 : vector<16xi32>
          %bitcast_convert_type3A_522 = tpu.bitcast %and3A_521 : vector<16xi32> -> vector<16xf32>
          %mul3A_523 = arith.mulf %bitcast_convert_type3A_504, %bitcast_convert_type3A_518 : vector<16xf32>
          %add3A_524 = arith.addf %add3A_496, %mul3A_523 : vector<16xf32>
          %mul3A_525 = arith.mulf %bitcast_convert_type3A_508, %bitcast_convert_type3A_522 : vector<16xf32>
          %add3A_526 = arith.addf %add3A_524, %mul3A_525 : vector<16xf32>
          %get3A_527 = arith.index_cast %add3A_464 : i32 to index
          %get3A_528 = arith.constant 32 : index
          %get3A_529 = tpu.vector_load %arg6[%get3A_527, %get3A_528] {strides = array<i32>} : memref<408x64xi32, #tpu.memory_space<vmem>>, vector<1x16xi32>,
          %get3A_530 = vector.shape_cast %get3A_529 : vector<1x16xi32> to vector<16xi32>
          %shift_left3A_531 = arith.constant 16 : i32
          %shift_left3A_532 = vector.broadcast %shift_left3A_531 : i32 to vector<16xi32>
          %shift_left3A_533 = arith.shli %get3A_530, %shift_left3A_532 : vector<16xi32>
          %bitcast_convert_type3A_534 = tpu.bitcast %shift_left3A_533 : vector<16xi32> -> vector<16xf32>
          %and3A_535 = arith.constant -65536 : i32
          %and3A_536 = vector.broadcast %and3A_535 : i32 to vector<16xi32>
          %and3A_537 = arith.andi %get3A_530, %and3A_536 : vector<16xi32>
          %bitcast_convert_type3A_538 = tpu.bitcast %and3A_537 : vector<16xi32> -> vector<16xf32>
          %add3A_539 = arith.constant 200 : i32
          %add3A_540 = arith.addi %add3A_539, %add3A_464 : i32
          %get3A_541 = arith.index_cast %add3A_540 : i32 to index
          %get3A_542 = arith.constant 32 : index
          %get3A_543 = tpu.vector_load %arg6[%get3A_541, %get3A_542] {strides = array<i32>} : memref<408x64xi32, #tpu.memory_space<vmem>>, vector<1x16xi32>,
          %get3A_544 = vector.shape_cast %get3A_543 : vector<1x16xi32> to vector<16xi32>
          %shift_left3A_545 = arith.constant 16 : i32
          %shift_left3A_546 = vector.broadcast %shift_left3A_545 : i32 to vector<16xi32>
          %shift_left3A_547 = arith.shli %get3A_544, %shift_left3A_546 : vector<16xi32>
          %bitcast_convert_type3A_548 = tpu.bitcast %shift_left3A_547 : vector<16xi32> -> vector<16xf32>
          %and3A_549 = arith.constant -65536 : i32
          %and3A_550 = vector.broadcast %and3A_549 : i32 to vector<16xi32>
          %and3A_551 = arith.andi %get3A_544, %and3A_550 : vector<16xi32>
          %bitcast_convert_type3A_552 = tpu.bitcast %and3A_551 : vector<16xi32> -> vector<16xf32>
          %mul3A_553 = arith.mulf %bitcast_convert_type3A_534, %bitcast_convert_type3A_548 : vector<16xf32>
          %add3A_554 = arith.addf %add3A_526, %mul3A_553 : vector<16xf32>
          %mul3A_555 = arith.mulf %bitcast_convert_type3A_538, %bitcast_convert_type3A_552 : vector<16xf32>
          %add3A_556 = arith.addf %add3A_554, %mul3A_555 : vector<16xf32>
          %get3A_557 = arith.index_cast %add3A_464 : i32 to index
          %get3A_558 = arith.constant 48 : index
          %get3A_559 = tpu.vector_load %arg6[%get3A_557, %get3A_558] {strides = array<i32>} : memref<408x64xi32, #tpu.memory_space<vmem>>, vector<1x16xi32>,
          %get3A_560 = vector.shape_cast %get3A_559 : vector<1x16xi32> to vector<16xi32>
          %shift_left3A_561 = arith.constant 16 : i32
          %shift_left3A_562 = vector.broadcast %shift_left3A_561 : i32 to vector<16xi32>
          %shift_left3A_563 = arith.shli %get3A_560, %shift_left3A_562 : vector<16xi32>
          %bitcast_convert_type3A_564 = tpu.bitcast %shift_left3A_563 : vector<16xi32> -> vector<16xf32>
          %and3A_565 = arith.constant -65536 : i32
          %and3A_566 = vector.broadcast %and3A_565 : i32 to vector<16xi32>
          %and3A_567 = arith.andi %get3A_560, %and3A_566 : vector<16xi32>
          %bitcast_convert_type3A_568 = tpu.bitcast %and3A_567 : vector<16xi32> -> vector<16xf32>
          %add3A_569 = arith.constant 200 : i32
          %add3A_570 = arith.addi %add3A_569, %add3A_464 : i32
          %get3A_571 = arith.index_cast %add3A_570 : i32 to index
          %get3A_572 = arith.constant 48 : index
          %get3A_573 = tpu.vector_load %arg6[%get3A_571, %get3A_572] {strides = array<i32>} : memref<408x64xi32, #tpu.memory_space<vmem>>, vector<1x16xi32>,
          %get3A_574 = vector.shape_cast %get3A_573 : vector<1x16xi32> to vector<16xi32>
          %shift_left3A_575 = arith.constant 16 : i32
          %shift_left3A_576 = vector.broadcast %shift_left3A_575 : i32 to vector<16xi32>
          %shift_left3A_577 = arith.shli %get3A_574, %shift_left3A_576 : vector<16xi32>
          %bitcast_convert_type3A_578 = tpu.bitcast %shift_left3A_577 : vector<16xi32> -> vector<16xf32>
          %and3A_579 = arith.constant -65536 : i32
          %and3A_580 = vector.broadcast %and3A_579 : i32 to vector<16xi32>
          %and3A_581 = arith.andi %get3A_574, %and3A_580 : vector<16xi32>
          %bitcast_convert_type3A_582 = tpu.bitcast %and3A_581 : vector<16xi32> -> vector<16xf32>
          %mul3A_583 = arith.mulf %bitcast_convert_type3A_564, %bitcast_convert_type3A_578 : vector<16xf32>
          %add3A_584 = arith.addf %add3A_556, %mul3A_583 : vector<16xf32>
          %mul3A_585 = arith.mulf %bitcast_convert_type3A_568, %bitcast_convert_type3A_582 : vector<16xf32>
          %add3A_586 = arith.addf %add3A_584, %mul3A_585 : vector<16xf32>
          %xor3A_587 = arith.constant 8 : i32
          %xor3A_588 = vector.broadcast %xor3A_587 : i32 to vector<16xi32>
          %xor3A_589 = arith.xori %iota3A, %xor3A_588 : vector<16xi32>
          %broadcast_in_dim3A_590 = vector.shape_cast %xor3A_589 : vector<16xi32> to vector<16x1xi32>
          %gather3A_591 = vector.shape_cast %broadcast_in_dim3A_590 : vector<16x1xi32> to vector<16xi32>
          %gather3A_592 = tpu.dynamic_gather %add3A_586[%gather3A_591] in [0] : vector<16xf32>, vector<16xi32> -> vector<16xf32>
          %add3A_593 = arith.addf %add3A_586, %gather3A_592 : vector<16xf32>
          %xor3A_594 = arith.constant 4 : i32
          %xor3A_595 = vector.broadcast %xor3A_594 : i32 to vector<16xi32>
          %xor3A_596 = arith.xori %iota3A, %xor3A_595 : vector<16xi32>
          %broadcast_in_dim3A_597 = vector.shape_cast %xor3A_596 : vector<16xi32> to vector<16x1xi32>
          %gather3A_598 = vector.shape_cast %broadcast_in_dim3A_597 : vector<16x1xi32> to vector<16xi32>
          %gather3A_599 = tpu.dynamic_gather %add3A_593[%gather3A_598] in [0] : vector<16xf32>, vector<16xi32> -> vector<16xf32>
          %add3A_600 = arith.addf %add3A_593, %gather3A_599 : vector<16xf32>
          %xor3A_601 = arith.constant 2 : i32
          %xor3A_602 = vector.broadcast %xor3A_601 : i32 to vector<16xi32>
          %xor3A_603 = arith.xori %iota3A, %xor3A_602 : vector<16xi32>
          %broadcast_in_dim3A_604 = vector.shape_cast %xor3A_603 : vector<16xi32> to vector<16x1xi32>
          %gather3A_605 = vector.shape_cast %broadcast_in_dim3A_604 : vector<16x1xi32> to vector<16xi32>
          %gather3A_606 = tpu.dynamic_gather %add3A_600[%gather3A_605] in [0] : vector<16xf32>, vector<16xi32> -> vector<16xf32>
          %add3A_607 = arith.addf %add3A_600, %gather3A_606 : vector<16xf32>
          %xor3A_608 = arith.constant 1 : i32
          %xor3A_609 = vector.broadcast %xor3A_608 : i32 to vector<16xi32>
          %xor3A_610 = arith.xori %iota3A, %xor3A_609 : vector<16xi32>
          %broadcast_in_dim3A_611 = vector.shape_cast %xor3A_610 : vector<16xi32> to vector<16x1xi32>
          %gather3A_612 = vector.shape_cast %broadcast_in_dim3A_611 : vector<16x1xi32> to vector<16xi32>
          %gather3A_613 = tpu.dynamic_gather %add3A_607[%gather3A_612] in [0] : vector<16xf32>, vector<16xi32> -> vector<16xf32>
          %add3A_614 = arith.addf %add3A_607, %gather3A_613 : vector<16xf32>
          %mul3A_615 = arith.constant 8 : i32
          %mul3A_616 = arith.muli %scan3A_148, %mul3A_615 : i32
          %add3A_617 = arith.constant 2 : i32
          %add3A_618 = arith.addi %mul3A_616, %add3A_617 : i32
          %eq3A_619 = vector.broadcast %add3A_618 : i32 to vector<16xi32>
          %eq3A_620 = arith.cmpi eq, %iota3A, %eq3A_619 : vector<16xi32>
          %select_n3A_621 = arith.select %eq3A_620, %add3A_614, %select_n3A_462 : vector<16xi1>, vector<16xf32>
          %add3A_622 = arith.constant 3 : i32
          %add3A_623 = arith.addi %add3A_152, %add3A_622 : i32
          %broadcast_in_dim3A_624 = arith.constant 0.000000e+00 : f32
          %broadcast_in_dim3A_625 = vector.broadcast %broadcast_in_dim3A_624 : f32 to vector<16xf32>
          %get3A_626 = arith.index_cast %add3A_623 : i32 to index
          %get3A_627 = arith.constant 0 : index
          %get3A_628 = tpu.vector_load %arg6[%get3A_626, %get3A_627] {strides = array<i32>} : memref<408x64xi32, #tpu.memory_space<vmem>>, vector<1x16xi32>,
          %get3A_629 = vector.shape_cast %get3A_628 : vector<1x16xi32> to vector<16xi32>
          %shift_left3A_630 = arith.constant 16 : i32
          %shift_left3A_631 = vector.broadcast %shift_left3A_630 : i32 to vector<16xi32>
          %shift_left3A_632 = arith.shli %get3A_629, %shift_left3A_631 : vector<16xi32>
          %bitcast_convert_type3A_633 = tpu.bitcast %shift_left3A_632 : vector<16xi32> -> vector<16xf32>
          %and3A_634 = arith.constant -65536 : i32
          %and3A_635 = vector.broadcast %and3A_634 : i32 to vector<16xi32>
          %and3A_636 = arith.andi %get3A_629, %and3A_635 : vector<16xi32>
          %bitcast_convert_type3A_637 = tpu.bitcast %and3A_636 : vector<16xi32> -> vector<16xf32>
          %add3A_638 = arith.constant 200 : i32
          %add3A_639 = arith.addi %add3A_638, %add3A_623 : i32
          %get3A_640 = arith.index_cast %add3A_639 : i32 to index
          %get3A_641 = arith.constant 0 : index
          %get3A_642 = tpu.vector_load %arg6[%get3A_640, %get3A_641] {strides = array<i32>} : memref<408x64xi32, #tpu.memory_space<vmem>>, vector<1x16xi32>,
          %get3A_643 = vector.shape_cast %get3A_642 : vector<1x16xi32> to vector<16xi32>
          %shift_left3A_644 = arith.constant 16 : i32
          %shift_left3A_645 = vector.broadcast %shift_left3A_644 : i32 to vector<16xi32>
          %shift_left3A_646 = arith.shli %get3A_643, %shift_left3A_645 : vector<16xi32>
          %bitcast_convert_type3A_647 = tpu.bitcast %shift_left3A_646 : vector<16xi32> -> vector<16xf32>
          %and3A_648 = arith.constant -65536 : i32
          %and3A_649 = vector.broadcast %and3A_648 : i32 to vector<16xi32>
          %and3A_650 = arith.andi %get3A_643, %and3A_649 : vector<16xi32>
          %bitcast_convert_type3A_651 = tpu.bitcast %and3A_650 : vector<16xi32> -> vector<16xf32>
          %mul3A_652 = arith.mulf %bitcast_convert_type3A_633, %bitcast_convert_type3A_647 : vector<16xf32>
          %add3A_653 = arith.addf %broadcast_in_dim3A_625, %mul3A_652 : vector<16xf32>
          %mul3A_654 = arith.mulf %bitcast_convert_type3A_637, %bitcast_convert_type3A_651 : vector<16xf32>
          %add3A_655 = arith.addf %add3A_653, %mul3A_654 : vector<16xf32>
          %get3A_656 = arith.index_cast %add3A_623 : i32 to index
          %get3A_657 = arith.constant 16 : index
          %get3A_658 = tpu.vector_load %arg6[%get3A_656, %get3A_657] {strides = array<i32>} : memref<408x64xi32, #tpu.memory_space<vmem>>, vector<1x16xi32>,
          %get3A_659 = vector.shape_cast %get3A_658 : vector<1x16xi32> to vector<16xi32>
          %shift_left3A_660 = arith.constant 16 : i32
          %shift_left3A_661 = vector.broadcast %shift_left3A_660 : i32 to vector<16xi32>
          %shift_left3A_662 = arith.shli %get3A_659, %shift_left3A_661 : vector<16xi32>
          %bitcast_convert_type3A_663 = tpu.bitcast %shift_left3A_662 : vector<16xi32> -> vector<16xf32>
          %and3A_664 = arith.constant -65536 : i32
          %and3A_665 = vector.broadcast %and3A_664 : i32 to vector<16xi32>
          %and3A_666 = arith.andi %get3A_659, %and3A_665 : vector<16xi32>
          %bitcast_convert_type3A_667 = tpu.bitcast %and3A_666 : vector<16xi32> -> vector<16xf32>
          %add3A_668 = arith.constant 200 : i32
          %add3A_669 = arith.addi %add3A_668, %add3A_623 : i32
          %get3A_670 = arith.index_cast %add3A_669 : i32 to index
          %get3A_671 = arith.constant 16 : index
          %get3A_672 = tpu.vector_load %arg6[%get3A_670, %get3A_671] {strides = array<i32>} : memref<408x64xi32, #tpu.memory_space<vmem>>, vector<1x16xi32>,
          %get3A_673 = vector.shape_cast %get3A_672 : vector<1x16xi32> to vector<16xi32>
          %shift_left3A_674 = arith.constant 16 : i32
          %shift_left3A_675 = vector.broadcast %shift_left3A_674 : i32 to vector<16xi32>
          %shift_left3A_676 = arith.shli %get3A_673, %shift_left3A_675 : vector<16xi32>
          %bitcast_convert_type3A_677 = tpu.bitcast %shift_left3A_676 : vector<16xi32> -> vector<16xf32>
          %and3A_678 = arith.constant -65536 : i32
          %and3A_679 = vector.broadcast %and3A_678 : i32 to vector<16xi32>
          %and3A_680 = arith.andi %get3A_673, %and3A_679 : vector<16xi32>
          %bitcast_convert_type3A_681 = tpu.bitcast %and3A_680 : vector<16xi32> -> vector<16xf32>
          %mul3A_682 = arith.mulf %bitcast_convert_type3A_663, %bitcast_convert_type3A_677 : vector<16xf32>
          %add3A_683 = arith.addf %add3A_655, %mul3A_682 : vector<16xf32>
          %mul3A_684 = arith.mulf %bitcast_convert_type3A_667, %bitcast_convert_type3A_681 : vector<16xf32>
          %add3A_685 = arith.addf %add3A_683, %mul3A_684 : vector<16xf32>
          %get3A_686 = arith.index_cast %add3A_623 : i32 to index
          %get3A_687 = arith.constant 32 : index
          %get3A_688 = tpu.vector_load %arg6[%get3A_686, %get3A_687] {strides = array<i32>} : memref<408x64xi32, #tpu.memory_space<vmem>>, vector<1x16xi32>,
          %get3A_689 = vector.shape_cast %get3A_688 : vector<1x16xi32> to vector<16xi32>
          %shift_left3A_690 = arith.constant 16 : i32
          %shift_left3A_691 = vector.broadcast %shift_left3A_690 : i32 to vector<16xi32>
          %shift_left3A_692 = arith.shli %get3A_689, %shift_left3A_691 : vector<16xi32>
          %bitcast_convert_type3A_693 = tpu.bitcast %shift_left3A_692 : vector<16xi32> -> vector<16xf32>
          %and3A_694 = arith.constant -65536 : i32
          %and3A_695 = vector.broadcast %and3A_694 : i32 to vector<16xi32>
          %and3A_696 = arith.andi %get3A_689, %and3A_695 : vector<16xi32>
          %bitcast_convert_type3A_697 = tpu.bitcast %and3A_696 : vector<16xi32> -> vector<16xf32>
          %add3A_698 = arith.constant 200 : i32
          %add3A_699 = arith.addi %add3A_698, %add3A_623 : i32
          %get3A_700 = arith.index_cast %add3A_699 : i32 to index
          %get3A_701 = arith.constant 32 : index
          %get3A_702 = tpu.vector_load %arg6[%get3A_700, %get3A_701] {strides = array<i32>} : memref<408x64xi32, #tpu.memory_space<vmem>>, vector<1x16xi32>,
          %get3A_703 = vector.shape_cast %get3A_702 : vector<1x16xi32> to vector<16xi32>
          %shift_left3A_704 = arith.constant 16 : i32
          %shift_left3A_705 = vector.broadcast %shift_left3A_704 : i32 to vector<16xi32>
          %shift_left3A_706 = arith.shli %get3A_703, %shift_left3A_705 : vector<16xi32>
          %bitcast_convert_type3A_707 = tpu.bitcast %shift_left3A_706 : vector<16xi32> -> vector<16xf32>
          %and3A_708 = arith.constant -65536 : i32
          %and3A_709 = vector.broadcast %and3A_708 : i32 to vector<16xi32>
          %and3A_710 = arith.andi %get3A_703, %and3A_709 : vector<16xi32>
          %bitcast_convert_type3A_711 = tpu.bitcast %and3A_710 : vector<16xi32> -> vector<16xf32>
          %mul3A_712 = arith.mulf %bitcast_convert_type3A_693, %bitcast_convert_type3A_707 : vector<16xf32>
          %add3A_713 = arith.addf %add3A_685, %mul3A_712 : vector<16xf32>
          %mul3A_714 = arith.mulf %bitcast_convert_type3A_697, %bitcast_convert_type3A_711 : vector<16xf32>
          %add3A_715 = arith.addf %add3A_713, %mul3A_714 : vector<16xf32>
          %get3A_716 = arith.index_cast %add3A_623 : i32 to index
          %get3A_717 = arith.constant 48 : index
          %get3A_718 = tpu.vector_load %arg6[%get3A_716, %get3A_717] {strides = array<i32>} : memref<408x64xi32, #tpu.memory_space<vmem>>, vector<1x16xi32>,
          %get3A_719 = vector.shape_cast %get3A_718 : vector<1x16xi32> to vector<16xi32>
          %shift_left3A_720 = arith.constant 16 : i32
          %shift_left3A_721 = vector.broadcast %shift_left3A_720 : i32 to vector<16xi32>
          %shift_left3A_722 = arith.shli %get3A_719, %shift_left3A_721 : vector<16xi32>
          %bitcast_convert_type3A_723 = tpu.bitcast %shift_left3A_722 : vector<16xi32> -> vector<16xf32>
          %and3A_724 = arith.constant -65536 : i32
          %and3A_725 = vector.broadcast %and3A_724 : i32 to vector<16xi32>
          %and3A_726 = arith.andi %get3A_719, %and3A_725 : vector<16xi32>
          %bitcast_convert_type3A_727 = tpu.bitcast %and3A_726 : vector<16xi32> -> vector<16xf32>
          %add3A_728 = arith.constant 200 : i32
          %add3A_729 = arith.addi %add3A_728, %add3A_623 : i32
          %get3A_730 = arith.index_cast %add3A_729 : i32 to index
          %get3A_731 = arith.constant 48 : index
          %get3A_732 = tpu.vector_load %arg6[%get3A_730, %get3A_731] {strides = array<i32>} : memref<408x64xi32, #tpu.memory_space<vmem>>, vector<1x16xi32>,
          %get3A_733 = vector.shape_cast %get3A_732 : vector<1x16xi32> to vector<16xi32>
          %shift_left3A_734 = arith.constant 16 : i32
          %shift_left3A_735 = vector.broadcast %shift_left3A_734 : i32 to vector<16xi32>
          %shift_left3A_736 = arith.shli %get3A_733, %shift_left3A_735 : vector<16xi32>
          %bitcast_convert_type3A_737 = tpu.bitcast %shift_left3A_736 : vector<16xi32> -> vector<16xf32>
          %and3A_738 = arith.constant -65536 : i32
          %and3A_739 = vector.broadcast %and3A_738 : i32 to vector<16xi32>
          %and3A_740 = arith.andi %get3A_733, %and3A_739 : vector<16xi32>
          %bitcast_convert_type3A_741 = tpu.bitcast %and3A_740 : vector<16xi32> -> vector<16xf32>
          %mul3A_742 = arith.mulf %bitcast_convert_type3A_723, %bitcast_convert_type3A_737 : vector<16xf32>
          %add3A_743 = arith.addf %add3A_715, %mul3A_742 : vector<16xf32>
          %mul3A_744 = arith.mulf %bitcast_convert_type3A_727, %bitcast_convert_type3A_741 : vector<16xf32>
          %add3A_745 = arith.addf %add3A_743, %mul3A_744 : vector<16xf32>
          %xor3A_746 = arith.constant 8 : i32
          %xor3A_747 = vector.broadcast %xor3A_746 : i32 to vector<16xi32>
          %xor3A_748 = arith.xori %iota3A, %xor3A_747 : vector<16xi32>
          %broadcast_in_dim3A_749 = vector.shape_cast %xor3A_748 : vector<16xi32> to vector<16x1xi32>
          %gather3A_750 = vector.shape_cast %broadcast_in_dim3A_749 : vector<16x1xi32> to vector<16xi32>
          %gather3A_751 = tpu.dynamic_gather %add3A_745[%gather3A_750] in [0] : vector<16xf32>, vector<16xi32> -> vector<16xf32>
          %add3A_752 = arith.addf %add3A_745, %gather3A_751 : vector<16xf32>
          %xor3A_753 = arith.constant 4 : i32
          %xor3A_754 = vector.broadcast %xor3A_753 : i32 to vector<16xi32>
          %xor3A_755 = arith.xori %iota3A, %xor3A_754 : vector<16xi32>
          %broadcast_in_dim3A_756 = vector.shape_cast %xor3A_755 : vector<16xi32> to vector<16x1xi32>
          %gather3A_757 = vector.shape_cast %broadcast_in_dim3A_756 : vector<16x1xi32> to vector<16xi32>
          %gather3A_758 = tpu.dynamic_gather %add3A_752[%gather3A_757] in [0] : vector<16xf32>, vector<16xi32> -> vector<16xf32>
          %add3A_759 = arith.addf %add3A_752, %gather3A_758 : vector<16xf32>
          %xor3A_760 = arith.constant 2 : i32
          %xor3A_761 = vector.broadcast %xor3A_760 : i32 to vector<16xi32>
          %xor3A_762 = arith.xori %iota3A, %xor3A_761 : vector<16xi32>
          %broadcast_in_dim3A_763 = vector.shape_cast %xor3A_762 : vector<16xi32> to vector<16x1xi32>
          %gather3A_764 = vector.shape_cast %broadcast_in_dim3A_763 : vector<16x1xi32> to vector<16xi32>
          %gather3A_765 = tpu.dynamic_gather %add3A_759[%gather3A_764] in [0] : vector<16xf32>, vector<16xi32> -> vector<16xf32>
          %add3A_766 = arith.addf %add3A_759, %gather3A_765 : vector<16xf32>
          %xor3A_767 = arith.constant 1 : i32
          %xor3A_768 = vector.broadcast %xor3A_767 : i32 to vector<16xi32>
          %xor3A_769 = arith.xori %iota3A, %xor3A_768 : vector<16xi32>
          %broadcast_in_dim3A_770 = vector.shape_cast %xor3A_769 : vector<16xi32> to vector<16x1xi32>
          %gather3A_771 = vector.shape_cast %broadcast_in_dim3A_770 : vector<16x1xi32> to vector<16xi32>
          %gather3A_772 = tpu.dynamic_gather %add3A_766[%gather3A_771] in [0] : vector<16xf32>, vector<16xi32> -> vector<16xf32>
          %add3A_773 = arith.addf %add3A_766, %gather3A_772 : vector<16xf32>
          %mul3A_774 = arith.constant 8 : i32
          %mul3A_775 = arith.muli %scan3A_148, %mul3A_774 : i32
          %add3A_776 = arith.constant 3 : i32
          %add3A_777 = arith.addi %mul3A_775, %add3A_776 : i32
          %eq3A_778 = vector.broadcast %add3A_777 : i32 to vector<16xi32>
          %eq3A_779 = arith.cmpi eq, %iota3A, %eq3A_778 : vector<16xi32>
          %select_n3A_780 = arith.select %eq3A_779, %add3A_773, %select_n3A_621 : vector<16xi1>, vector<16xf32>
          %add3A_781 = arith.constant 4 : i32
          %add3A_782 = arith.addi %add3A_152, %add3A_781 : i32
          %broadcast_in_dim3A_783 = arith.constant 0.000000e+00 : f32
          %broadcast_in_dim3A_784 = vector.broadcast %broadcast_in_dim3A_783 : f32 to vector<16xf32>
          %get3A_785 = arith.index_cast %add3A_782 : i32 to index
          %get3A_786 = arith.constant 0 : index
          %get3A_787 = tpu.vector_load %arg6[%get3A_785, %get3A_786] {strides = array<i32>} : memref<408x64xi32, #tpu.memory_space<vmem>>, vector<1x16xi32>,
          %get3A_788 = vector.shape_cast %get3A_787 : vector<1x16xi32> to vector<16xi32>
          %shift_left3A_789 = arith.constant 16 : i32
          %shift_left3A_790 = vector.broadcast %shift_left3A_789 : i32 to vector<16xi32>
          %shift_left3A_791 = arith.shli %get3A_788, %shift_left3A_790 : vector<16xi32>
          %bitcast_convert_type3A_792 = tpu.bitcast %shift_left3A_791 : vector<16xi32> -> vector<16xf32>
          %and3A_793 = arith.constant -65536 : i32
          %and3A_794 = vector.broadcast %and3A_793 : i32 to vector<16xi32>
          %and3A_795 = arith.andi %get3A_788, %and3A_794 : vector<16xi32>
          %bitcast_convert_type3A_796 = tpu.bitcast %and3A_795 : vector<16xi32> -> vector<16xf32>
          %add3A_797 = arith.constant 200 : i32
          %add3A_798 = arith.addi %add3A_797, %add3A_782 : i32
          %get3A_799 = arith.index_cast %add3A_798 : i32 to index
          %get3A_800 = arith.constant 0 : index
          %get3A_801 = tpu.vector_load %arg6[%get3A_799, %get3A_800] {strides = array<i32>} : memref<408x64xi32, #tpu.memory_space<vmem>>, vector<1x16xi32>,
          %get3A_802 = vector.shape_cast %get3A_801 : vector<1x16xi32> to vector<16xi32>
          %shift_left3A_803 = arith.constant 16 : i32
          %shift_left3A_804 = vector.broadcast %shift_left3A_803 : i32 to vector<16xi32>
          %shift_left3A_805 = arith.shli %get3A_802, %shift_left3A_804 : vector<16xi32>
          %bitcast_convert_type3A_806 = tpu.bitcast %shift_left3A_805 : vector<16xi32> -> vector<16xf32>
          %and3A_807 = arith.constant -65536 : i32
          %and3A_808 = vector.broadcast %and3A_807 : i32 to vector<16xi32>
          %and3A_809 = arith.andi %get3A_802, %and3A_808 : vector<16xi32>
          %bitcast_convert_type3A_810 = tpu.bitcast %and3A_809 : vector<16xi32> -> vector<16xf32>
          %mul3A_811 = arith.mulf %bitcast_convert_type3A_792, %bitcast_convert_type3A_806 : vector<16xf32>
          %add3A_812 = arith.addf %broadcast_in_dim3A_784, %mul3A_811 : vector<16xf32>
          %mul3A_813 = arith.mulf %bitcast_convert_type3A_796, %bitcast_convert_type3A_810 : vector<16xf32>
          %add3A_814 = arith.addf %add3A_812, %mul3A_813 : vector<16xf32>
          %get3A_815 = arith.index_cast %add3A_782 : i32 to index
          %get3A_816 = arith.constant 16 : index
          %get3A_817 = tpu.vector_load %arg6[%get3A_815, %get3A_816] {strides = array<i32>} : memref<408x64xi32, #tpu.memory_space<vmem>>, vector<1x16xi32>,
          %get3A_818 = vector.shape_cast %get3A_817 : vector<1x16xi32> to vector<16xi32>
          %shift_left3A_819 = arith.constant 16 : i32
          %shift_left3A_820 = vector.broadcast %shift_left3A_819 : i32 to vector<16xi32>
          %shift_left3A_821 = arith.shli %get3A_818, %shift_left3A_820 : vector<16xi32>
          %bitcast_convert_type3A_822 = tpu.bitcast %shift_left3A_821 : vector<16xi32> -> vector<16xf32>
          %and3A_823 = arith.constant -65536 : i32
          %and3A_824 = vector.broadcast %and3A_823 : i32 to vector<16xi32>
          %and3A_825 = arith.andi %get3A_818, %and3A_824 : vector<16xi32>
          %bitcast_convert_type3A_826 = tpu.bitcast %and3A_825 : vector<16xi32> -> vector<16xf32>
          %add3A_827 = arith.constant 200 : i32
          %add3A_828 = arith.addi %add3A_827, %add3A_782 : i32
          %get3A_829 = arith.index_cast %add3A_828 : i32 to index
          %get3A_830 = arith.constant 16 : index
          %get3A_831 = tpu.vector_load %arg6[%get3A_829, %get3A_830] {strides = array<i32>} : memref<408x64xi32, #tpu.memory_space<vmem>>, vector<1x16xi32>,
          %get3A_832 = vector.shape_cast %get3A_831 : vector<1x16xi32> to vector<16xi32>
          %shift_left3A_833 = arith.constant 16 : i32
          %shift_left3A_834 = vector.broadcast %shift_left3A_833 : i32 to vector<16xi32>
          %shift_left3A_835 = arith.shli %get3A_832, %shift_left3A_834 : vector<16xi32>
          %bitcast_convert_type3A_836 = tpu.bitcast %shift_left3A_835 : vector<16xi32> -> vector<16xf32>
          %and3A_837 = arith.constant -65536 : i32
          %and3A_838 = vector.broadcast %and3A_837 : i32 to vector<16xi32>
          %and3A_839 = arith.andi %get3A_832, %and3A_838 : vector<16xi32>
          %bitcast_convert_type3A_840 = tpu.bitcast %and3A_839 : vector<16xi32> -> vector<16xf32>
          %mul3A_841 = arith.mulf %bitcast_convert_type3A_822, %bitcast_convert_type3A_836 : vector<16xf32>
          %add3A_842 = arith.addf %add3A_814, %mul3A_841 : vector<16xf32>
          %mul3A_843 = arith.mulf %bitcast_convert_type3A_826, %bitcast_convert_type3A_840 : vector<16xf32>
          %add3A_844 = arith.addf %add3A_842, %mul3A_843 : vector<16xf32>
          %get3A_845 = arith.index_cast %add3A_782 : i32 to index
          %get3A_846 = arith.constant 32 : index
          %get3A_847 = tpu.vector_load %arg6[%get3A_845, %get3A_846] {strides = array<i32>} : memref<408x64xi32, #tpu.memory_space<vmem>>, vector<1x16xi32>,
          %get3A_848 = vector.shape_cast %get3A_847 : vector<1x16xi32> to vector<16xi32>
          %shift_left3A_849 = arith.constant 16 : i32
          %shift_left3A_850 = vector.broadcast %shift_left3A_849 : i32 to vector<16xi32>
          %shift_left3A_851 = arith.shli %get3A_848, %shift_left3A_850 : vector<16xi32>
          %bitcast_convert_type3A_852 = tpu.bitcast %shift_left3A_851 : vector<16xi32> -> vector<16xf32>
          %and3A_853 = arith.constant -65536 : i32
          %and3A_854 = vector.broadcast %and3A_853 : i32 to vector<16xi32>
          %and3A_855 = arith.andi %get3A_848, %and3A_854 : vector<16xi32>
          %bitcast_convert_type3A_856 = tpu.bitcast %and3A_855 : vector<16xi32> -> vector<16xf32>
          %add3A_857 = arith.constant 200 : i32
          %add3A_858 = arith.addi %add3A_857, %add3A_782 : i32
          %get3A_859 = arith.index_cast %add3A_858 : i32 to index
          %get3A_860 = arith.constant 32 : index
          %get3A_861 = tpu.vector_load %arg6[%get3A_859, %get3A_860] {strides = array<i32>} : memref<408x64xi32, #tpu.memory_space<vmem>>, vector<1x16xi32>,
          %get3A_862 = vector.shape_cast %get3A_861 : vector<1x16xi32> to vector<16xi32>
          %shift_left3A_863 = arith.constant 16 : i32
          %shift_left3A_864 = vector.broadcast %shift_left3A_863 : i32 to vector<16xi32>
          %shift_left3A_865 = arith.shli %get3A_862, %shift_left3A_864 : vector<16xi32>
          %bitcast_convert_type3A_866 = tpu.bitcast %shift_left3A_865 : vector<16xi32> -> vector<16xf32>
          %and3A_867 = arith.constant -65536 : i32
          %and3A_868 = vector.broadcast %and3A_867 : i32 to vector<16xi32>
          %and3A_869 = arith.andi %get3A_862, %and3A_868 : vector<16xi32>
          %bitcast_convert_type3A_870 = tpu.bitcast %and3A_869 : vector<16xi32> -> vector<16xf32>
          %mul3A_871 = arith.mulf %bitcast_convert_type3A_852, %bitcast_convert_type3A_866 : vector<16xf32>
          %add3A_872 = arith.addf %add3A_844, %mul3A_871 : vector<16xf32>
          %mul3A_873 = arith.mulf %bitcast_convert_type3A_856, %bitcast_convert_type3A_870 : vector<16xf32>
          %add3A_874 = arith.addf %add3A_872, %mul3A_873 : vector<16xf32>
          %get3A_875 = arith.index_cast %add3A_782 : i32 to index
          %get3A_876 = arith.constant 48 : index
          %get3A_877 = tpu.vector_load %arg6[%get3A_875, %get3A_876] {strides = array<i32>} : memref<408x64xi32, #tpu.memory_space<vmem>>, vector<1x16xi32>,
          %get3A_878 = vector.shape_cast %get3A_877 : vector<1x16xi32> to vector<16xi32>
          %shift_left3A_879 = arith.constant 16 : i32
          %shift_left3A_880 = vector.broadcast %shift_left3A_879 : i32 to vector<16xi32>
          %shift_left3A_881 = arith.shli %get3A_878, %shift_left3A_880 : vector<16xi32>
          %bitcast_convert_type3A_882 = tpu.bitcast %shift_left3A_881 : vector<16xi32> -> vector<16xf32>
          %and3A_883 = arith.constant -65536 : i32
          %and3A_884 = vector.broadcast %and3A_883 : i32 to vector<16xi32>
          %and3A_885 = arith.andi %get3A_878, %and3A_884 : vector<16xi32>
          %bitcast_convert_type3A_886 = tpu.bitcast %and3A_885 : vector<16xi32> -> vector<16xf32>
          %add3A_887 = arith.constant 200 : i32
          %add3A_888 = arith.addi %add3A_887, %add3A_782 : i32
          %get3A_889 = arith.index_cast %add3A_888 : i32 to index
          %get3A_890 = arith.constant 48 : index
          %get3A_891 = tpu.vector_load %arg6[%get3A_889, %get3A_890] {strides = array<i32>} : memref<408x64xi32, #tpu.memory_space<vmem>>, vector<1x16xi32>,
          %get3A_892 = vector.shape_cast %get3A_891 : vector<1x16xi32> to vector<16xi32>
          %shift_left3A_893 = arith.constant 16 : i32
          %shift_left3A_894 = vector.broadcast %shift_left3A_893 : i32 to vector<16xi32>
          %shift_left3A_895 = arith.shli %get3A_892, %shift_left3A_894 : vector<16xi32>
          %bitcast_convert_type3A_896 = tpu.bitcast %shift_left3A_895 : vector<16xi32> -> vector<16xf32>
          %and3A_897 = arith.constant -65536 : i32
          %and3A_898 = vector.broadcast %and3A_897 : i32 to vector<16xi32>
          %and3A_899 = arith.andi %get3A_892, %and3A_898 : vector<16xi32>
          %bitcast_convert_type3A_900 = tpu.bitcast %and3A_899 : vector<16xi32> -> vector<16xf32>
          %mul3A_901 = arith.mulf %bitcast_convert_type3A_882, %bitcast_convert_type3A_896 : vector<16xf32>
          %add3A_902 = arith.addf %add3A_874, %mul3A_901 : vector<16xf32>
          %mul3A_903 = arith.mulf %bitcast_convert_type3A_886, %bitcast_convert_type3A_900 : vector<16xf32>
          %add3A_904 = arith.addf %add3A_902, %mul3A_903 : vector<16xf32>
          %xor3A_905 = arith.constant 8 : i32
          %xor3A_906 = vector.broadcast %xor3A_905 : i32 to vector<16xi32>
          %xor3A_907 = arith.xori %iota3A, %xor3A_906 : vector<16xi32>
          %broadcast_in_dim3A_908 = vector.shape_cast %xor3A_907 : vector<16xi32> to vector<16x1xi32>
          %gather3A_909 = vector.shape_cast %broadcast_in_dim3A_908 : vector<16x1xi32> to vector<16xi32>
          %gather3A_910 = tpu.dynamic_gather %add3A_904[%gather3A_909] in [0] : vector<16xf32>, vector<16xi32> -> vector<16xf32>
          %add3A_911 = arith.addf %add3A_904, %gather3A_910 : vector<16xf32>
          %xor3A_912 = arith.constant 4 : i32
          %xor3A_913 = vector.broadcast %xor3A_912 : i32 to vector<16xi32>
          %xor3A_914 = arith.xori %iota3A, %xor3A_913 : vector<16xi32>
          %broadcast_in_dim3A_915 = vector.shape_cast %xor3A_914 : vector<16xi32> to vector<16x1xi32>
          %gather3A_916 = vector.shape_cast %broadcast_in_dim3A_915 : vector<16x1xi32> to vector<16xi32>
          %gather3A_917 = tpu.dynamic_gather %add3A_911[%gather3A_916] in [0] : vector<16xf32>, vector<16xi32> -> vector<16xf32>
          %add3A_918 = arith.addf %add3A_911, %gather3A_917 : vector<16xf32>
          %xor3A_919 = arith.constant 2 : i32
          %xor3A_920 = vector.broadcast %xor3A_919 : i32 to vector<16xi32>
          %xor3A_921 = arith.xori %iota3A, %xor3A_920 : vector<16xi32>
          %broadcast_in_dim3A_922 = vector.shape_cast %xor3A_921 : vector<16xi32> to vector<16x1xi32>
          %gather3A_923 = vector.shape_cast %broadcast_in_dim3A_922 : vector<16x1xi32> to vector<16xi32>
          %gather3A_924 = tpu.dynamic_gather %add3A_918[%gather3A_923] in [0] : vector<16xf32>, vector<16xi32> -> vector<16xf32>
          %add3A_925 = arith.addf %add3A_918, %gather3A_924 : vector<16xf32>
          %xor3A_926 = arith.constant 1 : i32
          %xor3A_927 = vector.broadcast %xor3A_926 : i32 to vector<16xi32>
          %xor3A_928 = arith.xori %iota3A, %xor3A_927 : vector<16xi32>
          %broadcast_in_dim3A_929 = vector.shape_cast %xor3A_928 : vector<16xi32> to vector<16x1xi32>
          %gather3A_930 = vector.shape_cast %broadcast_in_dim3A_929 : vector<16x1xi32> to vector<16xi32>
          %gather3A_931 = tpu.dynamic_gather %add3A_925[%gather3A_930] in [0] : vector<16xf32>, vector<16xi32> -> vector<16xf32>
          %add3A_932 = arith.addf %add3A_925, %gather3A_931 : vector<16xf32>
          %mul3A_933 = arith.constant 8 : i32
          %mul3A_934 = arith.muli %scan3A_148, %mul3A_933 : i32
          %add3A_935 = arith.constant 4 : i32
          %add3A_936 = arith.addi %mul3A_934, %add3A_935 : i32
          %eq3A_937 = vector.broadcast %add3A_936 : i32 to vector<16xi32>
          %eq3A_938 = arith.cmpi eq, %iota3A, %eq3A_937 : vector<16xi32>
          %select_n3A_939 = arith.select %eq3A_938, %add3A_932, %select_n3A_780 : vector<16xi1>, vector<16xf32>
          %add3A_940 = arith.constant 5 : i32
          %add3A_941 = arith.addi %add3A_152, %add3A_940 : i32
          %broadcast_in_dim3A_942 = arith.constant 0.000000e+00 : f32
          %broadcast_in_dim3A_943 = vector.broadcast %broadcast_in_dim3A_942 : f32 to vector<16xf32>
          %get3A_944 = arith.index_cast %add3A_941 : i32 to index
          %get3A_945 = arith.constant 0 : index
          %get3A_946 = tpu.vector_load %arg6[%get3A_944, %get3A_945] {strides = array<i32>} : memref<408x64xi32, #tpu.memory_space<vmem>>, vector<1x16xi32>,
          %get3A_947 = vector.shape_cast %get3A_946 : vector<1x16xi32> to vector<16xi32>
          %shift_left3A_948 = arith.constant 16 : i32
          %shift_left3A_949 = vector.broadcast %shift_left3A_948 : i32 to vector<16xi32>
          %shift_left3A_950 = arith.shli %get3A_947, %shift_left3A_949 : vector<16xi32>
          %bitcast_convert_type3A_951 = tpu.bitcast %shift_left3A_950 : vector<16xi32> -> vector<16xf32>
          %and3A_952 = arith.constant -65536 : i32
          %and3A_953 = vector.broadcast %and3A_952 : i32 to vector<16xi32>
          %and3A_954 = arith.andi %get3A_947, %and3A_953 : vector<16xi32>
          %bitcast_convert_type3A_955 = tpu.bitcast %and3A_954 : vector<16xi32> -> vector<16xf32>
          %add3A_956 = arith.constant 200 : i32
          %add3A_957 = arith.addi %add3A_956, %add3A_941 : i32
          %get3A_958 = arith.index_cast %add3A_957 : i32 to index
          %get3A_959 = arith.constant 0 : index
          %get3A_960 = tpu.vector_load %arg6[%get3A_958, %get3A_959] {strides = array<i32>} : memref<408x64xi32, #tpu.memory_space<vmem>>, vector<1x16xi32>,
          %get3A_961 = vector.shape_cast %get3A_960 : vector<1x16xi32> to vector<16xi32>
          %shift_left3A_962 = arith.constant 16 : i32
          %shift_left3A_963 = vector.broadcast %shift_left3A_962 : i32 to vector<16xi32>
          %shift_left3A_964 = arith.shli %get3A_961, %shift_left3A_963 : vector<16xi32>
          %bitcast_convert_type3A_965 = tpu.bitcast %shift_left3A_964 : vector<16xi32> -> vector<16xf32>
          %and3A_966 = arith.constant -65536 : i32
          %and3A_967 = vector.broadcast %and3A_966 : i32 to vector<16xi32>
          %and3A_968 = arith.andi %get3A_961, %and3A_967 : vector<16xi32>
          %bitcast_convert_type3A_969 = tpu.bitcast %and3A_968 : vector<16xi32> -> vector<16xf32>
          %mul3A_970 = arith.mulf %bitcast_convert_type3A_951, %bitcast_convert_type3A_965 : vector<16xf32>
          %add3A_971 = arith.addf %broadcast_in_dim3A_943, %mul3A_970 : vector<16xf32>
          %mul3A_972 = arith.mulf %bitcast_convert_type3A_955, %bitcast_convert_type3A_969 : vector<16xf32>
          %add3A_973 = arith.addf %add3A_971, %mul3A_972 : vector<16xf32>
          %get3A_974 = arith.index_cast %add3A_941 : i32 to index
          %get3A_975 = arith.constant 16 : index
          %get3A_976 = tpu.vector_load %arg6[%get3A_974, %get3A_975] {strides = array<i32>} : memref<408x64xi32, #tpu.memory_space<vmem>>, vector<1x16xi32>,
          %get3A_977 = vector.shape_cast %get3A_976 : vector<1x16xi32> to vector<16xi32>
          %shift_left3A_978 = arith.constant 16 : i32
          %shift_left3A_979 = vector.broadcast %shift_left3A_978 : i32 to vector<16xi32>
          %shift_left3A_980 = arith.shli %get3A_977, %shift_left3A_979 : vector<16xi32>
          %bitcast_convert_type3A_981 = tpu.bitcast %shift_left3A_980 : vector<16xi32> -> vector<16xf32>
          %and3A_982 = arith.constant -65536 : i32
          %and3A_983 = vector.broadcast %and3A_982 : i32 to vector<16xi32>
          %and3A_984 = arith.andi %get3A_977, %and3A_983 : vector<16xi32>
          %bitcast_convert_type3A_985 = tpu.bitcast %and3A_984 : vector<16xi32> -> vector<16xf32>
          %add3A_986 = arith.constant 200 : i32
          %add3A_987 = arith.addi %add3A_986, %add3A_941 : i32
          %get3A_988 = arith.index_cast %add3A_987 : i32 to index
          %get3A_989 = arith.constant 16 : index
          %get3A_990 = tpu.vector_load %arg6[%get3A_988, %get3A_989] {strides = array<i32>} : memref<408x64xi32, #tpu.memory_space<vmem>>, vector<1x16xi32>,
          %get3A_991 = vector.shape_cast %get3A_990 : vector<1x16xi32> to vector<16xi32>
          %shift_left3A_992 = arith.constant 16 : i32
          %shift_left3A_993 = vector.broadcast %shift_left3A_992 : i32 to vector<16xi32>
          %shift_left3A_994 = arith.shli %get3A_991, %shift_left3A_993 : vector<16xi32>
          %bitcast_convert_type3A_995 = tpu.bitcast %shift_left3A_994 : vector<16xi32> -> vector<16xf32>
          %and3A_996 = arith.constant -65536 : i32
          %and3A_997 = vector.broadcast %and3A_996 : i32 to vector<16xi32>
          %and3A_998 = arith.andi %get3A_991, %and3A_997 : vector<16xi32>
          %bitcast_convert_type3A_999 = tpu.bitcast %and3A_998 : vector<16xi32> -> vector<16xf32>
          %mul3A_1000 = arith.mulf %bitcast_convert_type3A_981, %bitcast_convert_type3A_995 : vector<16xf32>
          %add3A_1001 = arith.addf %add3A_973, %mul3A_1000 : vector<16xf32>
          %mul3A_1002 = arith.mulf %bitcast_convert_type3A_985, %bitcast_convert_type3A_999 : vector<16xf32>
          %add3A_1003 = arith.addf %add3A_1001, %mul3A_1002 : vector<16xf32>
          %get3A_1004 = arith.index_cast %add3A_941 : i32 to index
          %get3A_1005 = arith.constant 32 : index
          %get3A_1006 = tpu.vector_load %arg6[%get3A_1004, %get3A_1005] {strides = array<i32>} : memref<408x64xi32, #tpu.memory_space<vmem>>, vector<1x16xi32>,
          %get3A_1007 = vector.shape_cast %get3A_1006 : vector<1x16xi32> to vector<16xi32>
          %shift_left3A_1008 = arith.constant 16 : i32
          %shift_left3A_1009 = vector.broadcast %shift_left3A_1008 : i32 to vector<16xi32>
          %shift_left3A_1010 = arith.shli %get3A_1007, %shift_left3A_1009 : vector<16xi32>
          %bitcast_convert_type3A_1011 = tpu.bitcast %shift_left3A_1010 : vector<16xi32> -> vector<16xf32>
          %and3A_1012 = arith.constant -65536 : i32
          %and3A_1013 = vector.broadcast %and3A_1012 : i32 to vector<16xi32>
          %and3A_1014 = arith.andi %get3A_1007, %and3A_1013 : vector<16xi32>
          %bitcast_convert_type3A_1015 = tpu.bitcast %and3A_1014 : vector<16xi32> -> vector<16xf32>
          %add3A_1016 = arith.constant 200 : i32
          %add3A_1017 = arith.addi %add3A_1016, %add3A_941 : i32
          %get3A_1018 = arith.index_cast %add3A_1017 : i32 to index
          %get3A_1019 = arith.constant 32 : index
          %get3A_1020 = tpu.vector_load %arg6[%get3A_1018, %get3A_1019] {strides = array<i32>} : memref<408x64xi32, #tpu.memory_space<vmem>>, vector<1x16xi32>,
          %get3A_1021 = vector.shape_cast %get3A_1020 : vector<1x16xi32> to vector<16xi32>
          %shift_left3A_1022 = arith.constant 16 : i32
          %shift_left3A_1023 = vector.broadcast %shift_left3A_1022 : i32 to vector<16xi32>
          %shift_left3A_1024 = arith.shli %get3A_1021, %shift_left3A_1023 : vector<16xi32>
          %bitcast_convert_type3A_1025 = tpu.bitcast %shift_left3A_1024 : vector<16xi32> -> vector<16xf32>
          %and3A_1026 = arith.constant -65536 : i32
          %and3A_1027 = vector.broadcast %and3A_1026 : i32 to vector<16xi32>
          %and3A_1028 = arith.andi %get3A_1021, %and3A_1027 : vector<16xi32>
          %bitcast_convert_type3A_1029 = tpu.bitcast %and3A_1028 : vector<16xi32> -> vector<16xf32>
          %mul3A_1030 = arith.mulf %bitcast_convert_type3A_1011, %bitcast_convert_type3A_1025 : vector<16xf32>
          %add3A_1031 = arith.addf %add3A_1003, %mul3A_1030 : vector<16xf32>
          %mul3A_1032 = arith.mulf %bitcast_convert_type3A_1015, %bitcast_convert_type3A_1029 : vector<16xf32>
          %add3A_1033 = arith.addf %add3A_1031, %mul3A_1032 : vector<16xf32>
          %get3A_1034 = arith.index_cast %add3A_941 : i32 to index
          %get3A_1035 = arith.constant 48 : index
          %get3A_1036 = tpu.vector_load %arg6[%get3A_1034, %get3A_1035] {strides = array<i32>} : memref<408x64xi32, #tpu.memory_space<vmem>>, vector<1x16xi32>,
          %get3A_1037 = vector.shape_cast %get3A_1036 : vector<1x16xi32> to vector<16xi32>
          %shift_left3A_1038 = arith.constant 16 : i32
          %shift_left3A_1039 = vector.broadcast %shift_left3A_1038 : i32 to vector<16xi32>
          %shift_left3A_1040 = arith.shli %get3A_1037, %shift_left3A_1039 : vector<16xi32>
          %bitcast_convert_type3A_1041 = tpu.bitcast %shift_left3A_1040 : vector<16xi32> -> vector<16xf32>
          %and3A_1042 = arith.constant -65536 : i32
          %and3A_1043 = vector.broadcast %and3A_1042 : i32 to vector<16xi32>
          %and3A_1044 = arith.andi %get3A_1037, %and3A_1043 : vector<16xi32>
          %bitcast_convert_type3A_1045 = tpu.bitcast %and3A_1044 : vector<16xi32> -> vector<16xf32>
          %add3A_1046 = arith.constant 200 : i32
          %add3A_1047 = arith.addi %add3A_1046, %add3A_941 : i32
          %get3A_1048 = arith.index_cast %add3A_1047 : i32 to index
          %get3A_1049 = arith.constant 48 : index
          %get3A_1050 = tpu.vector_load %arg6[%get3A_1048, %get3A_1049] {strides = array<i32>} : memref<408x64xi32, #tpu.memory_space<vmem>>, vector<1x16xi32>,
          %get3A_1051 = vector.shape_cast %get3A_1050 : vector<1x16xi32> to vector<16xi32>
          %shift_left3A_1052 = arith.constant 16 : i32
          %shift_left3A_1053 = vector.broadcast %shift_left3A_1052 : i32 to vector<16xi32>
          %shift_left3A_1054 = arith.shli %get3A_1051, %shift_left3A_1053 : vector<16xi32>
          %bitcast_convert_type3A_1055 = tpu.bitcast %shift_left3A_1054 : vector<16xi32> -> vector<16xf32>
          %and3A_1056 = arith.constant -65536 : i32
          %and3A_1057 = vector.broadcast %and3A_1056 : i32 to vector<16xi32>
          %and3A_1058 = arith.andi %get3A_1051, %and3A_1057 : vector<16xi32>
          %bitcast_convert_type3A_1059 = tpu.bitcast %and3A_1058 : vector<16xi32> -> vector<16xf32>
          %mul3A_1060 = arith.mulf %bitcast_convert_type3A_1041, %bitcast_convert_type3A_1055 : vector<16xf32>
          %add3A_1061 = arith.addf %add3A_1033, %mul3A_1060 : vector<16xf32>
          %mul3A_1062 = arith.mulf %bitcast_convert_type3A_1045, %bitcast_convert_type3A_1059 : vector<16xf32>
          %add3A_1063 = arith.addf %add3A_1061, %mul3A_1062 : vector<16xf32>
          %xor3A_1064 = arith.constant 8 : i32
          %xor3A_1065 = vector.broadcast %xor3A_1064 : i32 to vector<16xi32>
          %xor3A_1066 = arith.xori %iota3A, %xor3A_1065 : vector<16xi32>
          %broadcast_in_dim3A_1067 = vector.shape_cast %xor3A_1066 : vector<16xi32> to vector<16x1xi32>
          %gather3A_1068 = vector.shape_cast %broadcast_in_dim3A_1067 : vector<16x1xi32> to vector<16xi32>
          %gather3A_1069 = tpu.dynamic_gather %add3A_1063[%gather3A_1068] in [0] : vector<16xf32>, vector<16xi32> -> vector<16xf32>
          %add3A_1070 = arith.addf %add3A_1063, %gather3A_1069 : vector<16xf32>
          %xor3A_1071 = arith.constant 4 : i32
          %xor3A_1072 = vector.broadcast %xor3A_1071 : i32 to vector<16xi32>
          %xor3A_1073 = arith.xori %iota3A, %xor3A_1072 : vector<16xi32>
          %broadcast_in_dim3A_1074 = vector.shape_cast %xor3A_1073 : vector<16xi32> to vector<16x1xi32>
          %gather3A_1075 = vector.shape_cast %broadcast_in_dim3A_1074 : vector<16x1xi32> to vector<16xi32>
          %gather3A_1076 = tpu.dynamic_gather %add3A_1070[%gather3A_1075] in [0] : vector<16xf32>, vector<16xi32> -> vector<16xf32>
          %add3A_1077 = arith.addf %add3A_1070, %gather3A_1076 : vector<16xf32>
          %xor3A_1078 = arith.constant 2 : i32
          %xor3A_1079 = vector.broadcast %xor3A_1078 : i32 to vector<16xi32>
          %xor3A_1080 = arith.xori %iota3A, %xor3A_1079 : vector<16xi32>
          %broadcast_in_dim3A_1081 = vector.shape_cast %xor3A_1080 : vector<16xi32> to vector<16x1xi32>
          %gather3A_1082 = vector.shape_cast %broadcast_in_dim3A_1081 : vector<16x1xi32> to vector<16xi32>
          %gather3A_1083 = tpu.dynamic_gather %add3A_1077[%gather3A_1082] in [0] : vector<16xf32>, vector<16xi32> -> vector<16xf32>
          %add3A_1084 = arith.addf %add3A_1077, %gather3A_1083 : vector<16xf32>
          %xor3A_1085 = arith.constant 1 : i32
          %xor3A_1086 = vector.broadcast %xor3A_1085 : i32 to vector<16xi32>
          %xor3A_1087 = arith.xori %iota3A, %xor3A_1086 : vector<16xi32>
          %broadcast_in_dim3A_1088 = vector.shape_cast %xor3A_1087 : vector<16xi32> to vector<16x1xi32>
          %gather3A_1089 = vector.shape_cast %broadcast_in_dim3A_1088 : vector<16x1xi32> to vector<16xi32>
          %gather3A_1090 = tpu.dynamic_gather %add3A_1084[%gather3A_1089] in [0] : vector<16xf32>, vector<16xi32> -> vector<16xf32>
          %add3A_1091 = arith.addf %add3A_1084, %gather3A_1090 : vector<16xf32>
          %mul3A_1092 = arith.constant 8 : i32
          %mul3A_1093 = arith.muli %scan3A_148, %mul3A_1092 : i32
          %add3A_1094 = arith.constant 5 : i32
          %add3A_1095 = arith.addi %mul3A_1093, %add3A_1094 : i32
          %eq3A_1096 = vector.broadcast %add3A_1095 : i32 to vector<16xi32>
          %eq3A_1097 = arith.cmpi eq, %iota3A, %eq3A_1096 : vector<16xi32>
          %select_n3A_1098 = arith.select %eq3A_1097, %add3A_1091, %select_n3A_939 : vector<16xi1>, vector<16xf32>
          %add3A_1099 = arith.constant 6 : i32
          %add3A_1100 = arith.addi %add3A_152, %add3A_1099 : i32
          %broadcast_in_dim3A_1101 = arith.constant 0.000000e+00 : f32
          %broadcast_in_dim3A_1102 = vector.broadcast %broadcast_in_dim3A_1101 : f32 to vector<16xf32>
          %get3A_1103 = arith.index_cast %add3A_1100 : i32 to index
          %get3A_1104 = arith.constant 0 : index
          %get3A_1105 = tpu.vector_load %arg6[%get3A_1103, %get3A_1104] {strides = array<i32>} : memref<408x64xi32, #tpu.memory_space<vmem>>, vector<1x16xi32>,
          %get3A_1106 = vector.shape_cast %get3A_1105 : vector<1x16xi32> to vector<16xi32>
          %shift_left3A_1107 = arith.constant 16 : i32
          %shift_left3A_1108 = vector.broadcast %shift_left3A_1107 : i32 to vector<16xi32>
          %shift_left3A_1109 = arith.shli %get3A_1106, %shift_left3A_1108 : vector<16xi32>
          %bitcast_convert_type3A_1110 = tpu.bitcast %shift_left3A_1109 : vector<16xi32> -> vector<16xf32>
          %and3A_1111 = arith.constant -65536 : i32
          %and3A_1112 = vector.broadcast %and3A_1111 : i32 to vector<16xi32>
          %and3A_1113 = arith.andi %get3A_1106, %and3A_1112 : vector<16xi32>
          %bitcast_convert_type3A_1114 = tpu.bitcast %and3A_1113 : vector<16xi32> -> vector<16xf32>
          %add3A_1115 = arith.constant 200 : i32
          %add3A_1116 = arith.addi %add3A_1115, %add3A_1100 : i32
          %get3A_1117 = arith.index_cast %add3A_1116 : i32 to index
          %get3A_1118 = arith.constant 0 : index
          %get3A_1119 = tpu.vector_load %arg6[%get3A_1117, %get3A_1118] {strides = array<i32>} : memref<408x64xi32, #tpu.memory_space<vmem>>, vector<1x16xi32>,
          %get3A_1120 = vector.shape_cast %get3A_1119 : vector<1x16xi32> to vector<16xi32>
          %shift_left3A_1121 = arith.constant 16 : i32
          %shift_left3A_1122 = vector.broadcast %shift_left3A_1121 : i32 to vector<16xi32>
          %shift_left3A_1123 = arith.shli %get3A_1120, %shift_left3A_1122 : vector<16xi32>
          %bitcast_convert_type3A_1124 = tpu.bitcast %shift_left3A_1123 : vector<16xi32> -> vector<16xf32>
          %and3A_1125 = arith.constant -65536 : i32
          %and3A_1126 = vector.broadcast %and3A_1125 : i32 to vector<16xi32>
          %and3A_1127 = arith.andi %get3A_1120, %and3A_1126 : vector<16xi32>
          %bitcast_convert_type3A_1128 = tpu.bitcast %and3A_1127 : vector<16xi32> -> vector<16xf32>
          %mul3A_1129 = arith.mulf %bitcast_convert_type3A_1110, %bitcast_convert_type3A_1124 : vector<16xf32>
          %add3A_1130 = arith.addf %broadcast_in_dim3A_1102, %mul3A_1129 : vector<16xf32>
          %mul3A_1131 = arith.mulf %bitcast_convert_type3A_1114, %bitcast_convert_type3A_1128 : vector<16xf32>
          %add3A_1132 = arith.addf %add3A_1130, %mul3A_1131 : vector<16xf32>
          %get3A_1133 = arith.index_cast %add3A_1100 : i32 to index
          %get3A_1134 = arith.constant 16 : index
          %get3A_1135 = tpu.vector_load %arg6[%get3A_1133, %get3A_1134] {strides = array<i32>} : memref<408x64xi32, #tpu.memory_space<vmem>>, vector<1x16xi32>,
          %get3A_1136 = vector.shape_cast %get3A_1135 : vector<1x16xi32> to vector<16xi32>
          %shift_left3A_1137 = arith.constant 16 : i32
          %shift_left3A_1138 = vector.broadcast %shift_left3A_1137 : i32 to vector<16xi32>
          %shift_left3A_1139 = arith.shli %get3A_1136, %shift_left3A_1138 : vector<16xi32>
          %bitcast_convert_type3A_1140 = tpu.bitcast %shift_left3A_1139 : vector<16xi32> -> vector<16xf32>
          %and3A_1141 = arith.constant -65536 : i32
          %and3A_1142 = vector.broadcast %and3A_1141 : i32 to vector<16xi32>
          %and3A_1143 = arith.andi %get3A_1136, %and3A_1142 : vector<16xi32>
          %bitcast_convert_type3A_1144 = tpu.bitcast %and3A_1143 : vector<16xi32> -> vector<16xf32>
          %add3A_1145 = arith.constant 200 : i32
          %add3A_1146 = arith.addi %add3A_1145, %add3A_1100 : i32
          %get3A_1147 = arith.index_cast %add3A_1146 : i32 to index
          %get3A_1148 = arith.constant 16 : index
          %get3A_1149 = tpu.vector_load %arg6[%get3A_1147, %get3A_1148] {strides = array<i32>} : memref<408x64xi32, #tpu.memory_space<vmem>>, vector<1x16xi32>,
          %get3A_1150 = vector.shape_cast %get3A_1149 : vector<1x16xi32> to vector<16xi32>
          %shift_left3A_1151 = arith.constant 16 : i32
          %shift_left3A_1152 = vector.broadcast %shift_left3A_1151 : i32 to vector<16xi32>
          %shift_left3A_1153 = arith.shli %get3A_1150, %shift_left3A_1152 : vector<16xi32>
          %bitcast_convert_type3A_1154 = tpu.bitcast %shift_left3A_1153 : vector<16xi32> -> vector<16xf32>
          %and3A_1155 = arith.constant -65536 : i32
          %and3A_1156 = vector.broadcast %and3A_1155 : i32 to vector<16xi32>
          %and3A_1157 = arith.andi %get3A_1150, %and3A_1156 : vector<16xi32>
          %bitcast_convert_type3A_1158 = tpu.bitcast %and3A_1157 : vector<16xi32> -> vector<16xf32>
          %mul3A_1159 = arith.mulf %bitcast_convert_type3A_1140, %bitcast_convert_type3A_1154 : vector<16xf32>
          %add3A_1160 = arith.addf %add3A_1132, %mul3A_1159 : vector<16xf32>
          %mul3A_1161 = arith.mulf %bitcast_convert_type3A_1144, %bitcast_convert_type3A_1158 : vector<16xf32>
          %add3A_1162 = arith.addf %add3A_1160, %mul3A_1161 : vector<16xf32>
          %get3A_1163 = arith.index_cast %add3A_1100 : i32 to index
          %get3A_1164 = arith.constant 32 : index
          %get3A_1165 = tpu.vector_load %arg6[%get3A_1163, %get3A_1164] {strides = array<i32>} : memref<408x64xi32, #tpu.memory_space<vmem>>, vector<1x16xi32>,
          %get3A_1166 = vector.shape_cast %get3A_1165 : vector<1x16xi32> to vector<16xi32>
          %shift_left3A_1167 = arith.constant 16 : i32
          %shift_left3A_1168 = vector.broadcast %shift_left3A_1167 : i32 to vector<16xi32>
          %shift_left3A_1169 = arith.shli %get3A_1166, %shift_left3A_1168 : vector<16xi32>
          %bitcast_convert_type3A_1170 = tpu.bitcast %shift_left3A_1169 : vector<16xi32> -> vector<16xf32>
          %and3A_1171 = arith.constant -65536 : i32
          %and3A_1172 = vector.broadcast %and3A_1171 : i32 to vector<16xi32>
          %and3A_1173 = arith.andi %get3A_1166, %and3A_1172 : vector<16xi32>
          %bitcast_convert_type3A_1174 = tpu.bitcast %and3A_1173 : vector<16xi32> -> vector<16xf32>
          %add3A_1175 = arith.constant 200 : i32
          %add3A_1176 = arith.addi %add3A_1175, %add3A_1100 : i32
          %get3A_1177 = arith.index_cast %add3A_1176 : i32 to index
          %get3A_1178 = arith.constant 32 : index
          %get3A_1179 = tpu.vector_load %arg6[%get3A_1177, %get3A_1178] {strides = array<i32>} : memref<408x64xi32, #tpu.memory_space<vmem>>, vector<1x16xi32>,
          %get3A_1180 = vector.shape_cast %get3A_1179 : vector<1x16xi32> to vector<16xi32>
          %shift_left3A_1181 = arith.constant 16 : i32
          %shift_left3A_1182 = vector.broadcast %shift_left3A_1181 : i32 to vector<16xi32>
          %shift_left3A_1183 = arith.shli %get3A_1180, %shift_left3A_1182 : vector<16xi32>
          %bitcast_convert_type3A_1184 = tpu.bitcast %shift_left3A_1183 : vector<16xi32> -> vector<16xf32>
          %and3A_1185 = arith.constant -65536 : i32
          %and3A_1186 = vector.broadcast %and3A_1185 : i32 to vector<16xi32>
          %and3A_1187 = arith.andi %get3A_1180, %and3A_1186 : vector<16xi32>
          %bitcast_convert_type3A_1188 = tpu.bitcast %and3A_1187 : vector<16xi32> -> vector<16xf32>
          %mul3A_1189 = arith.mulf %bitcast_convert_type3A_1170, %bitcast_convert_type3A_1184 : vector<16xf32>
          %add3A_1190 = arith.addf %add3A_1162, %mul3A_1189 : vector<16xf32>
          %mul3A_1191 = arith.mulf %bitcast_convert_type3A_1174, %bitcast_convert_type3A_1188 : vector<16xf32>
          %add3A_1192 = arith.addf %add3A_1190, %mul3A_1191 : vector<16xf32>
          %get3A_1193 = arith.index_cast %add3A_1100 : i32 to index
          %get3A_1194 = arith.constant 48 : index
          %get3A_1195 = tpu.vector_load %arg6[%get3A_1193, %get3A_1194] {strides = array<i32>} : memref<408x64xi32, #tpu.memory_space<vmem>>, vector<1x16xi32>,
          %get3A_1196 = vector.shape_cast %get3A_1195 : vector<1x16xi32> to vector<16xi32>
          %shift_left3A_1197 = arith.constant 16 : i32
          %shift_left3A_1198 = vector.broadcast %shift_left3A_1197 : i32 to vector<16xi32>
          %shift_left3A_1199 = arith.shli %get3A_1196, %shift_left3A_1198 : vector<16xi32>
          %bitcast_convert_type3A_1200 = tpu.bitcast %shift_left3A_1199 : vector<16xi32> -> vector<16xf32>
          %and3A_1201 = arith.constant -65536 : i32
          %and3A_1202 = vector.broadcast %and3A_1201 : i32 to vector<16xi32>
          %and3A_1203 = arith.andi %get3A_1196, %and3A_1202 : vector<16xi32>
          %bitcast_convert_type3A_1204 = tpu.bitcast %and3A_1203 : vector<16xi32> -> vector<16xf32>
          %add3A_1205 = arith.constant 200 : i32
          %add3A_1206 = arith.addi %add3A_1205, %add3A_1100 : i32
          %get3A_1207 = arith.index_cast %add3A_1206 : i32 to index
          %get3A_1208 = arith.constant 48 : index
          %get3A_1209 = tpu.vector_load %arg6[%get3A_1207, %get3A_1208] {strides = array<i32>} : memref<408x64xi32, #tpu.memory_space<vmem>>, vector<1x16xi32>,
          %get3A_1210 = vector.shape_cast %get3A_1209 : vector<1x16xi32> to vector<16xi32>
          %shift_left3A_1211 = arith.constant 16 : i32
          %shift_left3A_1212 = vector.broadcast %shift_left3A_1211 : i32 to vector<16xi32>
          %shift_left3A_1213 = arith.shli %get3A_1210, %shift_left3A_1212 : vector<16xi32>
          %bitcast_convert_type3A_1214 = tpu.bitcast %shift_left3A_1213 : vector<16xi32> -> vector<16xf32>
          %and3A_1215 = arith.constant -65536 : i32
          %and3A_1216 = vector.broadcast %and3A_1215 : i32 to vector<16xi32>
          %and3A_1217 = arith.andi %get3A_1210, %and3A_1216 : vector<16xi32>
          %bitcast_convert_type3A_1218 = tpu.bitcast %and3A_1217 : vector<16xi32> -> vector<16xf32>
          %mul3A_1219 = arith.mulf %bitcast_convert_type3A_1200, %bitcast_convert_type3A_1214 : vector<16xf32>
          %add3A_1220 = arith.addf %add3A_1192, %mul3A_1219 : vector<16xf32>
          %mul3A_1221 = arith.mulf %bitcast_convert_type3A_1204, %bitcast_convert_type3A_1218 : vector<16xf32>
          %add3A_1222 = arith.addf %add3A_1220, %mul3A_1221 : vector<16xf32>
          %xor3A_1223 = arith.constant 8 : i32
          %xor3A_1224 = vector.broadcast %xor3A_1223 : i32 to vector<16xi32>
          %xor3A_1225 = arith.xori %iota3A, %xor3A_1224 : vector<16xi32>
          %broadcast_in_dim3A_1226 = vector.shape_cast %xor3A_1225 : vector<16xi32> to vector<16x1xi32>
          %gather3A_1227 = vector.shape_cast %broadcast_in_dim3A_1226 : vector<16x1xi32> to vector<16xi32>
          %gather3A_1228 = tpu.dynamic_gather %add3A_1222[%gather3A_1227] in [0] : vector<16xf32>, vector<16xi32> -> vector<16xf32>
          %add3A_1229 = arith.addf %add3A_1222, %gather3A_1228 : vector<16xf32>
          %xor3A_1230 = arith.constant 4 : i32
          %xor3A_1231 = vector.broadcast %xor3A_1230 : i32 to vector<16xi32>
          %xor3A_1232 = arith.xori %iota3A, %xor3A_1231 : vector<16xi32>
          %broadcast_in_dim3A_1233 = vector.shape_cast %xor3A_1232 : vector<16xi32> to vector<16x1xi32>
          %gather3A_1234 = vector.shape_cast %broadcast_in_dim3A_1233 : vector<16x1xi32> to vector<16xi32>
          %gather3A_1235 = tpu.dynamic_gather %add3A_1229[%gather3A_1234] in [0] : vector<16xf32>, vector<16xi32> -> vector<16xf32>
          %add3A_1236 = arith.addf %add3A_1229, %gather3A_1235 : vector<16xf32>
          %xor3A_1237 = arith.constant 2 : i32
          %xor3A_1238 = vector.broadcast %xor3A_1237 : i32 to vector<16xi32>
          %xor3A_1239 = arith.xori %iota3A, %xor3A_1238 : vector<16xi32>
          %broadcast_in_dim3A_1240 = vector.shape_cast %xor3A_1239 : vector<16xi32> to vector<16x1xi32>
          %gather3A_1241 = vector.shape_cast %broadcast_in_dim3A_1240 : vector<16x1xi32> to vector<16xi32>
          %gather3A_1242 = tpu.dynamic_gather %add3A_1236[%gather3A_1241] in [0] : vector<16xf32>, vector<16xi32> -> vector<16xf32>
          %add3A_1243 = arith.addf %add3A_1236, %gather3A_1242 : vector<16xf32>
          %xor3A_1244 = arith.constant 1 : i32
          %xor3A_1245 = vector.broadcast %xor3A_1244 : i32 to vector<16xi32>
          %xor3A_1246 = arith.xori %iota3A, %xor3A_1245 : vector<16xi32>
          %broadcast_in_dim3A_1247 = vector.shape_cast %xor3A_1246 : vector<16xi32> to vector<16x1xi32>
          %gather3A_1248 = vector.shape_cast %broadcast_in_dim3A_1247 : vector<16x1xi32> to vector<16xi32>
          %gather3A_1249 = tpu.dynamic_gather %add3A_1243[%gather3A_1248] in [0] : vector<16xf32>, vector<16xi32> -> vector<16xf32>
          %add3A_1250 = arith.addf %add3A_1243, %gather3A_1249 : vector<16xf32>
          %mul3A_1251 = arith.constant 8 : i32
          %mul3A_1252 = arith.muli %scan3A_148, %mul3A_1251 : i32
          %add3A_1253 = arith.constant 6 : i32
          %add3A_1254 = arith.addi %mul3A_1252, %add3A_1253 : i32
          %eq3A_1255 = vector.broadcast %add3A_1254 : i32 to vector<16xi32>
          %eq3A_1256 = arith.cmpi eq, %iota3A, %eq3A_1255 : vector<16xi32>
          %select_n3A_1257 = arith.select %eq3A_1256, %add3A_1250, %select_n3A_1098 : vector<16xi1>, vector<16xf32>
          %add3A_1258 = arith.constant 7 : i32
          %add3A_1259 = arith.addi %add3A_152, %add3A_1258 : i32
          %broadcast_in_dim3A_1260 = arith.constant 0.000000e+00 : f32
          %broadcast_in_dim3A_1261 = vector.broadcast %broadcast_in_dim3A_1260 : f32 to vector<16xf32>
          %get3A_1262 = arith.index_cast %add3A_1259 : i32 to index
          %get3A_1263 = arith.constant 0 : index
          %get3A_1264 = tpu.vector_load %arg6[%get3A_1262, %get3A_1263] {strides = array<i32>} : memref<408x64xi32, #tpu.memory_space<vmem>>, vector<1x16xi32>,
          %get3A_1265 = vector.shape_cast %get3A_1264 : vector<1x16xi32> to vector<16xi32>
          %shift_left3A_1266 = arith.constant 16 : i32
          %shift_left3A_1267 = vector.broadcast %shift_left3A_1266 : i32 to vector<16xi32>
          %shift_left3A_1268 = arith.shli %get3A_1265, %shift_left3A_1267 : vector<16xi32>
          %bitcast_convert_type3A_1269 = tpu.bitcast %shift_left3A_1268 : vector<16xi32> -> vector<16xf32>
          %and3A_1270 = arith.constant -65536 : i32
          %and3A_1271 = vector.broadcast %and3A_1270 : i32 to vector<16xi32>
          %and3A_1272 = arith.andi %get3A_1265, %and3A_1271 : vector<16xi32>
          %bitcast_convert_type3A_1273 = tpu.bitcast %and3A_1272 : vector<16xi32> -> vector<16xf32>
          %add3A_1274 = arith.constant 200 : i32
          %add3A_1275 = arith.addi %add3A_1274, %add3A_1259 : i32
          %get3A_1276 = arith.index_cast %add3A_1275 : i32 to index
          %get3A_1277 = arith.constant 0 : index
          %get3A_1278 = tpu.vector_load %arg6[%get3A_1276, %get3A_1277] {strides = array<i32>} : memref<408x64xi32, #tpu.memory_space<vmem>>, vector<1x16xi32>,
          %get3A_1279 = vector.shape_cast %get3A_1278 : vector<1x16xi32> to vector<16xi32>
          %shift_left3A_1280 = arith.constant 16 : i32
          %shift_left3A_1281 = vector.broadcast %shift_left3A_1280 : i32 to vector<16xi32>
          %shift_left3A_1282 = arith.shli %get3A_1279, %shift_left3A_1281 : vector<16xi32>
          %bitcast_convert_type3A_1283 = tpu.bitcast %shift_left3A_1282 : vector<16xi32> -> vector<16xf32>
          %and3A_1284 = arith.constant -65536 : i32
          %and3A_1285 = vector.broadcast %and3A_1284 : i32 to vector<16xi32>
          %and3A_1286 = arith.andi %get3A_1279, %and3A_1285 : vector<16xi32>
          %bitcast_convert_type3A_1287 = tpu.bitcast %and3A_1286 : vector<16xi32> -> vector<16xf32>
          %mul3A_1288 = arith.mulf %bitcast_convert_type3A_1269, %bitcast_convert_type3A_1283 : vector<16xf32>
          %add3A_1289 = arith.addf %broadcast_in_dim3A_1261, %mul3A_1288 : vector<16xf32>
          %mul3A_1290 = arith.mulf %bitcast_convert_type3A_1273, %bitcast_convert_type3A_1287 : vector<16xf32>
          %add3A_1291 = arith.addf %add3A_1289, %mul3A_1290 : vector<16xf32>
          %get3A_1292 = arith.index_cast %add3A_1259 : i32 to index
          %get3A_1293 = arith.constant 16 : index
          %get3A_1294 = tpu.vector_load %arg6[%get3A_1292, %get3A_1293] {strides = array<i32>} : memref<408x64xi32, #tpu.memory_space<vmem>>, vector<1x16xi32>,
          %get3A_1295 = vector.shape_cast %get3A_1294 : vector<1x16xi32> to vector<16xi32>
          %shift_left3A_1296 = arith.constant 16 : i32
          %shift_left3A_1297 = vector.broadcast %shift_left3A_1296 : i32 to vector<16xi32>
          %shift_left3A_1298 = arith.shli %get3A_1295, %shift_left3A_1297 : vector<16xi32>
          %bitcast_convert_type3A_1299 = tpu.bitcast %shift_left3A_1298 : vector<16xi32> -> vector<16xf32>
          %and3A_1300 = arith.constant -65536 : i32
          %and3A_1301 = vector.broadcast %and3A_1300 : i32 to vector<16xi32>
          %and3A_1302 = arith.andi %get3A_1295, %and3A_1301 : vector<16xi32>
          %bitcast_convert_type3A_1303 = tpu.bitcast %and3A_1302 : vector<16xi32> -> vector<16xf32>
          %add3A_1304 = arith.constant 200 : i32
          %add3A_1305 = arith.addi %add3A_1304, %add3A_1259 : i32
          %get3A_1306 = arith.index_cast %add3A_1305 : i32 to index
          %get3A_1307 = arith.constant 16 : index
          %get3A_1308 = tpu.vector_load %arg6[%get3A_1306, %get3A_1307] {strides = array<i32>} : memref<408x64xi32, #tpu.memory_space<vmem>>, vector<1x16xi32>,
          %get3A_1309 = vector.shape_cast %get3A_1308 : vector<1x16xi32> to vector<16xi32>
          %shift_left3A_1310 = arith.constant 16 : i32
          %shift_left3A_1311 = vector.broadcast %shift_left3A_1310 : i32 to vector<16xi32>
          %shift_left3A_1312 = arith.shli %get3A_1309, %shift_left3A_1311 : vector<16xi32>
          %bitcast_convert_type3A_1313 = tpu.bitcast %shift_left3A_1312 : vector<16xi32> -> vector<16xf32>
          %and3A_1314 = arith.constant -65536 : i32
          %and3A_1315 = vector.broadcast %and3A_1314 : i32 to vector<16xi32>
          %and3A_1316 = arith.andi %get3A_1309, %and3A_1315 : vector<16xi32>
          %bitcast_convert_type3A_1317 = tpu.bitcast %and3A_1316 : vector<16xi32> -> vector<16xf32>
          %mul3A_1318 = arith.mulf %bitcast_convert_type3A_1299, %bitcast_convert_type3A_1313 : vector<16xf32>
          %add3A_1319 = arith.addf %add3A_1291, %mul3A_1318 : vector<16xf32>
          %mul3A_1320 = arith.mulf %bitcast_convert_type3A_1303, %bitcast_convert_type3A_1317 : vector<16xf32>
          %add3A_1321 = arith.addf %add3A_1319, %mul3A_1320 : vector<16xf32>
          %get3A_1322 = arith.index_cast %add3A_1259 : i32 to index
          %get3A_1323 = arith.constant 32 : index
          %get3A_1324 = tpu.vector_load %arg6[%get3A_1322, %get3A_1323] {strides = array<i32>} : memref<408x64xi32, #tpu.memory_space<vmem>>, vector<1x16xi32>,
          %get3A_1325 = vector.shape_cast %get3A_1324 : vector<1x16xi32> to vector<16xi32>
          %shift_left3A_1326 = arith.constant 16 : i32
          %shift_left3A_1327 = vector.broadcast %shift_left3A_1326 : i32 to vector<16xi32>
          %shift_left3A_1328 = arith.shli %get3A_1325, %shift_left3A_1327 : vector<16xi32>
          %bitcast_convert_type3A_1329 = tpu.bitcast %shift_left3A_1328 : vector<16xi32> -> vector<16xf32>
          %and3A_1330 = arith.constant -65536 : i32
          %and3A_1331 = vector.broadcast %and3A_1330 : i32 to vector<16xi32>
          %and3A_1332 = arith.andi %get3A_1325, %and3A_1331 : vector<16xi32>
          %bitcast_convert_type3A_1333 = tpu.bitcast %and3A_1332 : vector<16xi32> -> vector<16xf32>
          %add3A_1334 = arith.constant 200 : i32
          %add3A_1335 = arith.addi %add3A_1334, %add3A_1259 : i32
          %get3A_1336 = arith.index_cast %add3A_1335 : i32 to index
          %get3A_1337 = arith.constant 32 : index
          %get3A_1338 = tpu.vector_load %arg6[%get3A_1336, %get3A_1337] {strides = array<i32>} : memref<408x64xi32, #tpu.memory_space<vmem>>, vector<1x16xi32>,
          %get3A_1339 = vector.shape_cast %get3A_1338 : vector<1x16xi32> to vector<16xi32>
          %shift_left3A_1340 = arith.constant 16 : i32
          %shift_left3A_1341 = vector.broadcast %shift_left3A_1340 : i32 to vector<16xi32>
          %shift_left3A_1342 = arith.shli %get3A_1339, %shift_left3A_1341 : vector<16xi32>
          %bitcast_convert_type3A_1343 = tpu.bitcast %shift_left3A_1342 : vector<16xi32> -> vector<16xf32>
          %and3A_1344 = arith.constant -65536 : i32
          %and3A_1345 = vector.broadcast %and3A_1344 : i32 to vector<16xi32>
          %and3A_1346 = arith.andi %get3A_1339, %and3A_1345 : vector<16xi32>
          %bitcast_convert_type3A_1347 = tpu.bitcast %and3A_1346 : vector<16xi32> -> vector<16xf32>
          %mul3A_1348 = arith.mulf %bitcast_convert_type3A_1329, %bitcast_convert_type3A_1343 : vector<16xf32>
          %add3A_1349 = arith.addf %add3A_1321, %mul3A_1348 : vector<16xf32>
          %mul3A_1350 = arith.mulf %bitcast_convert_type3A_1333, %bitcast_convert_type3A_1347 : vector<16xf32>
          %add3A_1351 = arith.addf %add3A_1349, %mul3A_1350 : vector<16xf32>
          %get3A_1352 = arith.index_cast %add3A_1259 : i32 to index
          %get3A_1353 = arith.constant 48 : index
          %get3A_1354 = tpu.vector_load %arg6[%get3A_1352, %get3A_1353] {strides = array<i32>} : memref<408x64xi32, #tpu.memory_space<vmem>>, vector<1x16xi32>,
          %get3A_1355 = vector.shape_cast %get3A_1354 : vector<1x16xi32> to vector<16xi32>
          %shift_left3A_1356 = arith.constant 16 : i32
          %shift_left3A_1357 = vector.broadcast %shift_left3A_1356 : i32 to vector<16xi32>
          %shift_left3A_1358 = arith.shli %get3A_1355, %shift_left3A_1357 : vector<16xi32>
          %bitcast_convert_type3A_1359 = tpu.bitcast %shift_left3A_1358 : vector<16xi32> -> vector<16xf32>
          %and3A_1360 = arith.constant -65536 : i32
          %and3A_1361 = vector.broadcast %and3A_1360 : i32 to vector<16xi32>
          %and3A_1362 = arith.andi %get3A_1355, %and3A_1361 : vector<16xi32>
          %bitcast_convert_type3A_1363 = tpu.bitcast %and3A_1362 : vector<16xi32> -> vector<16xf32>
          %add3A_1364 = arith.constant 200 : i32
          %add3A_1365 = arith.addi %add3A_1364, %add3A_1259 : i32
          %get3A_1366 = arith.index_cast %add3A_1365 : i32 to index
          %get3A_1367 = arith.constant 48 : index
          %get3A_1368 = tpu.vector_load %arg6[%get3A_1366, %get3A_1367] {strides = array<i32>} : memref<408x64xi32, #tpu.memory_space<vmem>>, vector<1x16xi32>,
          %get3A_1369 = vector.shape_cast %get3A_1368 : vector<1x16xi32> to vector<16xi32>
          %shift_left3A_1370 = arith.constant 16 : i32
          %shift_left3A_1371 = vector.broadcast %shift_left3A_1370 : i32 to vector<16xi32>
          %shift_left3A_1372 = arith.shli %get3A_1369, %shift_left3A_1371 : vector<16xi32>
          %bitcast_convert_type3A_1373 = tpu.bitcast %shift_left3A_1372 : vector<16xi32> -> vector<16xf32>
          %and3A_1374 = arith.constant -65536 : i32
          %and3A_1375 = vector.broadcast %and3A_1374 : i32 to vector<16xi32>
          %and3A_1376 = arith.andi %get3A_1369, %and3A_1375 : vector<16xi32>
          %bitcast_convert_type3A_1377 = tpu.bitcast %and3A_1376 : vector<16xi32> -> vector<16xf32>
          %mul3A_1378 = arith.mulf %bitcast_convert_type3A_1359, %bitcast_convert_type3A_1373 : vector<16xf32>
          %add3A_1379 = arith.addf %add3A_1351, %mul3A_1378 : vector<16xf32>
          %mul3A_1380 = arith.mulf %bitcast_convert_type3A_1363, %bitcast_convert_type3A_1377 : vector<16xf32>
          %add3A_1381 = arith.addf %add3A_1379, %mul3A_1380 : vector<16xf32>
          %xor3A_1382 = arith.constant 8 : i32
          %xor3A_1383 = vector.broadcast %xor3A_1382 : i32 to vector<16xi32>
          %xor3A_1384 = arith.xori %iota3A, %xor3A_1383 : vector<16xi32>
          %broadcast_in_dim3A_1385 = vector.shape_cast %xor3A_1384 : vector<16xi32> to vector<16x1xi32>
          %gather3A_1386 = vector.shape_cast %broadcast_in_dim3A_1385 : vector<16x1xi32> to vector<16xi32>
          %gather3A_1387 = tpu.dynamic_gather %add3A_1381[%gather3A_1386] in [0] : vector<16xf32>, vector<16xi32> -> vector<16xf32>
          %add3A_1388 = arith.addf %add3A_1381, %gather3A_1387 : vector<16xf32>
          %xor3A_1389 = arith.constant 4 : i32
          %xor3A_1390 = vector.broadcast %xor3A_1389 : i32 to vector<16xi32>
          %xor3A_1391 = arith.xori %iota3A, %xor3A_1390 : vector<16xi32>
          %broadcast_in_dim3A_1392 = vector.shape_cast %xor3A_1391 : vector<16xi32> to vector<16x1xi32>
          %gather3A_1393 = vector.shape_cast %broadcast_in_dim3A_1392 : vector<16x1xi32> to vector<16xi32>
          %gather3A_1394 = tpu.dynamic_gather %add3A_1388[%gather3A_1393] in [0] : vector<16xf32>, vector<16xi32> -> vector<16xf32>
          %add3A_1395 = arith.addf %add3A_1388, %gather3A_1394 : vector<16xf32>
          %xor3A_1396 = arith.constant 2 : i32
          %xor3A_1397 = vector.broadcast %xor3A_1396 : i32 to vector<16xi32>
          %xor3A_1398 = arith.xori %iota3A, %xor3A_1397 : vector<16xi32>
          %broadcast_in_dim3A_1399 = vector.shape_cast %xor3A_1398 : vector<16xi32> to vector<16x1xi32>
          %gather3A_1400 = vector.shape_cast %broadcast_in_dim3A_1399 : vector<16x1xi32> to vector<16xi32>
          %gather3A_1401 = tpu.dynamic_gather %add3A_1395[%gather3A_1400] in [0] : vector<16xf32>, vector<16xi32> -> vector<16xf32>
          %add3A_1402 = arith.addf %add3A_1395, %gather3A_1401 : vector<16xf32>
          %xor3A_1403 = arith.constant 1 : i32
          %xor3A_1404 = vector.broadcast %xor3A_1403 : i32 to vector<16xi32>
          %xor3A_1405 = arith.xori %iota3A, %xor3A_1404 : vector<16xi32>
          %broadcast_in_dim3A_1406 = vector.shape_cast %xor3A_1405 : vector<16xi32> to vector<16x1xi32>
          %gather3A_1407 = vector.shape_cast %broadcast_in_dim3A_1406 : vector<16x1xi32> to vector<16xi32>
          %gather3A_1408 = tpu.dynamic_gather %add3A_1402[%gather3A_1407] in [0] : vector<16xf32>, vector<16xi32> -> vector<16xf32>
          %add3A_1409 = arith.addf %add3A_1402, %gather3A_1408 : vector<16xf32>
          %mul3A_1410 = arith.constant 8 : i32
          %mul3A_1411 = arith.muli %scan3A_148, %mul3A_1410 : i32
          %add3A_1412 = arith.constant 7 : i32
          %add3A_1413 = arith.addi %mul3A_1411, %add3A_1412 : i32
          %eq3A_1414 = vector.broadcast %add3A_1413 : i32 to vector<16xi32>
          %eq3A_1415 = arith.cmpi eq, %iota3A, %eq3A_1414 : vector<16xi32>
          %select_n3A_1416 = arith.select %eq3A_1415, %add3A_1409, %select_n3A_1257 : vector<16xi1>, vector<16xf32>
          scf.yield %select_n3A_1416 : vector<16xf32>
        }
        %scan3A_144 = arith.constant 2 : i32
        %swap3A = arith.index_cast %mul3A_137 : i32 to index
        %swap3A_145 = tpu.vector_load %arg8[%swap3A] {strides = array<i32>} : memref<208xf32, #tpu.memory_space<vmem>>, vector<16xf32>,
        %swap3A_146 = vector.shape_cast %swap3A_145 : vector<16xf32> to vector<16xf32>
        %swap3A_147 = vector.shape_cast %scan3A_143 : vector<16xf32> to vector<16xf32>
        tpu.vector_store %arg8[%swap3A], %swap3A_147 {strides = array<i32>} : memref<208xf32, #tpu.memory_space<vmem>>, vector<16xf32>,
      }
      %scan3A_77 = arith.constant 13 : i32
      %mul3A_78 = arith.constant 200 : i32
      %mul3A_79 = arith.muli %mul3A_58, %mul3A_78 : i32
      %add3A_80 = arith.addi %mul3A_2, %mul3A_79 : i32
      %dma_start3A_81 = arith.constant 0 : i32
      %dma_start3A_82 = arith.constant 0 : i32
      %dma_start3A_83 = tpu.memref_slice %arg8[%dma_start3A_82] : memref<208xf32, #tpu.memory_space<vmem>> -> memref<200xf32, #tpu.memory_space<vmem>>
      %dma_start3A_84 = tpu.memref_slice %arg4[%add3A_80] : memref<320000xf32, #tpu.memory_space<hbm>> -> memref<200xf32, #tpu.memory_space<hbm>>
      %dma_start3A_85 = tpu.memref_slice %arg12[%dma_start3A_81] : memref<2x!tpu.dma_semaphore, #tpu.memory_space<semaphore_mem>> -> memref<1x!tpu.dma_semaphore, #tpu.memory_space<semaphore_mem>>
      %dma_start3A_86 = tpu.memref_squeeze %dma_start3A_85 : memref<1x!tpu.dma_semaphore, #tpu.memory_space<semaphore_mem>> -> memref<!tpu.dma_semaphore, #tpu.memory_space<semaphore_mem>>
      %dma_start3A_87 = tpu.memref_slice %arg4[%add3A_80] : memref<320000xf32, #tpu.memory_space<hbm>> -> memref<200xf32, #tpu.memory_space<hbm>>
      %dma_start3A_88 = arith.constant 0 : i32
      %dma_start3A_89 = tpu.memref_slice %arg8[%dma_start3A_88] : memref<208xf32, #tpu.memory_space<vmem>> -> memref<200xf32, #tpu.memory_space<vmem>>
      tpu.enqueue_dma source(%dma_start3A_89 : memref<200xf32, #tpu.memory_space<vmem>>) target(%dma_start3A_87 : memref<200xf32, #tpu.memory_space<hbm>>) target_semaphore(%dma_start3A_86 : memref<!tpu.dma_semaphore, #tpu.memory_space<semaphore_mem>>)
      %lt3A = arith.constant 24 : i32
      %lt3A_90 = arith.cmpi slt, %scan3A_56, %lt3A : i32
      %convert_element_type3A_91 = arith.extui %lt3A_90 : i1 to i32
      %cond3A_92 = arith.constant 0 : i32
      %cond3A_93 = arith.cmpi ne, %convert_element_type3A_91, %cond3A_92 : i32
      scf.if %cond3A_93 {
        %add3A_135 = arith.constant 2 : i32
        %add3A_136 = arith.addi %mul3A_58, %add3A_135 : i32
        %mul3A_137 = arith.constant 2 : i32
        %mul3A_138 = arith.muli %add3A_136, %mul3A_137 : i32
        %mul3A_139 = arith.constant 200 : i32
        %mul3A_140 = arith.muli %mul3A_138, %mul3A_139 : i32
        %dma_start3A_141 = arith.constant 0 : i32
        %dma_start3A_142 = arith.constant 0 : i32
        %dma_start3A_143 = arith.constant 0 : i32
        %dma_start3A_144 = tpu.memref_slice %arg6[%dma_start3A_142, %dma_start3A_143] : memref<408x64xi32, #tpu.memory_space<vmem>> -> memref<400x64xi32, #tpu.memory_space<vmem>>
        %dma_start3A_145 = tpu.memref_slice %arg5[%mul3A_140] : memref<20000xi32, #tpu.memory_space<vmem>> -> memref<400xi32, #tpu.memory_space<vmem>>
        %dma_start3A_146 = arith.constant 0 : i32
        %dma_start3A_147 = arith.constant 0 : i32
        %dma_start3A_148 = tpu.memref_slice %arg10[%dma_start3A_146, %dma_start3A_147] : memref<10000x64xi32, #tpu.memory_space<vmem_shared>> -> memref<10000x64xi32, #tpu.memory_space<vmem_shared>>
        %dma_start3A_149 = tpu.memref_slice %arg11[%dma_start3A_141] : memref<2x!tpu.dma_semaphore, #tpu.memory_space<semaphore_mem>> -> memref<1x!tpu.dma_semaphore, #tpu.memory_space<semaphore_mem>>
        %dma_start3A_150 = tpu.memref_squeeze %dma_start3A_149 : memref<1x!tpu.dma_semaphore, #tpu.memory_space<semaphore_mem>> -> memref<!tpu.dma_semaphore, #tpu.memory_space<semaphore_mem>>
        tpu.enqueue_indirect_dma source(%dma_start3A_148 : memref<10000x64xi32, #tpu.memory_space<vmem_shared>>) target(%dma_start3A_144 : memref<400x64xi32, #tpu.memory_space<vmem>>) offsets(%dma_start3A_145 : memref<400xi32, #tpu.memory_space<vmem>>) semaphore(%dma_start3A_150 : memref<!tpu.dma_semaphore, #tpu.memory_space<semaphore_mem>>)
      } else {
      }
      %dma_wait3A_94 = arith.constant 1 : i32
      %dma_wait3A_95 = arith.constant 0 : i32
      %dma_wait3A_96 = arith.constant 0 : i32
      %dma_wait3A_97 = tpu.memref_slice %arg7[%dma_wait3A_95, %dma_wait3A_96] : memref<408x64xi32, #tpu.memory_space<vmem>> -> memref<400x64xi32, #tpu.memory_space<vmem>>
      %dma_wait3A_98 = arith.constant 0 : i32
      %dma_wait3A_99 = tpu.memref_slice %arg5[%dma_wait3A_98] : memref<20000xi32, #tpu.memory_space<vmem>> -> memref<400xi32, #tpu.memory_space<vmem>>
      %dma_wait3A_100 = arith.constant 0 : i32
      %dma_wait3A_101 = arith.constant 0 : i32
      %dma_wait3A_102 = tpu.memref_slice %arg10[%dma_wait3A_100, %dma_wait3A_101] : memref<10000x64xi32, #tpu.memory_space<vmem_shared>> -> memref<10000x64xi32, #tpu.memory_space<vmem_shared>>
      %dma_wait3A_103 = tpu.memref_slice %arg11[%dma_wait3A_94] : memref<2x!tpu.dma_semaphore, #tpu.memory_space<semaphore_mem>> -> memref<1x!tpu.dma_semaphore, #tpu.memory_space<semaphore_mem>>
      %dma_wait3A_104 = tpu.memref_squeeze %dma_wait3A_103 : memref<1x!tpu.dma_semaphore, #tpu.memory_space<semaphore_mem>> -> memref<!tpu.dma_semaphore, #tpu.memory_space<semaphore_mem>>
      tpu.wait_indirect_dma semaphore(%dma_wait3A_104 : memref<!tpu.dma_semaphore, #tpu.memory_space<semaphore_mem>>) src(%dma_wait3A_102 : memref<10000x64xi32, #tpu.memory_space<vmem_shared>>) dst(%dma_wait3A_97 : memref<400x64xi32, #tpu.memory_space<vmem>>)
      %ge3A_105 = arith.constant 1 : i32
      %ge3A_106 = arith.cmpi sge, %scan3A_56, %ge3A_105 : i32
      %convert_element_type3A_107 = arith.extui %ge3A_106 : i1 to i32
      %cond3A_108 = arith.constant 0 : i32
      %cond3A_109 = arith.cmpi ne, %convert_element_type3A_107, %cond3A_108 : i32
      scf.if %cond3A_109 {
        %dma_wait3A_135 = arith.constant 1 : i32
        %dma_wait3A_136 = arith.constant 0 : i32
        %dma_wait3A_137 = tpu.memref_slice %arg9[%dma_wait3A_136] : memref<208xf32, #tpu.memory_space<vmem>> -> memref<200xf32, #tpu.memory_space<vmem>>
        %dma_wait3A_138 = arith.constant 0 : i32
        %dma_wait3A_139 = tpu.memref_slice %arg4[%dma_wait3A_138] : memref<320000xf32, #tpu.memory_space<hbm>> -> memref<200xf32, #tpu.memory_space<hbm>>
        %dma_wait3A_140 = tpu.memref_slice %arg12[%dma_wait3A_135] : memref<2x!tpu.dma_semaphore, #tpu.memory_space<semaphore_mem>> -> memref<1x!tpu.dma_semaphore, #tpu.memory_space<semaphore_mem>>
        %dma_wait3A_141 = tpu.memref_squeeze %dma_wait3A_140 : memref<1x!tpu.dma_semaphore, #tpu.memory_space<semaphore_mem>> -> memref<!tpu.dma_semaphore, #tpu.memory_space<semaphore_mem>>
        %dma_wait3A_142 = arith.constant 0 : i32
        %dma_wait3A_143 = tpu.memref_slice %arg4[%dma_wait3A_142] : memref<320000xf32, #tpu.memory_space<hbm>> -> memref<200xf32, #tpu.memory_space<hbm>>
        %dma_wait3A_144 = arith.constant 0 : i32
        %dma_wait3A_145 = tpu.memref_slice %arg9[%dma_wait3A_144] : memref<208xf32, #tpu.memory_space<vmem>> -> memref<200xf32, #tpu.memory_space<vmem>>
        tpu.wait_dma2 semaphore(%dma_wait3A_141 : memref<!tpu.dma_semaphore, #tpu.memory_space<semaphore_mem>>) src(%dma_wait3A_145 : memref<200xf32, #tpu.memory_space<vmem>>) dst(%dma_wait3A_143 : memref<200xf32, #tpu.memory_space<hbm>>)
      } else {
      }
      %add3A_110 = arith.constant 1 : i32
      %add3A_111 = arith.addi %mul3A_58, %add3A_110 : i32
      %scan3A_112 = arith.constant 0 : i32
      %scan3A_113 = arith.constant 0 : i32
      %scan3A_114 = arith.constant 13 : i32
      %scan3A_115 = arith.addi %scan3A_113, %scan3A_114 : i32
      %scan3A_116 = arith.constant 1 : i32
      scf.for %scan3A_135 = %scan3A_113 to %scan3A_115 step %scan3A_116  : i32 {
        %mul3A_136 = arith.constant 16 : i32
        %mul3A_137 = arith.muli %scan3A_135, %mul3A_136 : i32
        %broadcast_in_dim3A = arith.constant 0.000000e+00 : f32
        %broadcast_in_dim3A_138 = vector.broadcast %broadcast_in_dim3A : f32 to vector<16xf32>
        %scan3A_139 = arith.constant 0 : i32
        %scan3A_140 = arith.constant 2 : i32
        %scan3A_141 = arith.addi %scan3A_139, %scan3A_140 : i32
        %scan3A_142 = arith.constant 1 : i32
        %scan3A_143 = scf.for %scan3A_148 = %scan3A_139 to %scan3A_141 step %scan3A_142 iter_args(%scan3A_149 = %broadcast_in_dim3A_138) -> (vector<16xf32>)  : i32 {
          %mul3A_150 = arith.constant 8 : i32
          %mul3A_151 = arith.muli %scan3A_148, %mul3A_150 : i32
          %add3A_152 = arith.addi %mul3A_137, %mul3A_151 : i32
          %add3A_153 = arith.constant 0 : i32
          %add3A_154 = arith.addi %add3A_152, %add3A_153 : i32
          %broadcast_in_dim3A_155 = arith.constant 0.000000e+00 : f32
          %broadcast_in_dim3A_156 = vector.broadcast %broadcast_in_dim3A_155 : f32 to vector<16xf32>
          %get3A = arith.index_cast %add3A_154 : i32 to index
          %get3A_157 = arith.constant 0 : index
          %get3A_158 = tpu.vector_load %arg7[%get3A, %get3A_157] {strides = array<i32>} : memref<408x64xi32, #tpu.memory_space<vmem>>, vector<1x16xi32>,
          %get3A_159 = vector.shape_cast %get3A_158 : vector<1x16xi32> to vector<16xi32>
          %shift_left3A = arith.constant 16 : i32
          %shift_left3A_160 = vector.broadcast %shift_left3A : i32 to vector<16xi32>
          %shift_left3A_161 = arith.shli %get3A_159, %shift_left3A_160 : vector<16xi32>
          %bitcast_convert_type3A = tpu.bitcast %shift_left3A_161 : vector<16xi32> -> vector<16xf32>
          %and3A = arith.constant -65536 : i32
          %and3A_162 = vector.broadcast %and3A : i32 to vector<16xi32>
          %and3A_163 = arith.andi %get3A_159, %and3A_162 : vector<16xi32>
          %bitcast_convert_type3A_164 = tpu.bitcast %and3A_163 : vector<16xi32> -> vector<16xf32>
          %add3A_165 = arith.constant 200 : i32
          %add3A_166 = arith.addi %add3A_165, %add3A_154 : i32
          %get3A_167 = arith.index_cast %add3A_166 : i32 to index
          %get3A_168 = arith.constant 0 : index
          %get3A_169 = tpu.vector_load %arg7[%get3A_167, %get3A_168] {strides = array<i32>} : memref<408x64xi32, #tpu.memory_space<vmem>>, vector<1x16xi32>,
          %get3A_170 = vector.shape_cast %get3A_169 : vector<1x16xi32> to vector<16xi32>
          %shift_left3A_171 = arith.constant 16 : i32
          %shift_left3A_172 = vector.broadcast %shift_left3A_171 : i32 to vector<16xi32>
          %shift_left3A_173 = arith.shli %get3A_170, %shift_left3A_172 : vector<16xi32>
          %bitcast_convert_type3A_174 = tpu.bitcast %shift_left3A_173 : vector<16xi32> -> vector<16xf32>
          %and3A_175 = arith.constant -65536 : i32
          %and3A_176 = vector.broadcast %and3A_175 : i32 to vector<16xi32>
          %and3A_177 = arith.andi %get3A_170, %and3A_176 : vector<16xi32>
          %bitcast_convert_type3A_178 = tpu.bitcast %and3A_177 : vector<16xi32> -> vector<16xf32>
          %mul3A_179 = arith.mulf %bitcast_convert_type3A, %bitcast_convert_type3A_174 : vector<16xf32>
          %add3A_180 = arith.addf %broadcast_in_dim3A_156, %mul3A_179 : vector<16xf32>
          %mul3A_181 = arith.mulf %bitcast_convert_type3A_164, %bitcast_convert_type3A_178 : vector<16xf32>
          %add3A_182 = arith.addf %add3A_180, %mul3A_181 : vector<16xf32>
          %get3A_183 = arith.index_cast %add3A_154 : i32 to index
          %get3A_184 = arith.constant 16 : index
          %get3A_185 = tpu.vector_load %arg7[%get3A_183, %get3A_184] {strides = array<i32>} : memref<408x64xi32, #tpu.memory_space<vmem>>, vector<1x16xi32>,
          %get3A_186 = vector.shape_cast %get3A_185 : vector<1x16xi32> to vector<16xi32>
          %shift_left3A_187 = arith.constant 16 : i32
          %shift_left3A_188 = vector.broadcast %shift_left3A_187 : i32 to vector<16xi32>
          %shift_left3A_189 = arith.shli %get3A_186, %shift_left3A_188 : vector<16xi32>
          %bitcast_convert_type3A_190 = tpu.bitcast %shift_left3A_189 : vector<16xi32> -> vector<16xf32>
          %and3A_191 = arith.constant -65536 : i32
          %and3A_192 = vector.broadcast %and3A_191 : i32 to vector<16xi32>
          %and3A_193 = arith.andi %get3A_186, %and3A_192 : vector<16xi32>
          %bitcast_convert_type3A_194 = tpu.bitcast %and3A_193 : vector<16xi32> -> vector<16xf32>
          %add3A_195 = arith.constant 200 : i32
          %add3A_196 = arith.addi %add3A_195, %add3A_154 : i32
          %get3A_197 = arith.index_cast %add3A_196 : i32 to index
          %get3A_198 = arith.constant 16 : index
          %get3A_199 = tpu.vector_load %arg7[%get3A_197, %get3A_198] {strides = array<i32>} : memref<408x64xi32, #tpu.memory_space<vmem>>, vector<1x16xi32>,
          %get3A_200 = vector.shape_cast %get3A_199 : vector<1x16xi32> to vector<16xi32>
          %shift_left3A_201 = arith.constant 16 : i32
          %shift_left3A_202 = vector.broadcast %shift_left3A_201 : i32 to vector<16xi32>
          %shift_left3A_203 = arith.shli %get3A_200, %shift_left3A_202 : vector<16xi32>
          %bitcast_convert_type3A_204 = tpu.bitcast %shift_left3A_203 : vector<16xi32> -> vector<16xf32>
          %and3A_205 = arith.constant -65536 : i32
          %and3A_206 = vector.broadcast %and3A_205 : i32 to vector<16xi32>
          %and3A_207 = arith.andi %get3A_200, %and3A_206 : vector<16xi32>
          %bitcast_convert_type3A_208 = tpu.bitcast %and3A_207 : vector<16xi32> -> vector<16xf32>
          %mul3A_209 = arith.mulf %bitcast_convert_type3A_190, %bitcast_convert_type3A_204 : vector<16xf32>
          %add3A_210 = arith.addf %add3A_182, %mul3A_209 : vector<16xf32>
          %mul3A_211 = arith.mulf %bitcast_convert_type3A_194, %bitcast_convert_type3A_208 : vector<16xf32>
          %add3A_212 = arith.addf %add3A_210, %mul3A_211 : vector<16xf32>
          %get3A_213 = arith.index_cast %add3A_154 : i32 to index
          %get3A_214 = arith.constant 32 : index
          %get3A_215 = tpu.vector_load %arg7[%get3A_213, %get3A_214] {strides = array<i32>} : memref<408x64xi32, #tpu.memory_space<vmem>>, vector<1x16xi32>,
          %get3A_216 = vector.shape_cast %get3A_215 : vector<1x16xi32> to vector<16xi32>
          %shift_left3A_217 = arith.constant 16 : i32
          %shift_left3A_218 = vector.broadcast %shift_left3A_217 : i32 to vector<16xi32>
          %shift_left3A_219 = arith.shli %get3A_216, %shift_left3A_218 : vector<16xi32>
          %bitcast_convert_type3A_220 = tpu.bitcast %shift_left3A_219 : vector<16xi32> -> vector<16xf32>
          %and3A_221 = arith.constant -65536 : i32
          %and3A_222 = vector.broadcast %and3A_221 : i32 to vector<16xi32>
          %and3A_223 = arith.andi %get3A_216, %and3A_222 : vector<16xi32>
          %bitcast_convert_type3A_224 = tpu.bitcast %and3A_223 : vector<16xi32> -> vector<16xf32>
          %add3A_225 = arith.constant 200 : i32
          %add3A_226 = arith.addi %add3A_225, %add3A_154 : i32
          %get3A_227 = arith.index_cast %add3A_226 : i32 to index
          %get3A_228 = arith.constant 32 : index
          %get3A_229 = tpu.vector_load %arg7[%get3A_227, %get3A_228] {strides = array<i32>} : memref<408x64xi32, #tpu.memory_space<vmem>>, vector<1x16xi32>,
          %get3A_230 = vector.shape_cast %get3A_229 : vector<1x16xi32> to vector<16xi32>
          %shift_left3A_231 = arith.constant 16 : i32
          %shift_left3A_232 = vector.broadcast %shift_left3A_231 : i32 to vector<16xi32>
          %shift_left3A_233 = arith.shli %get3A_230, %shift_left3A_232 : vector<16xi32>
          %bitcast_convert_type3A_234 = tpu.bitcast %shift_left3A_233 : vector<16xi32> -> vector<16xf32>
          %and3A_235 = arith.constant -65536 : i32
          %and3A_236 = vector.broadcast %and3A_235 : i32 to vector<16xi32>
          %and3A_237 = arith.andi %get3A_230, %and3A_236 : vector<16xi32>
          %bitcast_convert_type3A_238 = tpu.bitcast %and3A_237 : vector<16xi32> -> vector<16xf32>
          %mul3A_239 = arith.mulf %bitcast_convert_type3A_220, %bitcast_convert_type3A_234 : vector<16xf32>
          %add3A_240 = arith.addf %add3A_212, %mul3A_239 : vector<16xf32>
          %mul3A_241 = arith.mulf %bitcast_convert_type3A_224, %bitcast_convert_type3A_238 : vector<16xf32>
          %add3A_242 = arith.addf %add3A_240, %mul3A_241 : vector<16xf32>
          %get3A_243 = arith.index_cast %add3A_154 : i32 to index
          %get3A_244 = arith.constant 48 : index
          %get3A_245 = tpu.vector_load %arg7[%get3A_243, %get3A_244] {strides = array<i32>} : memref<408x64xi32, #tpu.memory_space<vmem>>, vector<1x16xi32>,
          %get3A_246 = vector.shape_cast %get3A_245 : vector<1x16xi32> to vector<16xi32>
          %shift_left3A_247 = arith.constant 16 : i32
          %shift_left3A_248 = vector.broadcast %shift_left3A_247 : i32 to vector<16xi32>
          %shift_left3A_249 = arith.shli %get3A_246, %shift_left3A_248 : vector<16xi32>
          %bitcast_convert_type3A_250 = tpu.bitcast %shift_left3A_249 : vector<16xi32> -> vector<16xf32>
          %and3A_251 = arith.constant -65536 : i32
          %and3A_252 = vector.broadcast %and3A_251 : i32 to vector<16xi32>
          %and3A_253 = arith.andi %get3A_246, %and3A_252 : vector<16xi32>
          %bitcast_convert_type3A_254 = tpu.bitcast %and3A_253 : vector<16xi32> -> vector<16xf32>
          %add3A_255 = arith.constant 200 : i32
          %add3A_256 = arith.addi %add3A_255, %add3A_154 : i32
          %get3A_257 = arith.index_cast %add3A_256 : i32 to index
          %get3A_258 = arith.constant 48 : index
          %get3A_259 = tpu.vector_load %arg7[%get3A_257, %get3A_258] {strides = array<i32>} : memref<408x64xi32, #tpu.memory_space<vmem>>, vector<1x16xi32>,
          %get3A_260 = vector.shape_cast %get3A_259 : vector<1x16xi32> to vector<16xi32>
          %shift_left3A_261 = arith.constant 16 : i32
          %shift_left3A_262 = vector.broadcast %shift_left3A_261 : i32 to vector<16xi32>
          %shift_left3A_263 = arith.shli %get3A_260, %shift_left3A_262 : vector<16xi32>
          %bitcast_convert_type3A_264 = tpu.bitcast %shift_left3A_263 : vector<16xi32> -> vector<16xf32>
          %and3A_265 = arith.constant -65536 : i32
          %and3A_266 = vector.broadcast %and3A_265 : i32 to vector<16xi32>
          %and3A_267 = arith.andi %get3A_260, %and3A_266 : vector<16xi32>
          %bitcast_convert_type3A_268 = tpu.bitcast %and3A_267 : vector<16xi32> -> vector<16xf32>
          %mul3A_269 = arith.mulf %bitcast_convert_type3A_250, %bitcast_convert_type3A_264 : vector<16xf32>
          %add3A_270 = arith.addf %add3A_242, %mul3A_269 : vector<16xf32>
          %mul3A_271 = arith.mulf %bitcast_convert_type3A_254, %bitcast_convert_type3A_268 : vector<16xf32>
          %add3A_272 = arith.addf %add3A_270, %mul3A_271 : vector<16xf32>
          %xor3A = arith.constant 8 : i32
          %xor3A_273 = vector.broadcast %xor3A : i32 to vector<16xi32>
          %xor3A_274 = arith.xori %iota3A, %xor3A_273 : vector<16xi32>
          %broadcast_in_dim3A_275 = vector.shape_cast %xor3A_274 : vector<16xi32> to vector<16x1xi32>
          %gather3A = vector.shape_cast %broadcast_in_dim3A_275 : vector<16x1xi32> to vector<16xi32>
          %gather3A_276 = tpu.dynamic_gather %add3A_272[%gather3A] in [0] : vector<16xf32>, vector<16xi32> -> vector<16xf32>
          %add3A_277 = arith.addf %add3A_272, %gather3A_276 : vector<16xf32>
          %xor3A_278 = arith.constant 4 : i32
          %xor3A_279 = vector.broadcast %xor3A_278 : i32 to vector<16xi32>
          %xor3A_280 = arith.xori %iota3A, %xor3A_279 : vector<16xi32>
          %broadcast_in_dim3A_281 = vector.shape_cast %xor3A_280 : vector<16xi32> to vector<16x1xi32>
          %gather3A_282 = vector.shape_cast %broadcast_in_dim3A_281 : vector<16x1xi32> to vector<16xi32>
          %gather3A_283 = tpu.dynamic_gather %add3A_277[%gather3A_282] in [0] : vector<16xf32>, vector<16xi32> -> vector<16xf32>
          %add3A_284 = arith.addf %add3A_277, %gather3A_283 : vector<16xf32>
          %xor3A_285 = arith.constant 2 : i32
          %xor3A_286 = vector.broadcast %xor3A_285 : i32 to vector<16xi32>
          %xor3A_287 = arith.xori %iota3A, %xor3A_286 : vector<16xi32>
          %broadcast_in_dim3A_288 = vector.shape_cast %xor3A_287 : vector<16xi32> to vector<16x1xi32>
          %gather3A_289 = vector.shape_cast %broadcast_in_dim3A_288 : vector<16x1xi32> to vector<16xi32>
          %gather3A_290 = tpu.dynamic_gather %add3A_284[%gather3A_289] in [0] : vector<16xf32>, vector<16xi32> -> vector<16xf32>
          %add3A_291 = arith.addf %add3A_284, %gather3A_290 : vector<16xf32>
          %xor3A_292 = arith.constant 1 : i32
          %xor3A_293 = vector.broadcast %xor3A_292 : i32 to vector<16xi32>
          %xor3A_294 = arith.xori %iota3A, %xor3A_293 : vector<16xi32>
          %broadcast_in_dim3A_295 = vector.shape_cast %xor3A_294 : vector<16xi32> to vector<16x1xi32>
          %gather3A_296 = vector.shape_cast %broadcast_in_dim3A_295 : vector<16x1xi32> to vector<16xi32>
          %gather3A_297 = tpu.dynamic_gather %add3A_291[%gather3A_296] in [0] : vector<16xf32>, vector<16xi32> -> vector<16xf32>
          %add3A_298 = arith.addf %add3A_291, %gather3A_297 : vector<16xf32>
          %mul3A_299 = arith.constant 8 : i32
          %mul3A_300 = arith.muli %scan3A_148, %mul3A_299 : i32
          %add3A_301 = arith.constant 0 : i32
          %add3A_302 = arith.addi %mul3A_300, %add3A_301 : i32
          %eq3A = vector.broadcast %add3A_302 : i32 to vector<16xi32>
          %eq3A_303 = arith.cmpi eq, %iota3A, %eq3A : vector<16xi32>
          %select_n3A = arith.select %eq3A_303, %add3A_298, %scan3A_149 : vector<16xi1>, vector<16xf32>
          %add3A_304 = arith.constant 1 : i32
          %add3A_305 = arith.addi %add3A_152, %add3A_304 : i32
          %broadcast_in_dim3A_306 = arith.constant 0.000000e+00 : f32
          %broadcast_in_dim3A_307 = vector.broadcast %broadcast_in_dim3A_306 : f32 to vector<16xf32>
          %get3A_308 = arith.index_cast %add3A_305 : i32 to index
          %get3A_309 = arith.constant 0 : index
          %get3A_310 = tpu.vector_load %arg7[%get3A_308, %get3A_309] {strides = array<i32>} : memref<408x64xi32, #tpu.memory_space<vmem>>, vector<1x16xi32>,
          %get3A_311 = vector.shape_cast %get3A_310 : vector<1x16xi32> to vector<16xi32>
          %shift_left3A_312 = arith.constant 16 : i32
          %shift_left3A_313 = vector.broadcast %shift_left3A_312 : i32 to vector<16xi32>
          %shift_left3A_314 = arith.shli %get3A_311, %shift_left3A_313 : vector<16xi32>
          %bitcast_convert_type3A_315 = tpu.bitcast %shift_left3A_314 : vector<16xi32> -> vector<16xf32>
          %and3A_316 = arith.constant -65536 : i32
          %and3A_317 = vector.broadcast %and3A_316 : i32 to vector<16xi32>
          %and3A_318 = arith.andi %get3A_311, %and3A_317 : vector<16xi32>
          %bitcast_convert_type3A_319 = tpu.bitcast %and3A_318 : vector<16xi32> -> vector<16xf32>
          %add3A_320 = arith.constant 200 : i32
          %add3A_321 = arith.addi %add3A_320, %add3A_305 : i32
          %get3A_322 = arith.index_cast %add3A_321 : i32 to index
          %get3A_323 = arith.constant 0 : index
          %get3A_324 = tpu.vector_load %arg7[%get3A_322, %get3A_323] {strides = array<i32>} : memref<408x64xi32, #tpu.memory_space<vmem>>, vector<1x16xi32>,
          %get3A_325 = vector.shape_cast %get3A_324 : vector<1x16xi32> to vector<16xi32>
          %shift_left3A_326 = arith.constant 16 : i32
          %shift_left3A_327 = vector.broadcast %shift_left3A_326 : i32 to vector<16xi32>
          %shift_left3A_328 = arith.shli %get3A_325, %shift_left3A_327 : vector<16xi32>
          %bitcast_convert_type3A_329 = tpu.bitcast %shift_left3A_328 : vector<16xi32> -> vector<16xf32>
          %and3A_330 = arith.constant -65536 : i32
          %and3A_331 = vector.broadcast %and3A_330 : i32 to vector<16xi32>
          %and3A_332 = arith.andi %get3A_325, %and3A_331 : vector<16xi32>
          %bitcast_convert_type3A_333 = tpu.bitcast %and3A_332 : vector<16xi32> -> vector<16xf32>
          %mul3A_334 = arith.mulf %bitcast_convert_type3A_315, %bitcast_convert_type3A_329 : vector<16xf32>
          %add3A_335 = arith.addf %broadcast_in_dim3A_307, %mul3A_334 : vector<16xf32>
          %mul3A_336 = arith.mulf %bitcast_convert_type3A_319, %bitcast_convert_type3A_333 : vector<16xf32>
          %add3A_337 = arith.addf %add3A_335, %mul3A_336 : vector<16xf32>
          %get3A_338 = arith.index_cast %add3A_305 : i32 to index
          %get3A_339 = arith.constant 16 : index
          %get3A_340 = tpu.vector_load %arg7[%get3A_338, %get3A_339] {strides = array<i32>} : memref<408x64xi32, #tpu.memory_space<vmem>>, vector<1x16xi32>,
          %get3A_341 = vector.shape_cast %get3A_340 : vector<1x16xi32> to vector<16xi32>
          %shift_left3A_342 = arith.constant 16 : i32
          %shift_left3A_343 = vector.broadcast %shift_left3A_342 : i32 to vector<16xi32>
          %shift_left3A_344 = arith.shli %get3A_341, %shift_left3A_343 : vector<16xi32>
          %bitcast_convert_type3A_345 = tpu.bitcast %shift_left3A_344 : vector<16xi32> -> vector<16xf32>
          %and3A_346 = arith.constant -65536 : i32
          %and3A_347 = vector.broadcast %and3A_346 : i32 to vector<16xi32>
          %and3A_348 = arith.andi %get3A_341, %and3A_347 : vector<16xi32>
          %bitcast_convert_type3A_349 = tpu.bitcast %and3A_348 : vector<16xi32> -> vector<16xf32>
          %add3A_350 = arith.constant 200 : i32
          %add3A_351 = arith.addi %add3A_350, %add3A_305 : i32
          %get3A_352 = arith.index_cast %add3A_351 : i32 to index
          %get3A_353 = arith.constant 16 : index
          %get3A_354 = tpu.vector_load %arg7[%get3A_352, %get3A_353] {strides = array<i32>} : memref<408x64xi32, #tpu.memory_space<vmem>>, vector<1x16xi32>,
          %get3A_355 = vector.shape_cast %get3A_354 : vector<1x16xi32> to vector<16xi32>
          %shift_left3A_356 = arith.constant 16 : i32
          %shift_left3A_357 = vector.broadcast %shift_left3A_356 : i32 to vector<16xi32>
          %shift_left3A_358 = arith.shli %get3A_355, %shift_left3A_357 : vector<16xi32>
          %bitcast_convert_type3A_359 = tpu.bitcast %shift_left3A_358 : vector<16xi32> -> vector<16xf32>
          %and3A_360 = arith.constant -65536 : i32
          %and3A_361 = vector.broadcast %and3A_360 : i32 to vector<16xi32>
          %and3A_362 = arith.andi %get3A_355, %and3A_361 : vector<16xi32>
          %bitcast_convert_type3A_363 = tpu.bitcast %and3A_362 : vector<16xi32> -> vector<16xf32>
          %mul3A_364 = arith.mulf %bitcast_convert_type3A_345, %bitcast_convert_type3A_359 : vector<16xf32>
          %add3A_365 = arith.addf %add3A_337, %mul3A_364 : vector<16xf32>
          %mul3A_366 = arith.mulf %bitcast_convert_type3A_349, %bitcast_convert_type3A_363 : vector<16xf32>
          %add3A_367 = arith.addf %add3A_365, %mul3A_366 : vector<16xf32>
          %get3A_368 = arith.index_cast %add3A_305 : i32 to index
          %get3A_369 = arith.constant 32 : index
          %get3A_370 = tpu.vector_load %arg7[%get3A_368, %get3A_369] {strides = array<i32>} : memref<408x64xi32, #tpu.memory_space<vmem>>, vector<1x16xi32>,
          %get3A_371 = vector.shape_cast %get3A_370 : vector<1x16xi32> to vector<16xi32>
          %shift_left3A_372 = arith.constant 16 : i32
          %shift_left3A_373 = vector.broadcast %shift_left3A_372 : i32 to vector<16xi32>
          %shift_left3A_374 = arith.shli %get3A_371, %shift_left3A_373 : vector<16xi32>
          %bitcast_convert_type3A_375 = tpu.bitcast %shift_left3A_374 : vector<16xi32> -> vector<16xf32>
          %and3A_376 = arith.constant -65536 : i32
          %and3A_377 = vector.broadcast %and3A_376 : i32 to vector<16xi32>
          %and3A_378 = arith.andi %get3A_371, %and3A_377 : vector<16xi32>
          %bitcast_convert_type3A_379 = tpu.bitcast %and3A_378 : vector<16xi32> -> vector<16xf32>
          %add3A_380 = arith.constant 200 : i32
          %add3A_381 = arith.addi %add3A_380, %add3A_305 : i32
          %get3A_382 = arith.index_cast %add3A_381 : i32 to index
          %get3A_383 = arith.constant 32 : index
          %get3A_384 = tpu.vector_load %arg7[%get3A_382, %get3A_383] {strides = array<i32>} : memref<408x64xi32, #tpu.memory_space<vmem>>, vector<1x16xi32>,
          %get3A_385 = vector.shape_cast %get3A_384 : vector<1x16xi32> to vector<16xi32>
          %shift_left3A_386 = arith.constant 16 : i32
          %shift_left3A_387 = vector.broadcast %shift_left3A_386 : i32 to vector<16xi32>
          %shift_left3A_388 = arith.shli %get3A_385, %shift_left3A_387 : vector<16xi32>
          %bitcast_convert_type3A_389 = tpu.bitcast %shift_left3A_388 : vector<16xi32> -> vector<16xf32>
          %and3A_390 = arith.constant -65536 : i32
          %and3A_391 = vector.broadcast %and3A_390 : i32 to vector<16xi32>
          %and3A_392 = arith.andi %get3A_385, %and3A_391 : vector<16xi32>
          %bitcast_convert_type3A_393 = tpu.bitcast %and3A_392 : vector<16xi32> -> vector<16xf32>
          %mul3A_394 = arith.mulf %bitcast_convert_type3A_375, %bitcast_convert_type3A_389 : vector<16xf32>
          %add3A_395 = arith.addf %add3A_367, %mul3A_394 : vector<16xf32>
          %mul3A_396 = arith.mulf %bitcast_convert_type3A_379, %bitcast_convert_type3A_393 : vector<16xf32>
          %add3A_397 = arith.addf %add3A_395, %mul3A_396 : vector<16xf32>
          %get3A_398 = arith.index_cast %add3A_305 : i32 to index
          %get3A_399 = arith.constant 48 : index
          %get3A_400 = tpu.vector_load %arg7[%get3A_398, %get3A_399] {strides = array<i32>} : memref<408x64xi32, #tpu.memory_space<vmem>>, vector<1x16xi32>,
          %get3A_401 = vector.shape_cast %get3A_400 : vector<1x16xi32> to vector<16xi32>
          %shift_left3A_402 = arith.constant 16 : i32
          %shift_left3A_403 = vector.broadcast %shift_left3A_402 : i32 to vector<16xi32>
          %shift_left3A_404 = arith.shli %get3A_401, %shift_left3A_403 : vector<16xi32>
          %bitcast_convert_type3A_405 = tpu.bitcast %shift_left3A_404 : vector<16xi32> -> vector<16xf32>
          %and3A_406 = arith.constant -65536 : i32
          %and3A_407 = vector.broadcast %and3A_406 : i32 to vector<16xi32>
          %and3A_408 = arith.andi %get3A_401, %and3A_407 : vector<16xi32>
          %bitcast_convert_type3A_409 = tpu.bitcast %and3A_408 : vector<16xi32> -> vector<16xf32>
          %add3A_410 = arith.constant 200 : i32
          %add3A_411 = arith.addi %add3A_410, %add3A_305 : i32
          %get3A_412 = arith.index_cast %add3A_411 : i32 to index
          %get3A_413 = arith.constant 48 : index
          %get3A_414 = tpu.vector_load %arg7[%get3A_412, %get3A_413] {strides = array<i32>} : memref<408x64xi32, #tpu.memory_space<vmem>>, vector<1x16xi32>,
          %get3A_415 = vector.shape_cast %get3A_414 : vector<1x16xi32> to vector<16xi32>
          %shift_left3A_416 = arith.constant 16 : i32
          %shift_left3A_417 = vector.broadcast %shift_left3A_416 : i32 to vector<16xi32>
          %shift_left3A_418 = arith.shli %get3A_415, %shift_left3A_417 : vector<16xi32>
          %bitcast_convert_type3A_419 = tpu.bitcast %shift_left3A_418 : vector<16xi32> -> vector<16xf32>
          %and3A_420 = arith.constant -65536 : i32
          %and3A_421 = vector.broadcast %and3A_420 : i32 to vector<16xi32>
          %and3A_422 = arith.andi %get3A_415, %and3A_421 : vector<16xi32>
          %bitcast_convert_type3A_423 = tpu.bitcast %and3A_422 : vector<16xi32> -> vector<16xf32>
          %mul3A_424 = arith.mulf %bitcast_convert_type3A_405, %bitcast_convert_type3A_419 : vector<16xf32>
          %add3A_425 = arith.addf %add3A_397, %mul3A_424 : vector<16xf32>
          %mul3A_426 = arith.mulf %bitcast_convert_type3A_409, %bitcast_convert_type3A_423 : vector<16xf32>
          %add3A_427 = arith.addf %add3A_425, %mul3A_426 : vector<16xf32>
          %xor3A_428 = arith.constant 8 : i32
          %xor3A_429 = vector.broadcast %xor3A_428 : i32 to vector<16xi32>
          %xor3A_430 = arith.xori %iota3A, %xor3A_429 : vector<16xi32>
          %broadcast_in_dim3A_431 = vector.shape_cast %xor3A_430 : vector<16xi32> to vector<16x1xi32>
          %gather3A_432 = vector.shape_cast %broadcast_in_dim3A_431 : vector<16x1xi32> to vector<16xi32>
          %gather3A_433 = tpu.dynamic_gather %add3A_427[%gather3A_432] in [0] : vector<16xf32>, vector<16xi32> -> vector<16xf32>
          %add3A_434 = arith.addf %add3A_427, %gather3A_433 : vector<16xf32>
          %xor3A_435 = arith.constant 4 : i32
          %xor3A_436 = vector.broadcast %xor3A_435 : i32 to vector<16xi32>
          %xor3A_437 = arith.xori %iota3A, %xor3A_436 : vector<16xi32>
          %broadcast_in_dim3A_438 = vector.shape_cast %xor3A_437 : vector<16xi32> to vector<16x1xi32>
          %gather3A_439 = vector.shape_cast %broadcast_in_dim3A_438 : vector<16x1xi32> to vector<16xi32>
          %gather3A_440 = tpu.dynamic_gather %add3A_434[%gather3A_439] in [0] : vector<16xf32>, vector<16xi32> -> vector<16xf32>
          %add3A_441 = arith.addf %add3A_434, %gather3A_440 : vector<16xf32>
          %xor3A_442 = arith.constant 2 : i32
          %xor3A_443 = vector.broadcast %xor3A_442 : i32 to vector<16xi32>
          %xor3A_444 = arith.xori %iota3A, %xor3A_443 : vector<16xi32>
          %broadcast_in_dim3A_445 = vector.shape_cast %xor3A_444 : vector<16xi32> to vector<16x1xi32>
          %gather3A_446 = vector.shape_cast %broadcast_in_dim3A_445 : vector<16x1xi32> to vector<16xi32>
          %gather3A_447 = tpu.dynamic_gather %add3A_441[%gather3A_446] in [0] : vector<16xf32>, vector<16xi32> -> vector<16xf32>
          %add3A_448 = arith.addf %add3A_441, %gather3A_447 : vector<16xf32>
          %xor3A_449 = arith.constant 1 : i32
          %xor3A_450 = vector.broadcast %xor3A_449 : i32 to vector<16xi32>
          %xor3A_451 = arith.xori %iota3A, %xor3A_450 : vector<16xi32>
          %broadcast_in_dim3A_452 = vector.shape_cast %xor3A_451 : vector<16xi32> to vector<16x1xi32>
          %gather3A_453 = vector.shape_cast %broadcast_in_dim3A_452 : vector<16x1xi32> to vector<16xi32>
          %gather3A_454 = tpu.dynamic_gather %add3A_448[%gather3A_453] in [0] : vector<16xf32>, vector<16xi32> -> vector<16xf32>
          %add3A_455 = arith.addf %add3A_448, %gather3A_454 : vector<16xf32>
          %mul3A_456 = arith.constant 8 : i32
          %mul3A_457 = arith.muli %scan3A_148, %mul3A_456 : i32
          %add3A_458 = arith.constant 1 : i32
          %add3A_459 = arith.addi %mul3A_457, %add3A_458 : i32
          %eq3A_460 = vector.broadcast %add3A_459 : i32 to vector<16xi32>
          %eq3A_461 = arith.cmpi eq, %iota3A, %eq3A_460 : vector<16xi32>
          %select_n3A_462 = arith.select %eq3A_461, %add3A_455, %select_n3A : vector<16xi1>, vector<16xf32>
          %add3A_463 = arith.constant 2 : i32
          %add3A_464 = arith.addi %add3A_152, %add3A_463 : i32
          %broadcast_in_dim3A_465 = arith.constant 0.000000e+00 : f32
          %broadcast_in_dim3A_466 = vector.broadcast %broadcast_in_dim3A_465 : f32 to vector<16xf32>
          %get3A_467 = arith.index_cast %add3A_464 : i32 to index
          %get3A_468 = arith.constant 0 : index
          %get3A_469 = tpu.vector_load %arg7[%get3A_467, %get3A_468] {strides = array<i32>} : memref<408x64xi32, #tpu.memory_space<vmem>>, vector<1x16xi32>,
          %get3A_470 = vector.shape_cast %get3A_469 : vector<1x16xi32> to vector<16xi32>
          %shift_left3A_471 = arith.constant 16 : i32
          %shift_left3A_472 = vector.broadcast %shift_left3A_471 : i32 to vector<16xi32>
          %shift_left3A_473 = arith.shli %get3A_470, %shift_left3A_472 : vector<16xi32>
          %bitcast_convert_type3A_474 = tpu.bitcast %shift_left3A_473 : vector<16xi32> -> vector<16xf32>
          %and3A_475 = arith.constant -65536 : i32
          %and3A_476 = vector.broadcast %and3A_475 : i32 to vector<16xi32>
          %and3A_477 = arith.andi %get3A_470, %and3A_476 : vector<16xi32>
          %bitcast_convert_type3A_478 = tpu.bitcast %and3A_477 : vector<16xi32> -> vector<16xf32>
          %add3A_479 = arith.constant 200 : i32
          %add3A_480 = arith.addi %add3A_479, %add3A_464 : i32
          %get3A_481 = arith.index_cast %add3A_480 : i32 to index
          %get3A_482 = arith.constant 0 : index
          %get3A_483 = tpu.vector_load %arg7[%get3A_481, %get3A_482] {strides = array<i32>} : memref<408x64xi32, #tpu.memory_space<vmem>>, vector<1x16xi32>,
          %get3A_484 = vector.shape_cast %get3A_483 : vector<1x16xi32> to vector<16xi32>
          %shift_left3A_485 = arith.constant 16 : i32
          %shift_left3A_486 = vector.broadcast %shift_left3A_485 : i32 to vector<16xi32>
          %shift_left3A_487 = arith.shli %get3A_484, %shift_left3A_486 : vector<16xi32>
          %bitcast_convert_type3A_488 = tpu.bitcast %shift_left3A_487 : vector<16xi32> -> vector<16xf32>
          %and3A_489 = arith.constant -65536 : i32
          %and3A_490 = vector.broadcast %and3A_489 : i32 to vector<16xi32>
          %and3A_491 = arith.andi %get3A_484, %and3A_490 : vector<16xi32>
          %bitcast_convert_type3A_492 = tpu.bitcast %and3A_491 : vector<16xi32> -> vector<16xf32>
          %mul3A_493 = arith.mulf %bitcast_convert_type3A_474, %bitcast_convert_type3A_488 : vector<16xf32>
          %add3A_494 = arith.addf %broadcast_in_dim3A_466, %mul3A_493 : vector<16xf32>
          %mul3A_495 = arith.mulf %bitcast_convert_type3A_478, %bitcast_convert_type3A_492 : vector<16xf32>
          %add3A_496 = arith.addf %add3A_494, %mul3A_495 : vector<16xf32>
          %get3A_497 = arith.index_cast %add3A_464 : i32 to index
          %get3A_498 = arith.constant 16 : index
          %get3A_499 = tpu.vector_load %arg7[%get3A_497, %get3A_498] {strides = array<i32>} : memref<408x64xi32, #tpu.memory_space<vmem>>, vector<1x16xi32>,
          %get3A_500 = vector.shape_cast %get3A_499 : vector<1x16xi32> to vector<16xi32>
          %shift_left3A_501 = arith.constant 16 : i32
          %shift_left3A_502 = vector.broadcast %shift_left3A_501 : i32 to vector<16xi32>
          %shift_left3A_503 = arith.shli %get3A_500, %shift_left3A_502 : vector<16xi32>
          %bitcast_convert_type3A_504 = tpu.bitcast %shift_left3A_503 : vector<16xi32> -> vector<16xf32>
          %and3A_505 = arith.constant -65536 : i32
          %and3A_506 = vector.broadcast %and3A_505 : i32 to vector<16xi32>
          %and3A_507 = arith.andi %get3A_500, %and3A_506 : vector<16xi32>
          %bitcast_convert_type3A_508 = tpu.bitcast %and3A_507 : vector<16xi32> -> vector<16xf32>
          %add3A_509 = arith.constant 200 : i32
          %add3A_510 = arith.addi %add3A_509, %add3A_464 : i32
          %get3A_511 = arith.index_cast %add3A_510 : i32 to index
          %get3A_512 = arith.constant 16 : index
          %get3A_513 = tpu.vector_load %arg7[%get3A_511, %get3A_512] {strides = array<i32>} : memref<408x64xi32, #tpu.memory_space<vmem>>, vector<1x16xi32>,
          %get3A_514 = vector.shape_cast %get3A_513 : vector<1x16xi32> to vector<16xi32>
          %shift_left3A_515 = arith.constant 16 : i32
          %shift_left3A_516 = vector.broadcast %shift_left3A_515 : i32 to vector<16xi32>
          %shift_left3A_517 = arith.shli %get3A_514, %shift_left3A_516 : vector<16xi32>
          %bitcast_convert_type3A_518 = tpu.bitcast %shift_left3A_517 : vector<16xi32> -> vector<16xf32>
          %and3A_519 = arith.constant -65536 : i32
          %and3A_520 = vector.broadcast %and3A_519 : i32 to vector<16xi32>
          %and3A_521 = arith.andi %get3A_514, %and3A_520 : vector<16xi32>
          %bitcast_convert_type3A_522 = tpu.bitcast %and3A_521 : vector<16xi32> -> vector<16xf32>
          %mul3A_523 = arith.mulf %bitcast_convert_type3A_504, %bitcast_convert_type3A_518 : vector<16xf32>
          %add3A_524 = arith.addf %add3A_496, %mul3A_523 : vector<16xf32>
          %mul3A_525 = arith.mulf %bitcast_convert_type3A_508, %bitcast_convert_type3A_522 : vector<16xf32>
          %add3A_526 = arith.addf %add3A_524, %mul3A_525 : vector<16xf32>
          %get3A_527 = arith.index_cast %add3A_464 : i32 to index
          %get3A_528 = arith.constant 32 : index
          %get3A_529 = tpu.vector_load %arg7[%get3A_527, %get3A_528] {strides = array<i32>} : memref<408x64xi32, #tpu.memory_space<vmem>>, vector<1x16xi32>,
          %get3A_530 = vector.shape_cast %get3A_529 : vector<1x16xi32> to vector<16xi32>
          %shift_left3A_531 = arith.constant 16 : i32
          %shift_left3A_532 = vector.broadcast %shift_left3A_531 : i32 to vector<16xi32>
          %shift_left3A_533 = arith.shli %get3A_530, %shift_left3A_532 : vector<16xi32>
          %bitcast_convert_type3A_534 = tpu.bitcast %shift_left3A_533 : vector<16xi32> -> vector<16xf32>
          %and3A_535 = arith.constant -65536 : i32
          %and3A_536 = vector.broadcast %and3A_535 : i32 to vector<16xi32>
          %and3A_537 = arith.andi %get3A_530, %and3A_536 : vector<16xi32>
          %bitcast_convert_type3A_538 = tpu.bitcast %and3A_537 : vector<16xi32> -> vector<16xf32>
          %add3A_539 = arith.constant 200 : i32
          %add3A_540 = arith.addi %add3A_539, %add3A_464 : i32
          %get3A_541 = arith.index_cast %add3A_540 : i32 to index
          %get3A_542 = arith.constant 32 : index
          %get3A_543 = tpu.vector_load %arg7[%get3A_541, %get3A_542] {strides = array<i32>} : memref<408x64xi32, #tpu.memory_space<vmem>>, vector<1x16xi32>,
          %get3A_544 = vector.shape_cast %get3A_543 : vector<1x16xi32> to vector<16xi32>
          %shift_left3A_545 = arith.constant 16 : i32
          %shift_left3A_546 = vector.broadcast %shift_left3A_545 : i32 to vector<16xi32>
          %shift_left3A_547 = arith.shli %get3A_544, %shift_left3A_546 : vector<16xi32>
          %bitcast_convert_type3A_548 = tpu.bitcast %shift_left3A_547 : vector<16xi32> -> vector<16xf32>
          %and3A_549 = arith.constant -65536 : i32
          %and3A_550 = vector.broadcast %and3A_549 : i32 to vector<16xi32>
          %and3A_551 = arith.andi %get3A_544, %and3A_550 : vector<16xi32>
          %bitcast_convert_type3A_552 = tpu.bitcast %and3A_551 : vector<16xi32> -> vector<16xf32>
          %mul3A_553 = arith.mulf %bitcast_convert_type3A_534, %bitcast_convert_type3A_548 : vector<16xf32>
          %add3A_554 = arith.addf %add3A_526, %mul3A_553 : vector<16xf32>
          %mul3A_555 = arith.mulf %bitcast_convert_type3A_538, %bitcast_convert_type3A_552 : vector<16xf32>
          %add3A_556 = arith.addf %add3A_554, %mul3A_555 : vector<16xf32>
          %get3A_557 = arith.index_cast %add3A_464 : i32 to index
          %get3A_558 = arith.constant 48 : index
          %get3A_559 = tpu.vector_load %arg7[%get3A_557, %get3A_558] {strides = array<i32>} : memref<408x64xi32, #tpu.memory_space<vmem>>, vector<1x16xi32>,
          %get3A_560 = vector.shape_cast %get3A_559 : vector<1x16xi32> to vector<16xi32>
          %shift_left3A_561 = arith.constant 16 : i32
          %shift_left3A_562 = vector.broadcast %shift_left3A_561 : i32 to vector<16xi32>
          %shift_left3A_563 = arith.shli %get3A_560, %shift_left3A_562 : vector<16xi32>
          %bitcast_convert_type3A_564 = tpu.bitcast %shift_left3A_563 : vector<16xi32> -> vector<16xf32>
          %and3A_565 = arith.constant -65536 : i32
          %and3A_566 = vector.broadcast %and3A_565 : i32 to vector<16xi32>
          %and3A_567 = arith.andi %get3A_560, %and3A_566 : vector<16xi32>
          %bitcast_convert_type3A_568 = tpu.bitcast %and3A_567 : vector<16xi32> -> vector<16xf32>
          %add3A_569 = arith.constant 200 : i32
          %add3A_570 = arith.addi %add3A_569, %add3A_464 : i32
          %get3A_571 = arith.index_cast %add3A_570 : i32 to index
          %get3A_572 = arith.constant 48 : index
          %get3A_573 = tpu.vector_load %arg7[%get3A_571, %get3A_572] {strides = array<i32>} : memref<408x64xi32, #tpu.memory_space<vmem>>, vector<1x16xi32>,
          %get3A_574 = vector.shape_cast %get3A_573 : vector<1x16xi32> to vector<16xi32>
          %shift_left3A_575 = arith.constant 16 : i32
          %shift_left3A_576 = vector.broadcast %shift_left3A_575 : i32 to vector<16xi32>
          %shift_left3A_577 = arith.shli %get3A_574, %shift_left3A_576 : vector<16xi32>
          %bitcast_convert_type3A_578 = tpu.bitcast %shift_left3A_577 : vector<16xi32> -> vector<16xf32>
          %and3A_579 = arith.constant -65536 : i32
          %and3A_580 = vector.broadcast %and3A_579 : i32 to vector<16xi32>
          %and3A_581 = arith.andi %get3A_574, %and3A_580 : vector<16xi32>
          %bitcast_convert_type3A_582 = tpu.bitcast %and3A_581 : vector<16xi32> -> vector<16xf32>
          %mul3A_583 = arith.mulf %bitcast_convert_type3A_564, %bitcast_convert_type3A_578 : vector<16xf32>
          %add3A_584 = arith.addf %add3A_556, %mul3A_583 : vector<16xf32>
          %mul3A_585 = arith.mulf %bitcast_convert_type3A_568, %bitcast_convert_type3A_582 : vector<16xf32>
          %add3A_586 = arith.addf %add3A_584, %mul3A_585 : vector<16xf32>
          %xor3A_587 = arith.constant 8 : i32
          %xor3A_588 = vector.broadcast %xor3A_587 : i32 to vector<16xi32>
          %xor3A_589 = arith.xori %iota3A, %xor3A_588 : vector<16xi32>
          %broadcast_in_dim3A_590 = vector.shape_cast %xor3A_589 : vector<16xi32> to vector<16x1xi32>
          %gather3A_591 = vector.shape_cast %broadcast_in_dim3A_590 : vector<16x1xi32> to vector<16xi32>
          %gather3A_592 = tpu.dynamic_gather %add3A_586[%gather3A_591] in [0] : vector<16xf32>, vector<16xi32> -> vector<16xf32>
          %add3A_593 = arith.addf %add3A_586, %gather3A_592 : vector<16xf32>
          %xor3A_594 = arith.constant 4 : i32
          %xor3A_595 = vector.broadcast %xor3A_594 : i32 to vector<16xi32>
          %xor3A_596 = arith.xori %iota3A, %xor3A_595 : vector<16xi32>
          %broadcast_in_dim3A_597 = vector.shape_cast %xor3A_596 : vector<16xi32> to vector<16x1xi32>
          %gather3A_598 = vector.shape_cast %broadcast_in_dim3A_597 : vector<16x1xi32> to vector<16xi32>
          %gather3A_599 = tpu.dynamic_gather %add3A_593[%gather3A_598] in [0] : vector<16xf32>, vector<16xi32> -> vector<16xf32>
          %add3A_600 = arith.addf %add3A_593, %gather3A_599 : vector<16xf32>
          %xor3A_601 = arith.constant 2 : i32
          %xor3A_602 = vector.broadcast %xor3A_601 : i32 to vector<16xi32>
          %xor3A_603 = arith.xori %iota3A, %xor3A_602 : vector<16xi32>
          %broadcast_in_dim3A_604 = vector.shape_cast %xor3A_603 : vector<16xi32> to vector<16x1xi32>
          %gather3A_605 = vector.shape_cast %broadcast_in_dim3A_604 : vector<16x1xi32> to vector<16xi32>
          %gather3A_606 = tpu.dynamic_gather %add3A_600[%gather3A_605] in [0] : vector<16xf32>, vector<16xi32> -> vector<16xf32>
          %add3A_607 = arith.addf %add3A_600, %gather3A_606 : vector<16xf32>
          %xor3A_608 = arith.constant 1 : i32
          %xor3A_609 = vector.broadcast %xor3A_608 : i32 to vector<16xi32>
          %xor3A_610 = arith.xori %iota3A, %xor3A_609 : vector<16xi32>
          %broadcast_in_dim3A_611 = vector.shape_cast %xor3A_610 : vector<16xi32> to vector<16x1xi32>
          %gather3A_612 = vector.shape_cast %broadcast_in_dim3A_611 : vector<16x1xi32> to vector<16xi32>
          %gather3A_613 = tpu.dynamic_gather %add3A_607[%gather3A_612] in [0] : vector<16xf32>, vector<16xi32> -> vector<16xf32>
          %add3A_614 = arith.addf %add3A_607, %gather3A_613 : vector<16xf32>
          %mul3A_615 = arith.constant 8 : i32
          %mul3A_616 = arith.muli %scan3A_148, %mul3A_615 : i32
          %add3A_617 = arith.constant 2 : i32
          %add3A_618 = arith.addi %mul3A_616, %add3A_617 : i32
          %eq3A_619 = vector.broadcast %add3A_618 : i32 to vector<16xi32>
          %eq3A_620 = arith.cmpi eq, %iota3A, %eq3A_619 : vector<16xi32>
          %select_n3A_621 = arith.select %eq3A_620, %add3A_614, %select_n3A_462 : vector<16xi1>, vector<16xf32>
          %add3A_622 = arith.constant 3 : i32
          %add3A_623 = arith.addi %add3A_152, %add3A_622 : i32
          %broadcast_in_dim3A_624 = arith.constant 0.000000e+00 : f32
          %broadcast_in_dim3A_625 = vector.broadcast %broadcast_in_dim3A_624 : f32 to vector<16xf32>
          %get3A_626 = arith.index_cast %add3A_623 : i32 to index
          %get3A_627 = arith.constant 0 : index
          %get3A_628 = tpu.vector_load %arg7[%get3A_626, %get3A_627] {strides = array<i32>} : memref<408x64xi32, #tpu.memory_space<vmem>>, vector<1x16xi32>,
          %get3A_629 = vector.shape_cast %get3A_628 : vector<1x16xi32> to vector<16xi32>
          %shift_left3A_630 = arith.constant 16 : i32
          %shift_left3A_631 = vector.broadcast %shift_left3A_630 : i32 to vector<16xi32>
          %shift_left3A_632 = arith.shli %get3A_629, %shift_left3A_631 : vector<16xi32>
          %bitcast_convert_type3A_633 = tpu.bitcast %shift_left3A_632 : vector<16xi32> -> vector<16xf32>
          %and3A_634 = arith.constant -65536 : i32
          %and3A_635 = vector.broadcast %and3A_634 : i32 to vector<16xi32>
          %and3A_636 = arith.andi %get3A_629, %and3A_635 : vector<16xi32>
          %bitcast_convert_type3A_637 = tpu.bitcast %and3A_636 : vector<16xi32> -> vector<16xf32>
          %add3A_638 = arith.constant 200 : i32
          %add3A_639 = arith.addi %add3A_638, %add3A_623 : i32
          %get3A_640 = arith.index_cast %add3A_639 : i32 to index
          %get3A_641 = arith.constant 0 : index
          %get3A_642 = tpu.vector_load %arg7[%get3A_640, %get3A_641] {strides = array<i32>} : memref<408x64xi32, #tpu.memory_space<vmem>>, vector<1x16xi32>,
          %get3A_643 = vector.shape_cast %get3A_642 : vector<1x16xi32> to vector<16xi32>
          %shift_left3A_644 = arith.constant 16 : i32
          %shift_left3A_645 = vector.broadcast %shift_left3A_644 : i32 to vector<16xi32>
          %shift_left3A_646 = arith.shli %get3A_643, %shift_left3A_645 : vector<16xi32>
          %bitcast_convert_type3A_647 = tpu.bitcast %shift_left3A_646 : vector<16xi32> -> vector<16xf32>
          %and3A_648 = arith.constant -65536 : i32
          %and3A_649 = vector.broadcast %and3A_648 : i32 to vector<16xi32>
          %and3A_650 = arith.andi %get3A_643, %and3A_649 : vector<16xi32>
          %bitcast_convert_type3A_651 = tpu.bitcast %and3A_650 : vector<16xi32> -> vector<16xf32>
          %mul3A_652 = arith.mulf %bitcast_convert_type3A_633, %bitcast_convert_type3A_647 : vector<16xf32>
          %add3A_653 = arith.addf %broadcast_in_dim3A_625, %mul3A_652 : vector<16xf32>
          %mul3A_654 = arith.mulf %bitcast_convert_type3A_637, %bitcast_convert_type3A_651 : vector<16xf32>
          %add3A_655 = arith.addf %add3A_653, %mul3A_654 : vector<16xf32>
          %get3A_656 = arith.index_cast %add3A_623 : i32 to index
          %get3A_657 = arith.constant 16 : index
          %get3A_658 = tpu.vector_load %arg7[%get3A_656, %get3A_657] {strides = array<i32>} : memref<408x64xi32, #tpu.memory_space<vmem>>, vector<1x16xi32>,
          %get3A_659 = vector.shape_cast %get3A_658 : vector<1x16xi32> to vector<16xi32>
          %shift_left3A_660 = arith.constant 16 : i32
          %shift_left3A_661 = vector.broadcast %shift_left3A_660 : i32 to vector<16xi32>
          %shift_left3A_662 = arith.shli %get3A_659, %shift_left3A_661 : vector<16xi32>
          %bitcast_convert_type3A_663 = tpu.bitcast %shift_left3A_662 : vector<16xi32> -> vector<16xf32>
          %and3A_664 = arith.constant -65536 : i32
          %and3A_665 = vector.broadcast %and3A_664 : i32 to vector<16xi32>
          %and3A_666 = arith.andi %get3A_659, %and3A_665 : vector<16xi32>
          %bitcast_convert_type3A_667 = tpu.bitcast %and3A_666 : vector<16xi32> -> vector<16xf32>
          %add3A_668 = arith.constant 200 : i32
          %add3A_669 = arith.addi %add3A_668, %add3A_623 : i32
          %get3A_670 = arith.index_cast %add3A_669 : i32 to index
          %get3A_671 = arith.constant 16 : index
          %get3A_672 = tpu.vector_load %arg7[%get3A_670, %get3A_671] {strides = array<i32>} : memref<408x64xi32, #tpu.memory_space<vmem>>, vector<1x16xi32>,
          %get3A_673 = vector.shape_cast %get3A_672 : vector<1x16xi32> to vector<16xi32>
          %shift_left3A_674 = arith.constant 16 : i32
          %shift_left3A_675 = vector.broadcast %shift_left3A_674 : i32 to vector<16xi32>
          %shift_left3A_676 = arith.shli %get3A_673, %shift_left3A_675 : vector<16xi32>
          %bitcast_convert_type3A_677 = tpu.bitcast %shift_left3A_676 : vector<16xi32> -> vector<16xf32>
          %and3A_678 = arith.constant -65536 : i32
          %and3A_679 = vector.broadcast %and3A_678 : i32 to vector<16xi32>
          %and3A_680 = arith.andi %get3A_673, %and3A_679 : vector<16xi32>
          %bitcast_convert_type3A_681 = tpu.bitcast %and3A_680 : vector<16xi32> -> vector<16xf32>
          %mul3A_682 = arith.mulf %bitcast_convert_type3A_663, %bitcast_convert_type3A_677 : vector<16xf32>
          %add3A_683 = arith.addf %add3A_655, %mul3A_682 : vector<16xf32>
          %mul3A_684 = arith.mulf %bitcast_convert_type3A_667, %bitcast_convert_type3A_681 : vector<16xf32>
          %add3A_685 = arith.addf %add3A_683, %mul3A_684 : vector<16xf32>
          %get3A_686 = arith.index_cast %add3A_623 : i32 to index
          %get3A_687 = arith.constant 32 : index
          %get3A_688 = tpu.vector_load %arg7[%get3A_686, %get3A_687] {strides = array<i32>} : memref<408x64xi32, #tpu.memory_space<vmem>>, vector<1x16xi32>,
          %get3A_689 = vector.shape_cast %get3A_688 : vector<1x16xi32> to vector<16xi32>
          %shift_left3A_690 = arith.constant 16 : i32
          %shift_left3A_691 = vector.broadcast %shift_left3A_690 : i32 to vector<16xi32>
          %shift_left3A_692 = arith.shli %get3A_689, %shift_left3A_691 : vector<16xi32>
          %bitcast_convert_type3A_693 = tpu.bitcast %shift_left3A_692 : vector<16xi32> -> vector<16xf32>
          %and3A_694 = arith.constant -65536 : i32
          %and3A_695 = vector.broadcast %and3A_694 : i32 to vector<16xi32>
          %and3A_696 = arith.andi %get3A_689, %and3A_695 : vector<16xi32>
          %bitcast_convert_type3A_697 = tpu.bitcast %and3A_696 : vector<16xi32> -> vector<16xf32>
          %add3A_698 = arith.constant 200 : i32
          %add3A_699 = arith.addi %add3A_698, %add3A_623 : i32
          %get3A_700 = arith.index_cast %add3A_699 : i32 to index
          %get3A_701 = arith.constant 32 : index
          %get3A_702 = tpu.vector_load %arg7[%get3A_700, %get3A_701] {strides = array<i32>} : memref<408x64xi32, #tpu.memory_space<vmem>>, vector<1x16xi32>,
          %get3A_703 = vector.shape_cast %get3A_702 : vector<1x16xi32> to vector<16xi32>
          %shift_left3A_704 = arith.constant 16 : i32
          %shift_left3A_705 = vector.broadcast %shift_left3A_704 : i32 to vector<16xi32>
          %shift_left3A_706 = arith.shli %get3A_703, %shift_left3A_705 : vector<16xi32>
          %bitcast_convert_type3A_707 = tpu.bitcast %shift_left3A_706 : vector<16xi32> -> vector<16xf32>
          %and3A_708 = arith.constant -65536 : i32
          %and3A_709 = vector.broadcast %and3A_708 : i32 to vector<16xi32>
          %and3A_710 = arith.andi %get3A_703, %and3A_709 : vector<16xi32>
          %bitcast_convert_type3A_711 = tpu.bitcast %and3A_710 : vector<16xi32> -> vector<16xf32>
          %mul3A_712 = arith.mulf %bitcast_convert_type3A_693, %bitcast_convert_type3A_707 : vector<16xf32>
          %add3A_713 = arith.addf %add3A_685, %mul3A_712 : vector<16xf32>
          %mul3A_714 = arith.mulf %bitcast_convert_type3A_697, %bitcast_convert_type3A_711 : vector<16xf32>
          %add3A_715 = arith.addf %add3A_713, %mul3A_714 : vector<16xf32>
          %get3A_716 = arith.index_cast %add3A_623 : i32 to index
          %get3A_717 = arith.constant 48 : index
          %get3A_718 = tpu.vector_load %arg7[%get3A_716, %get3A_717] {strides = array<i32>} : memref<408x64xi32, #tpu.memory_space<vmem>>, vector<1x16xi32>,
          %get3A_719 = vector.shape_cast %get3A_718 : vector<1x16xi32> to vector<16xi32>
          %shift_left3A_720 = arith.constant 16 : i32
          %shift_left3A_721 = vector.broadcast %shift_left3A_720 : i32 to vector<16xi32>
          %shift_left3A_722 = arith.shli %get3A_719, %shift_left3A_721 : vector<16xi32>
          %bitcast_convert_type3A_723 = tpu.bitcast %shift_left3A_722 : vector<16xi32> -> vector<16xf32>
          %and3A_724 = arith.constant -65536 : i32
          %and3A_725 = vector.broadcast %and3A_724 : i32 to vector<16xi32>
          %and3A_726 = arith.andi %get3A_719, %and3A_725 : vector<16xi32>
          %bitcast_convert_type3A_727 = tpu.bitcast %and3A_726 : vector<16xi32> -> vector<16xf32>
          %add3A_728 = arith.constant 200 : i32
          %add3A_729 = arith.addi %add3A_728, %add3A_623 : i32
          %get3A_730 = arith.index_cast %add3A_729 : i32 to index
          %get3A_731 = arith.constant 48 : index
          %get3A_732 = tpu.vector_load %arg7[%get3A_730, %get3A_731] {strides = array<i32>} : memref<408x64xi32, #tpu.memory_space<vmem>>, vector<1x16xi32>,
          %get3A_733 = vector.shape_cast %get3A_732 : vector<1x16xi32> to vector<16xi32>
          %shift_left3A_734 = arith.constant 16 : i32
          %shift_left3A_735 = vector.broadcast %shift_left3A_734 : i32 to vector<16xi32>
          %shift_left3A_736 = arith.shli %get3A_733, %shift_left3A_735 : vector<16xi32>
          %bitcast_convert_type3A_737 = tpu.bitcast %shift_left3A_736 : vector<16xi32> -> vector<16xf32>
          %and3A_738 = arith.constant -65536 : i32
          %and3A_739 = vector.broadcast %and3A_738 : i32 to vector<16xi32>
          %and3A_740 = arith.andi %get3A_733, %and3A_739 : vector<16xi32>
          %bitcast_convert_type3A_741 = tpu.bitcast %and3A_740 : vector<16xi32> -> vector<16xf32>
          %mul3A_742 = arith.mulf %bitcast_convert_type3A_723, %bitcast_convert_type3A_737 : vector<16xf32>
          %add3A_743 = arith.addf %add3A_715, %mul3A_742 : vector<16xf32>
          %mul3A_744 = arith.mulf %bitcast_convert_type3A_727, %bitcast_convert_type3A_741 : vector<16xf32>
          %add3A_745 = arith.addf %add3A_743, %mul3A_744 : vector<16xf32>
          %xor3A_746 = arith.constant 8 : i32
          %xor3A_747 = vector.broadcast %xor3A_746 : i32 to vector<16xi32>
          %xor3A_748 = arith.xori %iota3A, %xor3A_747 : vector<16xi32>
          %broadcast_in_dim3A_749 = vector.shape_cast %xor3A_748 : vector<16xi32> to vector<16x1xi32>
          %gather3A_750 = vector.shape_cast %broadcast_in_dim3A_749 : vector<16x1xi32> to vector<16xi32>
          %gather3A_751 = tpu.dynamic_gather %add3A_745[%gather3A_750] in [0] : vector<16xf32>, vector<16xi32> -> vector<16xf32>
          %add3A_752 = arith.addf %add3A_745, %gather3A_751 : vector<16xf32>
          %xor3A_753 = arith.constant 4 : i32
          %xor3A_754 = vector.broadcast %xor3A_753 : i32 to vector<16xi32>
          %xor3A_755 = arith.xori %iota3A, %xor3A_754 : vector<16xi32>
          %broadcast_in_dim3A_756 = vector.shape_cast %xor3A_755 : vector<16xi32> to vector<16x1xi32>
          %gather3A_757 = vector.shape_cast %broadcast_in_dim3A_756 : vector<16x1xi32> to vector<16xi32>
          %gather3A_758 = tpu.dynamic_gather %add3A_752[%gather3A_757] in [0] : vector<16xf32>, vector<16xi32> -> vector<16xf32>
          %add3A_759 = arith.addf %add3A_752, %gather3A_758 : vector<16xf32>
          %xor3A_760 = arith.constant 2 : i32
          %xor3A_761 = vector.broadcast %xor3A_760 : i32 to vector<16xi32>
          %xor3A_762 = arith.xori %iota3A, %xor3A_761 : vector<16xi32>
          %broadcast_in_dim3A_763 = vector.shape_cast %xor3A_762 : vector<16xi32> to vector<16x1xi32>
          %gather3A_764 = vector.shape_cast %broadcast_in_dim3A_763 : vector<16x1xi32> to vector<16xi32>
          %gather3A_765 = tpu.dynamic_gather %add3A_759[%gather3A_764] in [0] : vector<16xf32>, vector<16xi32> -> vector<16xf32>
          %add3A_766 = arith.addf %add3A_759, %gather3A_765 : vector<16xf32>
          %xor3A_767 = arith.constant 1 : i32
          %xor3A_768 = vector.broadcast %xor3A_767 : i32 to vector<16xi32>
          %xor3A_769 = arith.xori %iota3A, %xor3A_768 : vector<16xi32>
          %broadcast_in_dim3A_770 = vector.shape_cast %xor3A_769 : vector<16xi32> to vector<16x1xi32>
          %gather3A_771 = vector.shape_cast %broadcast_in_dim3A_770 : vector<16x1xi32> to vector<16xi32>
          %gather3A_772 = tpu.dynamic_gather %add3A_766[%gather3A_771] in [0] : vector<16xf32>, vector<16xi32> -> vector<16xf32>
          %add3A_773 = arith.addf %add3A_766, %gather3A_772 : vector<16xf32>
          %mul3A_774 = arith.constant 8 : i32
          %mul3A_775 = arith.muli %scan3A_148, %mul3A_774 : i32
          %add3A_776 = arith.constant 3 : i32
          %add3A_777 = arith.addi %mul3A_775, %add3A_776 : i32
          %eq3A_778 = vector.broadcast %add3A_777 : i32 to vector<16xi32>
          %eq3A_779 = arith.cmpi eq, %iota3A, %eq3A_778 : vector<16xi32>
          %select_n3A_780 = arith.select %eq3A_779, %add3A_773, %select_n3A_621 : vector<16xi1>, vector<16xf32>
          %add3A_781 = arith.constant 4 : i32
          %add3A_782 = arith.addi %add3A_152, %add3A_781 : i32
          %broadcast_in_dim3A_783 = arith.constant 0.000000e+00 : f32
          %broadcast_in_dim3A_784 = vector.broadcast %broadcast_in_dim3A_783 : f32 to vector<16xf32>
          %get3A_785 = arith.index_cast %add3A_782 : i32 to index
          %get3A_786 = arith.constant 0 : index
          %get3A_787 = tpu.vector_load %arg7[%get3A_785, %get3A_786] {strides = array<i32>} : memref<408x64xi32, #tpu.memory_space<vmem>>, vector<1x16xi32>,
          %get3A_788 = vector.shape_cast %get3A_787 : vector<1x16xi32> to vector<16xi32>
          %shift_left3A_789 = arith.constant 16 : i32
          %shift_left3A_790 = vector.broadcast %shift_left3A_789 : i32 to vector<16xi32>
          %shift_left3A_791 = arith.shli %get3A_788, %shift_left3A_790 : vector<16xi32>
          %bitcast_convert_type3A_792 = tpu.bitcast %shift_left3A_791 : vector<16xi32> -> vector<16xf32>
          %and3A_793 = arith.constant -65536 : i32
          %and3A_794 = vector.broadcast %and3A_793 : i32 to vector<16xi32>
          %and3A_795 = arith.andi %get3A_788, %and3A_794 : vector<16xi32>
          %bitcast_convert_type3A_796 = tpu.bitcast %and3A_795 : vector<16xi32> -> vector<16xf32>
          %add3A_797 = arith.constant 200 : i32
          %add3A_798 = arith.addi %add3A_797, %add3A_782 : i32
          %get3A_799 = arith.index_cast %add3A_798 : i32 to index
          %get3A_800 = arith.constant 0 : index
          %get3A_801 = tpu.vector_load %arg7[%get3A_799, %get3A_800] {strides = array<i32>} : memref<408x64xi32, #tpu.memory_space<vmem>>, vector<1x16xi32>,
          %get3A_802 = vector.shape_cast %get3A_801 : vector<1x16xi32> to vector<16xi32>
          %shift_left3A_803 = arith.constant 16 : i32
          %shift_left3A_804 = vector.broadcast %shift_left3A_803 : i32 to vector<16xi32>
          %shift_left3A_805 = arith.shli %get3A_802, %shift_left3A_804 : vector<16xi32>
          %bitcast_convert_type3A_806 = tpu.bitcast %shift_left3A_805 : vector<16xi32> -> vector<16xf32>
          %and3A_807 = arith.constant -65536 : i32
          %and3A_808 = vector.broadcast %and3A_807 : i32 to vector<16xi32>
          %and3A_809 = arith.andi %get3A_802, %and3A_808 : vector<16xi32>
          %bitcast_convert_type3A_810 = tpu.bitcast %and3A_809 : vector<16xi32> -> vector<16xf32>
          %mul3A_811 = arith.mulf %bitcast_convert_type3A_792, %bitcast_convert_type3A_806 : vector<16xf32>
          %add3A_812 = arith.addf %broadcast_in_dim3A_784, %mul3A_811 : vector<16xf32>
          %mul3A_813 = arith.mulf %bitcast_convert_type3A_796, %bitcast_convert_type3A_810 : vector<16xf32>
          %add3A_814 = arith.addf %add3A_812, %mul3A_813 : vector<16xf32>
          %get3A_815 = arith.index_cast %add3A_782 : i32 to index
          %get3A_816 = arith.constant 16 : index
          %get3A_817 = tpu.vector_load %arg7[%get3A_815, %get3A_816] {strides = array<i32>} : memref<408x64xi32, #tpu.memory_space<vmem>>, vector<1x16xi32>,
          %get3A_818 = vector.shape_cast %get3A_817 : vector<1x16xi32> to vector<16xi32>
          %shift_left3A_819 = arith.constant 16 : i32
          %shift_left3A_820 = vector.broadcast %shift_left3A_819 : i32 to vector<16xi32>
          %shift_left3A_821 = arith.shli %get3A_818, %shift_left3A_820 : vector<16xi32>
          %bitcast_convert_type3A_822 = tpu.bitcast %shift_left3A_821 : vector<16xi32> -> vector<16xf32>
          %and3A_823 = arith.constant -65536 : i32
          %and3A_824 = vector.broadcast %and3A_823 : i32 to vector<16xi32>
          %and3A_825 = arith.andi %get3A_818, %and3A_824 : vector<16xi32>
          %bitcast_convert_type3A_826 = tpu.bitcast %and3A_825 : vector<16xi32> -> vector<16xf32>
          %add3A_827 = arith.constant 200 : i32
          %add3A_828 = arith.addi %add3A_827, %add3A_782 : i32
          %get3A_829 = arith.index_cast %add3A_828 : i32 to index
          %get3A_830 = arith.constant 16 : index
          %get3A_831 = tpu.vector_load %arg7[%get3A_829, %get3A_830] {strides = array<i32>} : memref<408x64xi32, #tpu.memory_space<vmem>>, vector<1x16xi32>,
          %get3A_832 = vector.shape_cast %get3A_831 : vector<1x16xi32> to vector<16xi32>
          %shift_left3A_833 = arith.constant 16 : i32
          %shift_left3A_834 = vector.broadcast %shift_left3A_833 : i32 to vector<16xi32>
          %shift_left3A_835 = arith.shli %get3A_832, %shift_left3A_834 : vector<16xi32>
          %bitcast_convert_type3A_836 = tpu.bitcast %shift_left3A_835 : vector<16xi32> -> vector<16xf32>
          %and3A_837 = arith.constant -65536 : i32
          %and3A_838 = vector.broadcast %and3A_837 : i32 to vector<16xi32>
          %and3A_839 = arith.andi %get3A_832, %and3A_838 : vector<16xi32>
          %bitcast_convert_type3A_840 = tpu.bitcast %and3A_839 : vector<16xi32> -> vector<16xf32>
          %mul3A_841 = arith.mulf %bitcast_convert_type3A_822, %bitcast_convert_type3A_836 : vector<16xf32>
          %add3A_842 = arith.addf %add3A_814, %mul3A_841 : vector<16xf32>
          %mul3A_843 = arith.mulf %bitcast_convert_type3A_826, %bitcast_convert_type3A_840 : vector<16xf32>
          %add3A_844 = arith.addf %add3A_842, %mul3A_843 : vector<16xf32>
          %get3A_845 = arith.index_cast %add3A_782 : i32 to index
          %get3A_846 = arith.constant 32 : index
          %get3A_847 = tpu.vector_load %arg7[%get3A_845, %get3A_846] {strides = array<i32>} : memref<408x64xi32, #tpu.memory_space<vmem>>, vector<1x16xi32>,
          %get3A_848 = vector.shape_cast %get3A_847 : vector<1x16xi32> to vector<16xi32>
          %shift_left3A_849 = arith.constant 16 : i32
          %shift_left3A_850 = vector.broadcast %shift_left3A_849 : i32 to vector<16xi32>
          %shift_left3A_851 = arith.shli %get3A_848, %shift_left3A_850 : vector<16xi32>
          %bitcast_convert_type3A_852 = tpu.bitcast %shift_left3A_851 : vector<16xi32> -> vector<16xf32>
          %and3A_853 = arith.constant -65536 : i32
          %and3A_854 = vector.broadcast %and3A_853 : i32 to vector<16xi32>
          %and3A_855 = arith.andi %get3A_848, %and3A_854 : vector<16xi32>
          %bitcast_convert_type3A_856 = tpu.bitcast %and3A_855 : vector<16xi32> -> vector<16xf32>
          %add3A_857 = arith.constant 200 : i32
          %add3A_858 = arith.addi %add3A_857, %add3A_782 : i32
          %get3A_859 = arith.index_cast %add3A_858 : i32 to index
          %get3A_860 = arith.constant 32 : index
          %get3A_861 = tpu.vector_load %arg7[%get3A_859, %get3A_860] {strides = array<i32>} : memref<408x64xi32, #tpu.memory_space<vmem>>, vector<1x16xi32>,
          %get3A_862 = vector.shape_cast %get3A_861 : vector<1x16xi32> to vector<16xi32>
          %shift_left3A_863 = arith.constant 16 : i32
          %shift_left3A_864 = vector.broadcast %shift_left3A_863 : i32 to vector<16xi32>
          %shift_left3A_865 = arith.shli %get3A_862, %shift_left3A_864 : vector<16xi32>
          %bitcast_convert_type3A_866 = tpu.bitcast %shift_left3A_865 : vector<16xi32> -> vector<16xf32>
          %and3A_867 = arith.constant -65536 : i32
          %and3A_868 = vector.broadcast %and3A_867 : i32 to vector<16xi32>
          %and3A_869 = arith.andi %get3A_862, %and3A_868 : vector<16xi32>
          %bitcast_convert_type3A_870 = tpu.bitcast %and3A_869 : vector<16xi32> -> vector<16xf32>
          %mul3A_871 = arith.mulf %bitcast_convert_type3A_852, %bitcast_convert_type3A_866 : vector<16xf32>
          %add3A_872 = arith.addf %add3A_844, %mul3A_871 : vector<16xf32>
          %mul3A_873 = arith.mulf %bitcast_convert_type3A_856, %bitcast_convert_type3A_870 : vector<16xf32>
          %add3A_874 = arith.addf %add3A_872, %mul3A_873 : vector<16xf32>
          %get3A_875 = arith.index_cast %add3A_782 : i32 to index
          %get3A_876 = arith.constant 48 : index
          %get3A_877 = tpu.vector_load %arg7[%get3A_875, %get3A_876] {strides = array<i32>} : memref<408x64xi32, #tpu.memory_space<vmem>>, vector<1x16xi32>,
          %get3A_878 = vector.shape_cast %get3A_877 : vector<1x16xi32> to vector<16xi32>
          %shift_left3A_879 = arith.constant 16 : i32
          %shift_left3A_880 = vector.broadcast %shift_left3A_879 : i32 to vector<16xi32>
          %shift_left3A_881 = arith.shli %get3A_878, %shift_left3A_880 : vector<16xi32>
          %bitcast_convert_type3A_882 = tpu.bitcast %shift_left3A_881 : vector<16xi32> -> vector<16xf32>
          %and3A_883 = arith.constant -65536 : i32
          %and3A_884 = vector.broadcast %and3A_883 : i32 to vector<16xi32>
          %and3A_885 = arith.andi %get3A_878, %and3A_884 : vector<16xi32>
          %bitcast_convert_type3A_886 = tpu.bitcast %and3A_885 : vector<16xi32> -> vector<16xf32>
          %add3A_887 = arith.constant 200 : i32
          %add3A_888 = arith.addi %add3A_887, %add3A_782 : i32
          %get3A_889 = arith.index_cast %add3A_888 : i32 to index
          %get3A_890 = arith.constant 48 : index
          %get3A_891 = tpu.vector_load %arg7[%get3A_889, %get3A_890] {strides = array<i32>} : memref<408x64xi32, #tpu.memory_space<vmem>>, vector<1x16xi32>,
          %get3A_892 = vector.shape_cast %get3A_891 : vector<1x16xi32> to vector<16xi32>
          %shift_left3A_893 = arith.constant 16 : i32
          %shift_left3A_894 = vector.broadcast %shift_left3A_893 : i32 to vector<16xi32>
          %shift_left3A_895 = arith.shli %get3A_892, %shift_left3A_894 : vector<16xi32>
          %bitcast_convert_type3A_896 = tpu.bitcast %shift_left3A_895 : vector<16xi32> -> vector<16xf32>
          %and3A_897 = arith.constant -65536 : i32
          %and3A_898 = vector.broadcast %and3A_897 : i32 to vector<16xi32>
          %and3A_899 = arith.andi %get3A_892, %and3A_898 : vector<16xi32>
          %bitcast_convert_type3A_900 = tpu.bitcast %and3A_899 : vector<16xi32> -> vector<16xf32>
          %mul3A_901 = arith.mulf %bitcast_convert_type3A_882, %bitcast_convert_type3A_896 : vector<16xf32>
          %add3A_902 = arith.addf %add3A_874, %mul3A_901 : vector<16xf32>
          %mul3A_903 = arith.mulf %bitcast_convert_type3A_886, %bitcast_convert_type3A_900 : vector<16xf32>
          %add3A_904 = arith.addf %add3A_902, %mul3A_903 : vector<16xf32>
          %xor3A_905 = arith.constant 8 : i32
          %xor3A_906 = vector.broadcast %xor3A_905 : i32 to vector<16xi32>
          %xor3A_907 = arith.xori %iota3A, %xor3A_906 : vector<16xi32>
          %broadcast_in_dim3A_908 = vector.shape_cast %xor3A_907 : vector<16xi32> to vector<16x1xi32>
          %gather3A_909 = vector.shape_cast %broadcast_in_dim3A_908 : vector<16x1xi32> to vector<16xi32>
          %gather3A_910 = tpu.dynamic_gather %add3A_904[%gather3A_909] in [0] : vector<16xf32>, vector<16xi32> -> vector<16xf32>
          %add3A_911 = arith.addf %add3A_904, %gather3A_910 : vector<16xf32>
          %xor3A_912 = arith.constant 4 : i32
          %xor3A_913 = vector.broadcast %xor3A_912 : i32 to vector<16xi32>
          %xor3A_914 = arith.xori %iota3A, %xor3A_913 : vector<16xi32>
          %broadcast_in_dim3A_915 = vector.shape_cast %xor3A_914 : vector<16xi32> to vector<16x1xi32>
          %gather3A_916 = vector.shape_cast %broadcast_in_dim3A_915 : vector<16x1xi32> to vector<16xi32>
          %gather3A_917 = tpu.dynamic_gather %add3A_911[%gather3A_916] in [0] : vector<16xf32>, vector<16xi32> -> vector<16xf32>
          %add3A_918 = arith.addf %add3A_911, %gather3A_917 : vector<16xf32>
          %xor3A_919 = arith.constant 2 : i32
          %xor3A_920 = vector.broadcast %xor3A_919 : i32 to vector<16xi32>
          %xor3A_921 = arith.xori %iota3A, %xor3A_920 : vector<16xi32>
          %broadcast_in_dim3A_922 = vector.shape_cast %xor3A_921 : vector<16xi32> to vector<16x1xi32>
          %gather3A_923 = vector.shape_cast %broadcast_in_dim3A_922 : vector<16x1xi32> to vector<16xi32>
          %gather3A_924 = tpu.dynamic_gather %add3A_918[%gather3A_923] in [0] : vector<16xf32>, vector<16xi32> -> vector<16xf32>
          %add3A_925 = arith.addf %add3A_918, %gather3A_924 : vector<16xf32>
          %xor3A_926 = arith.constant 1 : i32
          %xor3A_927 = vector.broadcast %xor3A_926 : i32 to vector<16xi32>
          %xor3A_928 = arith.xori %iota3A, %xor3A_927 : vector<16xi32>
          %broadcast_in_dim3A_929 = vector.shape_cast %xor3A_928 : vector<16xi32> to vector<16x1xi32>
          %gather3A_930 = vector.shape_cast %broadcast_in_dim3A_929 : vector<16x1xi32> to vector<16xi32>
          %gather3A_931 = tpu.dynamic_gather %add3A_925[%gather3A_930] in [0] : vector<16xf32>, vector<16xi32> -> vector<16xf32>
          %add3A_932 = arith.addf %add3A_925, %gather3A_931 : vector<16xf32>
          %mul3A_933 = arith.constant 8 : i32
          %mul3A_934 = arith.muli %scan3A_148, %mul3A_933 : i32
          %add3A_935 = arith.constant 4 : i32
          %add3A_936 = arith.addi %mul3A_934, %add3A_935 : i32
          %eq3A_937 = vector.broadcast %add3A_936 : i32 to vector<16xi32>
          %eq3A_938 = arith.cmpi eq, %iota3A, %eq3A_937 : vector<16xi32>
          %select_n3A_939 = arith.select %eq3A_938, %add3A_932, %select_n3A_780 : vector<16xi1>, vector<16xf32>
          %add3A_940 = arith.constant 5 : i32
          %add3A_941 = arith.addi %add3A_152, %add3A_940 : i32
          %broadcast_in_dim3A_942 = arith.constant 0.000000e+00 : f32
          %broadcast_in_dim3A_943 = vector.broadcast %broadcast_in_dim3A_942 : f32 to vector<16xf32>
          %get3A_944 = arith.index_cast %add3A_941 : i32 to index
          %get3A_945 = arith.constant 0 : index
          %get3A_946 = tpu.vector_load %arg7[%get3A_944, %get3A_945] {strides = array<i32>} : memref<408x64xi32, #tpu.memory_space<vmem>>, vector<1x16xi32>,
          %get3A_947 = vector.shape_cast %get3A_946 : vector<1x16xi32> to vector<16xi32>
          %shift_left3A_948 = arith.constant 16 : i32
          %shift_left3A_949 = vector.broadcast %shift_left3A_948 : i32 to vector<16xi32>
          %shift_left3A_950 = arith.shli %get3A_947, %shift_left3A_949 : vector<16xi32>
          %bitcast_convert_type3A_951 = tpu.bitcast %shift_left3A_950 : vector<16xi32> -> vector<16xf32>
          %and3A_952 = arith.constant -65536 : i32
          %and3A_953 = vector.broadcast %and3A_952 : i32 to vector<16xi32>
          %and3A_954 = arith.andi %get3A_947, %and3A_953 : vector<16xi32>
          %bitcast_convert_type3A_955 = tpu.bitcast %and3A_954 : vector<16xi32> -> vector<16xf32>
          %add3A_956 = arith.constant 200 : i32
          %add3A_957 = arith.addi %add3A_956, %add3A_941 : i32
          %get3A_958 = arith.index_cast %add3A_957 : i32 to index
          %get3A_959 = arith.constant 0 : index
          %get3A_960 = tpu.vector_load %arg7[%get3A_958, %get3A_959] {strides = array<i32>} : memref<408x64xi32, #tpu.memory_space<vmem>>, vector<1x16xi32>,
          %get3A_961 = vector.shape_cast %get3A_960 : vector<1x16xi32> to vector<16xi32>
          %shift_left3A_962 = arith.constant 16 : i32
          %shift_left3A_963 = vector.broadcast %shift_left3A_962 : i32 to vector<16xi32>
          %shift_left3A_964 = arith.shli %get3A_961, %shift_left3A_963 : vector<16xi32>
          %bitcast_convert_type3A_965 = tpu.bitcast %shift_left3A_964 : vector<16xi32> -> vector<16xf32>
          %and3A_966 = arith.constant -65536 : i32
          %and3A_967 = vector.broadcast %and3A_966 : i32 to vector<16xi32>
          %and3A_968 = arith.andi %get3A_961, %and3A_967 : vector<16xi32>
          %bitcast_convert_type3A_969 = tpu.bitcast %and3A_968 : vector<16xi32> -> vector<16xf32>
          %mul3A_970 = arith.mulf %bitcast_convert_type3A_951, %bitcast_convert_type3A_965 : vector<16xf32>
          %add3A_971 = arith.addf %broadcast_in_dim3A_943, %mul3A_970 : vector<16xf32>
          %mul3A_972 = arith.mulf %bitcast_convert_type3A_955, %bitcast_convert_type3A_969 : vector<16xf32>
          %add3A_973 = arith.addf %add3A_971, %mul3A_972 : vector<16xf32>
          %get3A_974 = arith.index_cast %add3A_941 : i32 to index
          %get3A_975 = arith.constant 16 : index
          %get3A_976 = tpu.vector_load %arg7[%get3A_974, %get3A_975] {strides = array<i32>} : memref<408x64xi32, #tpu.memory_space<vmem>>, vector<1x16xi32>,
          %get3A_977 = vector.shape_cast %get3A_976 : vector<1x16xi32> to vector<16xi32>
          %shift_left3A_978 = arith.constant 16 : i32
          %shift_left3A_979 = vector.broadcast %shift_left3A_978 : i32 to vector<16xi32>
          %shift_left3A_980 = arith.shli %get3A_977, %shift_left3A_979 : vector<16xi32>
          %bitcast_convert_type3A_981 = tpu.bitcast %shift_left3A_980 : vector<16xi32> -> vector<16xf32>
          %and3A_982 = arith.constant -65536 : i32
          %and3A_983 = vector.broadcast %and3A_982 : i32 to vector<16xi32>
          %and3A_984 = arith.andi %get3A_977, %and3A_983 : vector<16xi32>
          %bitcast_convert_type3A_985 = tpu.bitcast %and3A_984 : vector<16xi32> -> vector<16xf32>
          %add3A_986 = arith.constant 200 : i32
          %add3A_987 = arith.addi %add3A_986, %add3A_941 : i32
          %get3A_988 = arith.index_cast %add3A_987 : i32 to index
          %get3A_989 = arith.constant 16 : index
          %get3A_990 = tpu.vector_load %arg7[%get3A_988, %get3A_989] {strides = array<i32>} : memref<408x64xi32, #tpu.memory_space<vmem>>, vector<1x16xi32>,
          %get3A_991 = vector.shape_cast %get3A_990 : vector<1x16xi32> to vector<16xi32>
          %shift_left3A_992 = arith.constant 16 : i32
          %shift_left3A_993 = vector.broadcast %shift_left3A_992 : i32 to vector<16xi32>
          %shift_left3A_994 = arith.shli %get3A_991, %shift_left3A_993 : vector<16xi32>
          %bitcast_convert_type3A_995 = tpu.bitcast %shift_left3A_994 : vector<16xi32> -> vector<16xf32>
          %and3A_996 = arith.constant -65536 : i32
          %and3A_997 = vector.broadcast %and3A_996 : i32 to vector<16xi32>
          %and3A_998 = arith.andi %get3A_991, %and3A_997 : vector<16xi32>
          %bitcast_convert_type3A_999 = tpu.bitcast %and3A_998 : vector<16xi32> -> vector<16xf32>
          %mul3A_1000 = arith.mulf %bitcast_convert_type3A_981, %bitcast_convert_type3A_995 : vector<16xf32>
          %add3A_1001 = arith.addf %add3A_973, %mul3A_1000 : vector<16xf32>
          %mul3A_1002 = arith.mulf %bitcast_convert_type3A_985, %bitcast_convert_type3A_999 : vector<16xf32>
          %add3A_1003 = arith.addf %add3A_1001, %mul3A_1002 : vector<16xf32>
          %get3A_1004 = arith.index_cast %add3A_941 : i32 to index
          %get3A_1005 = arith.constant 32 : index
          %get3A_1006 = tpu.vector_load %arg7[%get3A_1004, %get3A_1005] {strides = array<i32>} : memref<408x64xi32, #tpu.memory_space<vmem>>, vector<1x16xi32>,
          %get3A_1007 = vector.shape_cast %get3A_1006 : vector<1x16xi32> to vector<16xi32>
          %shift_left3A_1008 = arith.constant 16 : i32
          %shift_left3A_1009 = vector.broadcast %shift_left3A_1008 : i32 to vector<16xi32>
          %shift_left3A_1010 = arith.shli %get3A_1007, %shift_left3A_1009 : vector<16xi32>
          %bitcast_convert_type3A_1011 = tpu.bitcast %shift_left3A_1010 : vector<16xi32> -> vector<16xf32>
          %and3A_1012 = arith.constant -65536 : i32
          %and3A_1013 = vector.broadcast %and3A_1012 : i32 to vector<16xi32>
          %and3A_1014 = arith.andi %get3A_1007, %and3A_1013 : vector<16xi32>
          %bitcast_convert_type3A_1015 = tpu.bitcast %and3A_1014 : vector<16xi32> -> vector<16xf32>
          %add3A_1016 = arith.constant 200 : i32
          %add3A_1017 = arith.addi %add3A_1016, %add3A_941 : i32
          %get3A_1018 = arith.index_cast %add3A_1017 : i32 to index
          %get3A_1019 = arith.constant 32 : index
          %get3A_1020 = tpu.vector_load %arg7[%get3A_1018, %get3A_1019] {strides = array<i32>} : memref<408x64xi32, #tpu.memory_space<vmem>>, vector<1x16xi32>,
          %get3A_1021 = vector.shape_cast %get3A_1020 : vector<1x16xi32> to vector<16xi32>
          %shift_left3A_1022 = arith.constant 16 : i32
          %shift_left3A_1023 = vector.broadcast %shift_left3A_1022 : i32 to vector<16xi32>
          %shift_left3A_1024 = arith.shli %get3A_1021, %shift_left3A_1023 : vector<16xi32>
          %bitcast_convert_type3A_1025 = tpu.bitcast %shift_left3A_1024 : vector<16xi32> -> vector<16xf32>
          %and3A_1026 = arith.constant -65536 : i32
          %and3A_1027 = vector.broadcast %and3A_1026 : i32 to vector<16xi32>
          %and3A_1028 = arith.andi %get3A_1021, %and3A_1027 : vector<16xi32>
          %bitcast_convert_type3A_1029 = tpu.bitcast %and3A_1028 : vector<16xi32> -> vector<16xf32>
          %mul3A_1030 = arith.mulf %bitcast_convert_type3A_1011, %bitcast_convert_type3A_1025 : vector<16xf32>
          %add3A_1031 = arith.addf %add3A_1003, %mul3A_1030 : vector<16xf32>
          %mul3A_1032 = arith.mulf %bitcast_convert_type3A_1015, %bitcast_convert_type3A_1029 : vector<16xf32>
          %add3A_1033 = arith.addf %add3A_1031, %mul3A_1032 : vector<16xf32>
          %get3A_1034 = arith.index_cast %add3A_941 : i32 to index
          %get3A_1035 = arith.constant 48 : index
          %get3A_1036 = tpu.vector_load %arg7[%get3A_1034, %get3A_1035] {strides = array<i32>} : memref<408x64xi32, #tpu.memory_space<vmem>>, vector<1x16xi32>,
          %get3A_1037 = vector.shape_cast %get3A_1036 : vector<1x16xi32> to vector<16xi32>
          %shift_left3A_1038 = arith.constant 16 : i32
          %shift_left3A_1039 = vector.broadcast %shift_left3A_1038 : i32 to vector<16xi32>
          %shift_left3A_1040 = arith.shli %get3A_1037, %shift_left3A_1039 : vector<16xi32>
          %bitcast_convert_type3A_1041 = tpu.bitcast %shift_left3A_1040 : vector<16xi32> -> vector<16xf32>
          %and3A_1042 = arith.constant -65536 : i32
          %and3A_1043 = vector.broadcast %and3A_1042 : i32 to vector<16xi32>
          %and3A_1044 = arith.andi %get3A_1037, %and3A_1043 : vector<16xi32>
          %bitcast_convert_type3A_1045 = tpu.bitcast %and3A_1044 : vector<16xi32> -> vector<16xf32>
          %add3A_1046 = arith.constant 200 : i32
          %add3A_1047 = arith.addi %add3A_1046, %add3A_941 : i32
          %get3A_1048 = arith.index_cast %add3A_1047 : i32 to index
          %get3A_1049 = arith.constant 48 : index
          %get3A_1050 = tpu.vector_load %arg7[%get3A_1048, %get3A_1049] {strides = array<i32>} : memref<408x64xi32, #tpu.memory_space<vmem>>, vector<1x16xi32>,
          %get3A_1051 = vector.shape_cast %get3A_1050 : vector<1x16xi32> to vector<16xi32>
          %shift_left3A_1052 = arith.constant 16 : i32
          %shift_left3A_1053 = vector.broadcast %shift_left3A_1052 : i32 to vector<16xi32>
          %shift_left3A_1054 = arith.shli %get3A_1051, %shift_left3A_1053 : vector<16xi32>
          %bitcast_convert_type3A_1055 = tpu.bitcast %shift_left3A_1054 : vector<16xi32> -> vector<16xf32>
          %and3A_1056 = arith.constant -65536 : i32
          %and3A_1057 = vector.broadcast %and3A_1056 : i32 to vector<16xi32>
          %and3A_1058 = arith.andi %get3A_1051, %and3A_1057 : vector<16xi32>
          %bitcast_convert_type3A_1059 = tpu.bitcast %and3A_1058 : vector<16xi32> -> vector<16xf32>
          %mul3A_1060 = arith.mulf %bitcast_convert_type3A_1041, %bitcast_convert_type3A_1055 : vector<16xf32>
          %add3A_1061 = arith.addf %add3A_1033, %mul3A_1060 : vector<16xf32>
          %mul3A_1062 = arith.mulf %bitcast_convert_type3A_1045, %bitcast_convert_type3A_1059 : vector<16xf32>
          %add3A_1063 = arith.addf %add3A_1061, %mul3A_1062 : vector<16xf32>
          %xor3A_1064 = arith.constant 8 : i32
          %xor3A_1065 = vector.broadcast %xor3A_1064 : i32 to vector<16xi32>
          %xor3A_1066 = arith.xori %iota3A, %xor3A_1065 : vector<16xi32>
          %broadcast_in_dim3A_1067 = vector.shape_cast %xor3A_1066 : vector<16xi32> to vector<16x1xi32>
          %gather3A_1068 = vector.shape_cast %broadcast_in_dim3A_1067 : vector<16x1xi32> to vector<16xi32>
          %gather3A_1069 = tpu.dynamic_gather %add3A_1063[%gather3A_1068] in [0] : vector<16xf32>, vector<16xi32> -> vector<16xf32>
          %add3A_1070 = arith.addf %add3A_1063, %gather3A_1069 : vector<16xf32>
          %xor3A_1071 = arith.constant 4 : i32
          %xor3A_1072 = vector.broadcast %xor3A_1071 : i32 to vector<16xi32>
          %xor3A_1073 = arith.xori %iota3A, %xor3A_1072 : vector<16xi32>
          %broadcast_in_dim3A_1074 = vector.shape_cast %xor3A_1073 : vector<16xi32> to vector<16x1xi32>
          %gather3A_1075 = vector.shape_cast %broadcast_in_dim3A_1074 : vector<16x1xi32> to vector<16xi32>
          %gather3A_1076 = tpu.dynamic_gather %add3A_1070[%gather3A_1075] in [0] : vector<16xf32>, vector<16xi32> -> vector<16xf32>
          %add3A_1077 = arith.addf %add3A_1070, %gather3A_1076 : vector<16xf32>
          %xor3A_1078 = arith.constant 2 : i32
          %xor3A_1079 = vector.broadcast %xor3A_1078 : i32 to vector<16xi32>
          %xor3A_1080 = arith.xori %iota3A, %xor3A_1079 : vector<16xi32>
          %broadcast_in_dim3A_1081 = vector.shape_cast %xor3A_1080 : vector<16xi32> to vector<16x1xi32>
          %gather3A_1082 = vector.shape_cast %broadcast_in_dim3A_1081 : vector<16x1xi32> to vector<16xi32>
          %gather3A_1083 = tpu.dynamic_gather %add3A_1077[%gather3A_1082] in [0] : vector<16xf32>, vector<16xi32> -> vector<16xf32>
          %add3A_1084 = arith.addf %add3A_1077, %gather3A_1083 : vector<16xf32>
          %xor3A_1085 = arith.constant 1 : i32
          %xor3A_1086 = vector.broadcast %xor3A_1085 : i32 to vector<16xi32>
          %xor3A_1087 = arith.xori %iota3A, %xor3A_1086 : vector<16xi32>
          %broadcast_in_dim3A_1088 = vector.shape_cast %xor3A_1087 : vector<16xi32> to vector<16x1xi32>
          %gather3A_1089 = vector.shape_cast %broadcast_in_dim3A_1088 : vector<16x1xi32> to vector<16xi32>
          %gather3A_1090 = tpu.dynamic_gather %add3A_1084[%gather3A_1089] in [0] : vector<16xf32>, vector<16xi32> -> vector<16xf32>
          %add3A_1091 = arith.addf %add3A_1084, %gather3A_1090 : vector<16xf32>
          %mul3A_1092 = arith.constant 8 : i32
          %mul3A_1093 = arith.muli %scan3A_148, %mul3A_1092 : i32
          %add3A_1094 = arith.constant 5 : i32
          %add3A_1095 = arith.addi %mul3A_1093, %add3A_1094 : i32
          %eq3A_1096 = vector.broadcast %add3A_1095 : i32 to vector<16xi32>
          %eq3A_1097 = arith.cmpi eq, %iota3A, %eq3A_1096 : vector<16xi32>
          %select_n3A_1098 = arith.select %eq3A_1097, %add3A_1091, %select_n3A_939 : vector<16xi1>, vector<16xf32>
          %add3A_1099 = arith.constant 6 : i32
          %add3A_1100 = arith.addi %add3A_152, %add3A_1099 : i32
          %broadcast_in_dim3A_1101 = arith.constant 0.000000e+00 : f32
          %broadcast_in_dim3A_1102 = vector.broadcast %broadcast_in_dim3A_1101 : f32 to vector<16xf32>
          %get3A_1103 = arith.index_cast %add3A_1100 : i32 to index
          %get3A_1104 = arith.constant 0 : index
          %get3A_1105 = tpu.vector_load %arg7[%get3A_1103, %get3A_1104] {strides = array<i32>} : memref<408x64xi32, #tpu.memory_space<vmem>>, vector<1x16xi32>,
          %get3A_1106 = vector.shape_cast %get3A_1105 : vector<1x16xi32> to vector<16xi32>
          %shift_left3A_1107 = arith.constant 16 : i32
          %shift_left3A_1108 = vector.broadcast %shift_left3A_1107 : i32 to vector<16xi32>
          %shift_left3A_1109 = arith.shli %get3A_1106, %shift_left3A_1108 : vector<16xi32>
          %bitcast_convert_type3A_1110 = tpu.bitcast %shift_left3A_1109 : vector<16xi32> -> vector<16xf32>
          %and3A_1111 = arith.constant -65536 : i32
          %and3A_1112 = vector.broadcast %and3A_1111 : i32 to vector<16xi32>
          %and3A_1113 = arith.andi %get3A_1106, %and3A_1112 : vector<16xi32>
          %bitcast_convert_type3A_1114 = tpu.bitcast %and3A_1113 : vector<16xi32> -> vector<16xf32>
          %add3A_1115 = arith.constant 200 : i32
          %add3A_1116 = arith.addi %add3A_1115, %add3A_1100 : i32
          %get3A_1117 = arith.index_cast %add3A_1116 : i32 to index
          %get3A_1118 = arith.constant 0 : index
          %get3A_1119 = tpu.vector_load %arg7[%get3A_1117, %get3A_1118] {strides = array<i32>} : memref<408x64xi32, #tpu.memory_space<vmem>>, vector<1x16xi32>,
          %get3A_1120 = vector.shape_cast %get3A_1119 : vector<1x16xi32> to vector<16xi32>
          %shift_left3A_1121 = arith.constant 16 : i32
          %shift_left3A_1122 = vector.broadcast %shift_left3A_1121 : i32 to vector<16xi32>
          %shift_left3A_1123 = arith.shli %get3A_1120, %shift_left3A_1122 : vector<16xi32>
          %bitcast_convert_type3A_1124 = tpu.bitcast %shift_left3A_1123 : vector<16xi32> -> vector<16xf32>
          %and3A_1125 = arith.constant -65536 : i32
          %and3A_1126 = vector.broadcast %and3A_1125 : i32 to vector<16xi32>
          %and3A_1127 = arith.andi %get3A_1120, %and3A_1126 : vector<16xi32>
          %bitcast_convert_type3A_1128 = tpu.bitcast %and3A_1127 : vector<16xi32> -> vector<16xf32>
          %mul3A_1129 = arith.mulf %bitcast_convert_type3A_1110, %bitcast_convert_type3A_1124 : vector<16xf32>
          %add3A_1130 = arith.addf %broadcast_in_dim3A_1102, %mul3A_1129 : vector<16xf32>
          %mul3A_1131 = arith.mulf %bitcast_convert_type3A_1114, %bitcast_convert_type3A_1128 : vector<16xf32>
          %add3A_1132 = arith.addf %add3A_1130, %mul3A_1131 : vector<16xf32>
          %get3A_1133 = arith.index_cast %add3A_1100 : i32 to index
          %get3A_1134 = arith.constant 16 : index
          %get3A_1135 = tpu.vector_load %arg7[%get3A_1133, %get3A_1134] {strides = array<i32>} : memref<408x64xi32, #tpu.memory_space<vmem>>, vector<1x16xi32>,
          %get3A_1136 = vector.shape_cast %get3A_1135 : vector<1x16xi32> to vector<16xi32>
          %shift_left3A_1137 = arith.constant 16 : i32
          %shift_left3A_1138 = vector.broadcast %shift_left3A_1137 : i32 to vector<16xi32>
          %shift_left3A_1139 = arith.shli %get3A_1136, %shift_left3A_1138 : vector<16xi32>
          %bitcast_convert_type3A_1140 = tpu.bitcast %shift_left3A_1139 : vector<16xi32> -> vector<16xf32>
          %and3A_1141 = arith.constant -65536 : i32
          %and3A_1142 = vector.broadcast %and3A_1141 : i32 to vector<16xi32>
          %and3A_1143 = arith.andi %get3A_1136, %and3A_1142 : vector<16xi32>
          %bitcast_convert_type3A_1144 = tpu.bitcast %and3A_1143 : vector<16xi32> -> vector<16xf32>
          %add3A_1145 = arith.constant 200 : i32
          %add3A_1146 = arith.addi %add3A_1145, %add3A_1100 : i32
          %get3A_1147 = arith.index_cast %add3A_1146 : i32 to index
          %get3A_1148 = arith.constant 16 : index
          %get3A_1149 = tpu.vector_load %arg7[%get3A_1147, %get3A_1148] {strides = array<i32>} : memref<408x64xi32, #tpu.memory_space<vmem>>, vector<1x16xi32>,
          %get3A_1150 = vector.shape_cast %get3A_1149 : vector<1x16xi32> to vector<16xi32>
          %shift_left3A_1151 = arith.constant 16 : i32
          %shift_left3A_1152 = vector.broadcast %shift_left3A_1151 : i32 to vector<16xi32>
          %shift_left3A_1153 = arith.shli %get3A_1150, %shift_left3A_1152 : vector<16xi32>
          %bitcast_convert_type3A_1154 = tpu.bitcast %shift_left3A_1153 : vector<16xi32> -> vector<16xf32>
          %and3A_1155 = arith.constant -65536 : i32
          %and3A_1156 = vector.broadcast %and3A_1155 : i32 to vector<16xi32>
          %and3A_1157 = arith.andi %get3A_1150, %and3A_1156 : vector<16xi32>
          %bitcast_convert_type3A_1158 = tpu.bitcast %and3A_1157 : vector<16xi32> -> vector<16xf32>
          %mul3A_1159 = arith.mulf %bitcast_convert_type3A_1140, %bitcast_convert_type3A_1154 : vector<16xf32>
          %add3A_1160 = arith.addf %add3A_1132, %mul3A_1159 : vector<16xf32>
          %mul3A_1161 = arith.mulf %bitcast_convert_type3A_1144, %bitcast_convert_type3A_1158 : vector<16xf32>
          %add3A_1162 = arith.addf %add3A_1160, %mul3A_1161 : vector<16xf32>
          %get3A_1163 = arith.index_cast %add3A_1100 : i32 to index
          %get3A_1164 = arith.constant 32 : index
          %get3A_1165 = tpu.vector_load %arg7[%get3A_1163, %get3A_1164] {strides = array<i32>} : memref<408x64xi32, #tpu.memory_space<vmem>>, vector<1x16xi32>,
          %get3A_1166 = vector.shape_cast %get3A_1165 : vector<1x16xi32> to vector<16xi32>
          %shift_left3A_1167 = arith.constant 16 : i32
          %shift_left3A_1168 = vector.broadcast %shift_left3A_1167 : i32 to vector<16xi32>
          %shift_left3A_1169 = arith.shli %get3A_1166, %shift_left3A_1168 : vector<16xi32>
          %bitcast_convert_type3A_1170 = tpu.bitcast %shift_left3A_1169 : vector<16xi32> -> vector<16xf32>
          %and3A_1171 = arith.constant -65536 : i32
          %and3A_1172 = vector.broadcast %and3A_1171 : i32 to vector<16xi32>
          %and3A_1173 = arith.andi %get3A_1166, %and3A_1172 : vector<16xi32>
          %bitcast_convert_type3A_1174 = tpu.bitcast %and3A_1173 : vector<16xi32> -> vector<16xf32>
          %add3A_1175 = arith.constant 200 : i32
          %add3A_1176 = arith.addi %add3A_1175, %add3A_1100 : i32
          %get3A_1177 = arith.index_cast %add3A_1176 : i32 to index
          %get3A_1178 = arith.constant 32 : index
          %get3A_1179 = tpu.vector_load %arg7[%get3A_1177, %get3A_1178] {strides = array<i32>} : memref<408x64xi32, #tpu.memory_space<vmem>>, vector<1x16xi32>,
          %get3A_1180 = vector.shape_cast %get3A_1179 : vector<1x16xi32> to vector<16xi32>
          %shift_left3A_1181 = arith.constant 16 : i32
          %shift_left3A_1182 = vector.broadcast %shift_left3A_1181 : i32 to vector<16xi32>
          %shift_left3A_1183 = arith.shli %get3A_1180, %shift_left3A_1182 : vector<16xi32>
          %bitcast_convert_type3A_1184 = tpu.bitcast %shift_left3A_1183 : vector<16xi32> -> vector<16xf32>
          %and3A_1185 = arith.constant -65536 : i32
          %and3A_1186 = vector.broadcast %and3A_1185 : i32 to vector<16xi32>
          %and3A_1187 = arith.andi %get3A_1180, %and3A_1186 : vector<16xi32>
          %bitcast_convert_type3A_1188 = tpu.bitcast %and3A_1187 : vector<16xi32> -> vector<16xf32>
          %mul3A_1189 = arith.mulf %bitcast_convert_type3A_1170, %bitcast_convert_type3A_1184 : vector<16xf32>
          %add3A_1190 = arith.addf %add3A_1162, %mul3A_1189 : vector<16xf32>
          %mul3A_1191 = arith.mulf %bitcast_convert_type3A_1174, %bitcast_convert_type3A_1188 : vector<16xf32>
          %add3A_1192 = arith.addf %add3A_1190, %mul3A_1191 : vector<16xf32>
          %get3A_1193 = arith.index_cast %add3A_1100 : i32 to index
          %get3A_1194 = arith.constant 48 : index
          %get3A_1195 = tpu.vector_load %arg7[%get3A_1193, %get3A_1194] {strides = array<i32>} : memref<408x64xi32, #tpu.memory_space<vmem>>, vector<1x16xi32>,
          %get3A_1196 = vector.shape_cast %get3A_1195 : vector<1x16xi32> to vector<16xi32>
          %shift_left3A_1197 = arith.constant 16 : i32
          %shift_left3A_1198 = vector.broadcast %shift_left3A_1197 : i32 to vector<16xi32>
          %shift_left3A_1199 = arith.shli %get3A_1196, %shift_left3A_1198 : vector<16xi32>
          %bitcast_convert_type3A_1200 = tpu.bitcast %shift_left3A_1199 : vector<16xi32> -> vector<16xf32>
          %and3A_1201 = arith.constant -65536 : i32
          %and3A_1202 = vector.broadcast %and3A_1201 : i32 to vector<16xi32>
          %and3A_1203 = arith.andi %get3A_1196, %and3A_1202 : vector<16xi32>
          %bitcast_convert_type3A_1204 = tpu.bitcast %and3A_1203 : vector<16xi32> -> vector<16xf32>
          %add3A_1205 = arith.constant 200 : i32
          %add3A_1206 = arith.addi %add3A_1205, %add3A_1100 : i32
          %get3A_1207 = arith.index_cast %add3A_1206 : i32 to index
          %get3A_1208 = arith.constant 48 : index
          %get3A_1209 = tpu.vector_load %arg7[%get3A_1207, %get3A_1208] {strides = array<i32>} : memref<408x64xi32, #tpu.memory_space<vmem>>, vector<1x16xi32>,
          %get3A_1210 = vector.shape_cast %get3A_1209 : vector<1x16xi32> to vector<16xi32>
          %shift_left3A_1211 = arith.constant 16 : i32
          %shift_left3A_1212 = vector.broadcast %shift_left3A_1211 : i32 to vector<16xi32>
          %shift_left3A_1213 = arith.shli %get3A_1210, %shift_left3A_1212 : vector<16xi32>
          %bitcast_convert_type3A_1214 = tpu.bitcast %shift_left3A_1213 : vector<16xi32> -> vector<16xf32>
          %and3A_1215 = arith.constant -65536 : i32
          %and3A_1216 = vector.broadcast %and3A_1215 : i32 to vector<16xi32>
          %and3A_1217 = arith.andi %get3A_1210, %and3A_1216 : vector<16xi32>
          %bitcast_convert_type3A_1218 = tpu.bitcast %and3A_1217 : vector<16xi32> -> vector<16xf32>
          %mul3A_1219 = arith.mulf %bitcast_convert_type3A_1200, %bitcast_convert_type3A_1214 : vector<16xf32>
          %add3A_1220 = arith.addf %add3A_1192, %mul3A_1219 : vector<16xf32>
          %mul3A_1221 = arith.mulf %bitcast_convert_type3A_1204, %bitcast_convert_type3A_1218 : vector<16xf32>
          %add3A_1222 = arith.addf %add3A_1220, %mul3A_1221 : vector<16xf32>
          %xor3A_1223 = arith.constant 8 : i32
          %xor3A_1224 = vector.broadcast %xor3A_1223 : i32 to vector<16xi32>
          %xor3A_1225 = arith.xori %iota3A, %xor3A_1224 : vector<16xi32>
          %broadcast_in_dim3A_1226 = vector.shape_cast %xor3A_1225 : vector<16xi32> to vector<16x1xi32>
          %gather3A_1227 = vector.shape_cast %broadcast_in_dim3A_1226 : vector<16x1xi32> to vector<16xi32>
          %gather3A_1228 = tpu.dynamic_gather %add3A_1222[%gather3A_1227] in [0] : vector<16xf32>, vector<16xi32> -> vector<16xf32>
          %add3A_1229 = arith.addf %add3A_1222, %gather3A_1228 : vector<16xf32>
          %xor3A_1230 = arith.constant 4 : i32
          %xor3A_1231 = vector.broadcast %xor3A_1230 : i32 to vector<16xi32>
          %xor3A_1232 = arith.xori %iota3A, %xor3A_1231 : vector<16xi32>
          %broadcast_in_dim3A_1233 = vector.shape_cast %xor3A_1232 : vector<16xi32> to vector<16x1xi32>
          %gather3A_1234 = vector.shape_cast %broadcast_in_dim3A_1233 : vector<16x1xi32> to vector<16xi32>
          %gather3A_1235 = tpu.dynamic_gather %add3A_1229[%gather3A_1234] in [0] : vector<16xf32>, vector<16xi32> -> vector<16xf32>
          %add3A_1236 = arith.addf %add3A_1229, %gather3A_1235 : vector<16xf32>
          %xor3A_1237 = arith.constant 2 : i32
          %xor3A_1238 = vector.broadcast %xor3A_1237 : i32 to vector<16xi32>
          %xor3A_1239 = arith.xori %iota3A, %xor3A_1238 : vector<16xi32>
          %broadcast_in_dim3A_1240 = vector.shape_cast %xor3A_1239 : vector<16xi32> to vector<16x1xi32>
          %gather3A_1241 = vector.shape_cast %broadcast_in_dim3A_1240 : vector<16x1xi32> to vector<16xi32>
          %gather3A_1242 = tpu.dynamic_gather %add3A_1236[%gather3A_1241] in [0] : vector<16xf32>, vector<16xi32> -> vector<16xf32>
          %add3A_1243 = arith.addf %add3A_1236, %gather3A_1242 : vector<16xf32>
          %xor3A_1244 = arith.constant 1 : i32
          %xor3A_1245 = vector.broadcast %xor3A_1244 : i32 to vector<16xi32>
          %xor3A_1246 = arith.xori %iota3A, %xor3A_1245 : vector<16xi32>
          %broadcast_in_dim3A_1247 = vector.shape_cast %xor3A_1246 : vector<16xi32> to vector<16x1xi32>
          %gather3A_1248 = vector.shape_cast %broadcast_in_dim3A_1247 : vector<16x1xi32> to vector<16xi32>
          %gather3A_1249 = tpu.dynamic_gather %add3A_1243[%gather3A_1248] in [0] : vector<16xf32>, vector<16xi32> -> vector<16xf32>
          %add3A_1250 = arith.addf %add3A_1243, %gather3A_1249 : vector<16xf32>
          %mul3A_1251 = arith.constant 8 : i32
          %mul3A_1252 = arith.muli %scan3A_148, %mul3A_1251 : i32
          %add3A_1253 = arith.constant 6 : i32
          %add3A_1254 = arith.addi %mul3A_1252, %add3A_1253 : i32
          %eq3A_1255 = vector.broadcast %add3A_1254 : i32 to vector<16xi32>
          %eq3A_1256 = arith.cmpi eq, %iota3A, %eq3A_1255 : vector<16xi32>
          %select_n3A_1257 = arith.select %eq3A_1256, %add3A_1250, %select_n3A_1098 : vector<16xi1>, vector<16xf32>
          %add3A_1258 = arith.constant 7 : i32
          %add3A_1259 = arith.addi %add3A_152, %add3A_1258 : i32
          %broadcast_in_dim3A_1260 = arith.constant 0.000000e+00 : f32
          %broadcast_in_dim3A_1261 = vector.broadcast %broadcast_in_dim3A_1260 : f32 to vector<16xf32>
          %get3A_1262 = arith.index_cast %add3A_1259 : i32 to index
          %get3A_1263 = arith.constant 0 : index
          %get3A_1264 = tpu.vector_load %arg7[%get3A_1262, %get3A_1263] {strides = array<i32>} : memref<408x64xi32, #tpu.memory_space<vmem>>, vector<1x16xi32>,
          %get3A_1265 = vector.shape_cast %get3A_1264 : vector<1x16xi32> to vector<16xi32>
          %shift_left3A_1266 = arith.constant 16 : i32
          %shift_left3A_1267 = vector.broadcast %shift_left3A_1266 : i32 to vector<16xi32>
          %shift_left3A_1268 = arith.shli %get3A_1265, %shift_left3A_1267 : vector<16xi32>
          %bitcast_convert_type3A_1269 = tpu.bitcast %shift_left3A_1268 : vector<16xi32> -> vector<16xf32>
          %and3A_1270 = arith.constant -65536 : i32
          %and3A_1271 = vector.broadcast %and3A_1270 : i32 to vector<16xi32>
          %and3A_1272 = arith.andi %get3A_1265, %and3A_1271 : vector<16xi32>
          %bitcast_convert_type3A_1273 = tpu.bitcast %and3A_1272 : vector<16xi32> -> vector<16xf32>
          %add3A_1274 = arith.constant 200 : i32
          %add3A_1275 = arith.addi %add3A_1274, %add3A_1259 : i32
          %get3A_1276 = arith.index_cast %add3A_1275 : i32 to index
          %get3A_1277 = arith.constant 0 : index
          %get3A_1278 = tpu.vector_load %arg7[%get3A_1276, %get3A_1277] {strides = array<i32>} : memref<408x64xi32, #tpu.memory_space<vmem>>, vector<1x16xi32>,
          %get3A_1279 = vector.shape_cast %get3A_1278 : vector<1x16xi32> to vector<16xi32>
          %shift_left3A_1280 = arith.constant 16 : i32
          %shift_left3A_1281 = vector.broadcast %shift_left3A_1280 : i32 to vector<16xi32>
          %shift_left3A_1282 = arith.shli %get3A_1279, %shift_left3A_1281 : vector<16xi32>
          %bitcast_convert_type3A_1283 = tpu.bitcast %shift_left3A_1282 : vector<16xi32> -> vector<16xf32>
          %and3A_1284 = arith.constant -65536 : i32
          %and3A_1285 = vector.broadcast %and3A_1284 : i32 to vector<16xi32>
          %and3A_1286 = arith.andi %get3A_1279, %and3A_1285 : vector<16xi32>
          %bitcast_convert_type3A_1287 = tpu.bitcast %and3A_1286 : vector<16xi32> -> vector<16xf32>
          %mul3A_1288 = arith.mulf %bitcast_convert_type3A_1269, %bitcast_convert_type3A_1283 : vector<16xf32>
          %add3A_1289 = arith.addf %broadcast_in_dim3A_1261, %mul3A_1288 : vector<16xf32>
          %mul3A_1290 = arith.mulf %bitcast_convert_type3A_1273, %bitcast_convert_type3A_1287 : vector<16xf32>
          %add3A_1291 = arith.addf %add3A_1289, %mul3A_1290 : vector<16xf32>
          %get3A_1292 = arith.index_cast %add3A_1259 : i32 to index
          %get3A_1293 = arith.constant 16 : index
          %get3A_1294 = tpu.vector_load %arg7[%get3A_1292, %get3A_1293] {strides = array<i32>} : memref<408x64xi32, #tpu.memory_space<vmem>>, vector<1x16xi32>,
          %get3A_1295 = vector.shape_cast %get3A_1294 : vector<1x16xi32> to vector<16xi32>
          %shift_left3A_1296 = arith.constant 16 : i32
          %shift_left3A_1297 = vector.broadcast %shift_left3A_1296 : i32 to vector<16xi32>
          %shift_left3A_1298 = arith.shli %get3A_1295, %shift_left3A_1297 : vector<16xi32>
          %bitcast_convert_type3A_1299 = tpu.bitcast %shift_left3A_1298 : vector<16xi32> -> vector<16xf32>
          %and3A_1300 = arith.constant -65536 : i32
          %and3A_1301 = vector.broadcast %and3A_1300 : i32 to vector<16xi32>
          %and3A_1302 = arith.andi %get3A_1295, %and3A_1301 : vector<16xi32>
          %bitcast_convert_type3A_1303 = tpu.bitcast %and3A_1302 : vector<16xi32> -> vector<16xf32>
          %add3A_1304 = arith.constant 200 : i32
          %add3A_1305 = arith.addi %add3A_1304, %add3A_1259 : i32
          %get3A_1306 = arith.index_cast %add3A_1305 : i32 to index
          %get3A_1307 = arith.constant 16 : index
          %get3A_1308 = tpu.vector_load %arg7[%get3A_1306, %get3A_1307] {strides = array<i32>} : memref<408x64xi32, #tpu.memory_space<vmem>>, vector<1x16xi32>,
          %get3A_1309 = vector.shape_cast %get3A_1308 : vector<1x16xi32> to vector<16xi32>
          %shift_left3A_1310 = arith.constant 16 : i32
          %shift_left3A_1311 = vector.broadcast %shift_left3A_1310 : i32 to vector<16xi32>
          %shift_left3A_1312 = arith.shli %get3A_1309, %shift_left3A_1311 : vector<16xi32>
          %bitcast_convert_type3A_1313 = tpu.bitcast %shift_left3A_1312 : vector<16xi32> -> vector<16xf32>
          %and3A_1314 = arith.constant -65536 : i32
          %and3A_1315 = vector.broadcast %and3A_1314 : i32 to vector<16xi32>
          %and3A_1316 = arith.andi %get3A_1309, %and3A_1315 : vector<16xi32>
          %bitcast_convert_type3A_1317 = tpu.bitcast %and3A_1316 : vector<16xi32> -> vector<16xf32>
          %mul3A_1318 = arith.mulf %bitcast_convert_type3A_1299, %bitcast_convert_type3A_1313 : vector<16xf32>
          %add3A_1319 = arith.addf %add3A_1291, %mul3A_1318 : vector<16xf32>
          %mul3A_1320 = arith.mulf %bitcast_convert_type3A_1303, %bitcast_convert_type3A_1317 : vector<16xf32>
          %add3A_1321 = arith.addf %add3A_1319, %mul3A_1320 : vector<16xf32>
          %get3A_1322 = arith.index_cast %add3A_1259 : i32 to index
          %get3A_1323 = arith.constant 32 : index
          %get3A_1324 = tpu.vector_load %arg7[%get3A_1322, %get3A_1323] {strides = array<i32>} : memref<408x64xi32, #tpu.memory_space<vmem>>, vector<1x16xi32>,
          %get3A_1325 = vector.shape_cast %get3A_1324 : vector<1x16xi32> to vector<16xi32>
          %shift_left3A_1326 = arith.constant 16 : i32
          %shift_left3A_1327 = vector.broadcast %shift_left3A_1326 : i32 to vector<16xi32>
          %shift_left3A_1328 = arith.shli %get3A_1325, %shift_left3A_1327 : vector<16xi32>
          %bitcast_convert_type3A_1329 = tpu.bitcast %shift_left3A_1328 : vector<16xi32> -> vector<16xf32>
          %and3A_1330 = arith.constant -65536 : i32
          %and3A_1331 = vector.broadcast %and3A_1330 : i32 to vector<16xi32>
          %and3A_1332 = arith.andi %get3A_1325, %and3A_1331 : vector<16xi32>
          %bitcast_convert_type3A_1333 = tpu.bitcast %and3A_1332 : vector<16xi32> -> vector<16xf32>
          %add3A_1334 = arith.constant 200 : i32
          %add3A_1335 = arith.addi %add3A_1334, %add3A_1259 : i32
          %get3A_1336 = arith.index_cast %add3A_1335 : i32 to index
          %get3A_1337 = arith.constant 32 : index
          %get3A_1338 = tpu.vector_load %arg7[%get3A_1336, %get3A_1337] {strides = array<i32>} : memref<408x64xi32, #tpu.memory_space<vmem>>, vector<1x16xi32>,
          %get3A_1339 = vector.shape_cast %get3A_1338 : vector<1x16xi32> to vector<16xi32>
          %shift_left3A_1340 = arith.constant 16 : i32
          %shift_left3A_1341 = vector.broadcast %shift_left3A_1340 : i32 to vector<16xi32>
          %shift_left3A_1342 = arith.shli %get3A_1339, %shift_left3A_1341 : vector<16xi32>
          %bitcast_convert_type3A_1343 = tpu.bitcast %shift_left3A_1342 : vector<16xi32> -> vector<16xf32>
          %and3A_1344 = arith.constant -65536 : i32
          %and3A_1345 = vector.broadcast %and3A_1344 : i32 to vector<16xi32>
          %and3A_1346 = arith.andi %get3A_1339, %and3A_1345 : vector<16xi32>
          %bitcast_convert_type3A_1347 = tpu.bitcast %and3A_1346 : vector<16xi32> -> vector<16xf32>
          %mul3A_1348 = arith.mulf %bitcast_convert_type3A_1329, %bitcast_convert_type3A_1343 : vector<16xf32>
          %add3A_1349 = arith.addf %add3A_1321, %mul3A_1348 : vector<16xf32>
          %mul3A_1350 = arith.mulf %bitcast_convert_type3A_1333, %bitcast_convert_type3A_1347 : vector<16xf32>
          %add3A_1351 = arith.addf %add3A_1349, %mul3A_1350 : vector<16xf32>
          %get3A_1352 = arith.index_cast %add3A_1259 : i32 to index
          %get3A_1353 = arith.constant 48 : index
          %get3A_1354 = tpu.vector_load %arg7[%get3A_1352, %get3A_1353] {strides = array<i32>} : memref<408x64xi32, #tpu.memory_space<vmem>>, vector<1x16xi32>,
          %get3A_1355 = vector.shape_cast %get3A_1354 : vector<1x16xi32> to vector<16xi32>
          %shift_left3A_1356 = arith.constant 16 : i32
          %shift_left3A_1357 = vector.broadcast %shift_left3A_1356 : i32 to vector<16xi32>
          %shift_left3A_1358 = arith.shli %get3A_1355, %shift_left3A_1357 : vector<16xi32>
          %bitcast_convert_type3A_1359 = tpu.bitcast %shift_left3A_1358 : vector<16xi32> -> vector<16xf32>
          %and3A_1360 = arith.constant -65536 : i32
          %and3A_1361 = vector.broadcast %and3A_1360 : i32 to vector<16xi32>
          %and3A_1362 = arith.andi %get3A_1355, %and3A_1361 : vector<16xi32>
          %bitcast_convert_type3A_1363 = tpu.bitcast %and3A_1362 : vector<16xi32> -> vector<16xf32>
          %add3A_1364 = arith.constant 200 : i32
          %add3A_1365 = arith.addi %add3A_1364, %add3A_1259 : i32
          %get3A_1366 = arith.index_cast %add3A_1365 : i32 to index
          %get3A_1367 = arith.constant 48 : index
          %get3A_1368 = tpu.vector_load %arg7[%get3A_1366, %get3A_1367] {strides = array<i32>} : memref<408x64xi32, #tpu.memory_space<vmem>>, vector<1x16xi32>,
          %get3A_1369 = vector.shape_cast %get3A_1368 : vector<1x16xi32> to vector<16xi32>
          %shift_left3A_1370 = arith.constant 16 : i32
          %shift_left3A_1371 = vector.broadcast %shift_left3A_1370 : i32 to vector<16xi32>
          %shift_left3A_1372 = arith.shli %get3A_1369, %shift_left3A_1371 : vector<16xi32>
          %bitcast_convert_type3A_1373 = tpu.bitcast %shift_left3A_1372 : vector<16xi32> -> vector<16xf32>
          %and3A_1374 = arith.constant -65536 : i32
          %and3A_1375 = vector.broadcast %and3A_1374 : i32 to vector<16xi32>
          %and3A_1376 = arith.andi %get3A_1369, %and3A_1375 : vector<16xi32>
          %bitcast_convert_type3A_1377 = tpu.bitcast %and3A_1376 : vector<16xi32> -> vector<16xf32>
          %mul3A_1378 = arith.mulf %bitcast_convert_type3A_1359, %bitcast_convert_type3A_1373 : vector<16xf32>
          %add3A_1379 = arith.addf %add3A_1351, %mul3A_1378 : vector<16xf32>
          %mul3A_1380 = arith.mulf %bitcast_convert_type3A_1363, %bitcast_convert_type3A_1377 : vector<16xf32>
          %add3A_1381 = arith.addf %add3A_1379, %mul3A_1380 : vector<16xf32>
          %xor3A_1382 = arith.constant 8 : i32
          %xor3A_1383 = vector.broadcast %xor3A_1382 : i32 to vector<16xi32>
          %xor3A_1384 = arith.xori %iota3A, %xor3A_1383 : vector<16xi32>
          %broadcast_in_dim3A_1385 = vector.shape_cast %xor3A_1384 : vector<16xi32> to vector<16x1xi32>
          %gather3A_1386 = vector.shape_cast %broadcast_in_dim3A_1385 : vector<16x1xi32> to vector<16xi32>
          %gather3A_1387 = tpu.dynamic_gather %add3A_1381[%gather3A_1386] in [0] : vector<16xf32>, vector<16xi32> -> vector<16xf32>
          %add3A_1388 = arith.addf %add3A_1381, %gather3A_1387 : vector<16xf32>
          %xor3A_1389 = arith.constant 4 : i32
          %xor3A_1390 = vector.broadcast %xor3A_1389 : i32 to vector<16xi32>
          %xor3A_1391 = arith.xori %iota3A, %xor3A_1390 : vector<16xi32>
          %broadcast_in_dim3A_1392 = vector.shape_cast %xor3A_1391 : vector<16xi32> to vector<16x1xi32>
          %gather3A_1393 = vector.shape_cast %broadcast_in_dim3A_1392 : vector<16x1xi32> to vector<16xi32>
          %gather3A_1394 = tpu.dynamic_gather %add3A_1388[%gather3A_1393] in [0] : vector<16xf32>, vector<16xi32> -> vector<16xf32>
          %add3A_1395 = arith.addf %add3A_1388, %gather3A_1394 : vector<16xf32>
          %xor3A_1396 = arith.constant 2 : i32
          %xor3A_1397 = vector.broadcast %xor3A_1396 : i32 to vector<16xi32>
          %xor3A_1398 = arith.xori %iota3A, %xor3A_1397 : vector<16xi32>
          %broadcast_in_dim3A_1399 = vector.shape_cast %xor3A_1398 : vector<16xi32> to vector<16x1xi32>
          %gather3A_1400 = vector.shape_cast %broadcast_in_dim3A_1399 : vector<16x1xi32> to vector<16xi32>
          %gather3A_1401 = tpu.dynamic_gather %add3A_1395[%gather3A_1400] in [0] : vector<16xf32>, vector<16xi32> -> vector<16xf32>
          %add3A_1402 = arith.addf %add3A_1395, %gather3A_1401 : vector<16xf32>
          %xor3A_1403 = arith.constant 1 : i32
          %xor3A_1404 = vector.broadcast %xor3A_1403 : i32 to vector<16xi32>
          %xor3A_1405 = arith.xori %iota3A, %xor3A_1404 : vector<16xi32>
          %broadcast_in_dim3A_1406 = vector.shape_cast %xor3A_1405 : vector<16xi32> to vector<16x1xi32>
          %gather3A_1407 = vector.shape_cast %broadcast_in_dim3A_1406 : vector<16x1xi32> to vector<16xi32>
          %gather3A_1408 = tpu.dynamic_gather %add3A_1402[%gather3A_1407] in [0] : vector<16xf32>, vector<16xi32> -> vector<16xf32>
          %add3A_1409 = arith.addf %add3A_1402, %gather3A_1408 : vector<16xf32>
          %mul3A_1410 = arith.constant 8 : i32
          %mul3A_1411 = arith.muli %scan3A_148, %mul3A_1410 : i32
          %add3A_1412 = arith.constant 7 : i32
          %add3A_1413 = arith.addi %mul3A_1411, %add3A_1412 : i32
          %eq3A_1414 = vector.broadcast %add3A_1413 : i32 to vector<16xi32>
          %eq3A_1415 = arith.cmpi eq, %iota3A, %eq3A_1414 : vector<16xi32>
          %select_n3A_1416 = arith.select %eq3A_1415, %add3A_1409, %select_n3A_1257 : vector<16xi1>, vector<16xf32>
          scf.yield %select_n3A_1416 : vector<16xf32>
        }
        %scan3A_144 = arith.constant 2 : i32
        %swap3A = arith.index_cast %mul3A_137 : i32 to index
        %swap3A_145 = tpu.vector_load %arg9[%swap3A] {strides = array<i32>} : memref<208xf32, #tpu.memory_space<vmem>>, vector<16xf32>,
        %swap3A_146 = vector.shape_cast %swap3A_145 : vector<16xf32> to vector<16xf32>
        %swap3A_147 = vector.shape_cast %scan3A_143 : vector<16xf32> to vector<16xf32>
        tpu.vector_store %arg9[%swap3A], %swap3A_147 {strides = array<i32>} : memref<208xf32, #tpu.memory_space<vmem>>, vector<16xf32>,
      }
      %scan3A_117 = arith.constant 13 : i32
      %mul3A_118 = arith.constant 200 : i32
      %mul3A_119 = arith.muli %add3A_111, %mul3A_118 : i32
      %add3A_120 = arith.addi %mul3A_2, %mul3A_119 : i32
      %dma_start3A_121 = arith.constant 1 : i32
      %dma_start3A_122 = arith.constant 0 : i32
      %dma_start3A_123 = tpu.memref_slice %arg9[%dma_start3A_122] : memref<208xf32, #tpu.memory_space<vmem>> -> memref<200xf32, #tpu.memory_space<vmem>>
      %dma_start3A_124 = tpu.memref_slice %arg4[%add3A_120] : memref<320000xf32, #tpu.memory_space<hbm>> -> memref<200xf32, #tpu.memory_space<hbm>>
      %dma_start3A_125 = tpu.memref_slice %arg12[%dma_start3A_121] : memref<2x!tpu.dma_semaphore, #tpu.memory_space<semaphore_mem>> -> memref<1x!tpu.dma_semaphore, #tpu.memory_space<semaphore_mem>>
      %dma_start3A_126 = tpu.memref_squeeze %dma_start3A_125 : memref<1x!tpu.dma_semaphore, #tpu.memory_space<semaphore_mem>> -> memref<!tpu.dma_semaphore, #tpu.memory_space<semaphore_mem>>
      %dma_start3A_127 = tpu.memref_slice %arg4[%add3A_120] : memref<320000xf32, #tpu.memory_space<hbm>> -> memref<200xf32, #tpu.memory_space<hbm>>
      %dma_start3A_128 = arith.constant 0 : i32
      %dma_start3A_129 = tpu.memref_slice %arg9[%dma_start3A_128] : memref<208xf32, #tpu.memory_space<vmem>> -> memref<200xf32, #tpu.memory_space<vmem>>
      tpu.enqueue_dma source(%dma_start3A_129 : memref<200xf32, #tpu.memory_space<vmem>>) target(%dma_start3A_127 : memref<200xf32, #tpu.memory_space<hbm>>) target_semaphore(%dma_start3A_126 : memref<!tpu.dma_semaphore, #tpu.memory_space<semaphore_mem>>)
      %lt3A_130 = arith.constant 24 : i32
      %lt3A_131 = arith.cmpi slt, %scan3A_56, %lt3A_130 : i32
      %convert_element_type3A_132 = arith.extui %lt3A_131 : i1 to i32
      %cond3A_133 = arith.constant 0 : i32
      %cond3A_134 = arith.cmpi ne, %convert_element_type3A_132, %cond3A_133 : i32
      scf.if %cond3A_134 {
        %add3A_135 = arith.constant 3 : i32
        %add3A_136 = arith.addi %mul3A_58, %add3A_135 : i32
        %mul3A_137 = arith.constant 2 : i32
        %mul3A_138 = arith.muli %add3A_136, %mul3A_137 : i32
        %mul3A_139 = arith.constant 200 : i32
        %mul3A_140 = arith.muli %mul3A_138, %mul3A_139 : i32
        %dma_start3A_141 = arith.constant 1 : i32
        %dma_start3A_142 = arith.constant 0 : i32
        %dma_start3A_143 = arith.constant 0 : i32
        %dma_start3A_144 = tpu.memref_slice %arg7[%dma_start3A_142, %dma_start3A_143] : memref<408x64xi32, #tpu.memory_space<vmem>> -> memref<400x64xi32, #tpu.memory_space<vmem>>
        %dma_start3A_145 = tpu.memref_slice %arg5[%mul3A_140] : memref<20000xi32, #tpu.memory_space<vmem>> -> memref<400xi32, #tpu.memory_space<vmem>>
        %dma_start3A_146 = arith.constant 0 : i32
        %dma_start3A_147 = arith.constant 0 : i32
        %dma_start3A_148 = tpu.memref_slice %arg10[%dma_start3A_146, %dma_start3A_147] : memref<10000x64xi32, #tpu.memory_space<vmem_shared>> -> memref<10000x64xi32, #tpu.memory_space<vmem_shared>>
        %dma_start3A_149 = tpu.memref_slice %arg11[%dma_start3A_141] : memref<2x!tpu.dma_semaphore, #tpu.memory_space<semaphore_mem>> -> memref<1x!tpu.dma_semaphore, #tpu.memory_space<semaphore_mem>>
        %dma_start3A_150 = tpu.memref_squeeze %dma_start3A_149 : memref<1x!tpu.dma_semaphore, #tpu.memory_space<semaphore_mem>> -> memref<!tpu.dma_semaphore, #tpu.memory_space<semaphore_mem>>
        tpu.enqueue_indirect_dma source(%dma_start3A_148 : memref<10000x64xi32, #tpu.memory_space<vmem_shared>>) target(%dma_start3A_144 : memref<400x64xi32, #tpu.memory_space<vmem>>) offsets(%dma_start3A_145 : memref<400xi32, #tpu.memory_space<vmem>>) semaphore(%dma_start3A_150 : memref<!tpu.dma_semaphore, #tpu.memory_space<semaphore_mem>>)
      } else {
      }
    }
    %scan3A_34 = arith.constant 25 : i32
    %dma_wait3A = arith.constant 0 : i32
    %dma_wait3A_35 = arith.constant 0 : i32
    %dma_wait3A_36 = tpu.memref_slice %arg8[%dma_wait3A_35] : memref<208xf32, #tpu.memory_space<vmem>> -> memref<200xf32, #tpu.memory_space<vmem>>
    %dma_wait3A_37 = arith.constant 0 : i32
    %dma_wait3A_38 = tpu.memref_slice %arg4[%dma_wait3A_37] : memref<320000xf32, #tpu.memory_space<hbm>> -> memref<200xf32, #tpu.memory_space<hbm>>
    %dma_wait3A_39 = tpu.memref_slice %arg12[%dma_wait3A] : memref<2x!tpu.dma_semaphore, #tpu.memory_space<semaphore_mem>> -> memref<1x!tpu.dma_semaphore, #tpu.memory_space<semaphore_mem>>
    %dma_wait3A_40 = tpu.memref_squeeze %dma_wait3A_39 : memref<1x!tpu.dma_semaphore, #tpu.memory_space<semaphore_mem>> -> memref<!tpu.dma_semaphore, #tpu.memory_space<semaphore_mem>>
    %dma_wait3A_41 = arith.constant 0 : i32
    %dma_wait3A_42 = tpu.memref_slice %arg4[%dma_wait3A_41] : memref<320000xf32, #tpu.memory_space<hbm>> -> memref<200xf32, #tpu.memory_space<hbm>>
    %dma_wait3A_43 = arith.constant 0 : i32
    %dma_wait3A_44 = tpu.memref_slice %arg8[%dma_wait3A_43] : memref<208xf32, #tpu.memory_space<vmem>> -> memref<200xf32, #tpu.memory_space<vmem>>
    tpu.wait_dma2 semaphore(%dma_wait3A_40 : memref<!tpu.dma_semaphore, #tpu.memory_space<semaphore_mem>>) src(%dma_wait3A_44 : memref<200xf32, #tpu.memory_space<vmem>>) dst(%dma_wait3A_42 : memref<200xf32, #tpu.memory_space<hbm>>)
    %dma_wait3A_45 = arith.constant 1 : i32
    %dma_wait3A_46 = arith.constant 0 : i32
    %dma_wait3A_47 = tpu.memref_slice %arg9[%dma_wait3A_46] : memref<208xf32, #tpu.memory_space<vmem>> -> memref<200xf32, #tpu.memory_space<vmem>>
    %dma_wait3A_48 = arith.constant 0 : i32
    %dma_wait3A_49 = tpu.memref_slice %arg4[%dma_wait3A_48] : memref<320000xf32, #tpu.memory_space<hbm>> -> memref<200xf32, #tpu.memory_space<hbm>>
    %dma_wait3A_50 = tpu.memref_slice %arg12[%dma_wait3A_45] : memref<2x!tpu.dma_semaphore, #tpu.memory_space<semaphore_mem>> -> memref<1x!tpu.dma_semaphore, #tpu.memory_space<semaphore_mem>>
    %dma_wait3A_51 = tpu.memref_squeeze %dma_wait3A_50 : memref<1x!tpu.dma_semaphore, #tpu.memory_space<semaphore_mem>> -> memref<!tpu.dma_semaphore, #tpu.memory_space<semaphore_mem>>
    %dma_wait3A_52 = arith.constant 0 : i32
    %dma_wait3A_53 = tpu.memref_slice %arg4[%dma_wait3A_52] : memref<320000xf32, #tpu.memory_space<hbm>> -> memref<200xf32, #tpu.memory_space<hbm>>
    %dma_wait3A_54 = arith.constant 0 : i32
    %dma_wait3A_55 = tpu.memref_slice %arg9[%dma_wait3A_54] : memref<208xf32, #tpu.memory_space<vmem>> -> memref<200xf32, #tpu.memory_space<vmem>>
    tpu.wait_dma2 semaphore(%dma_wait3A_51 : memref<!tpu.dma_semaphore, #tpu.memory_space<semaphore_mem>>) src(%dma_wait3A_55 : memref<200xf32, #tpu.memory_space<vmem>>) dst(%dma_wait3A_53 : memref<200xf32, #tpu.memory_space<hbm>>)
    return
  }
}

</mosaic_0001>

<sc_bundles>
// kernel: kernel.3.cloned.1.call-start
scs
__scs_entry_jumppad:
0x0: {  	(pc) =	sbr.rel $0x88, $3  }
0x1: {  	(tag) =	ssettag $0x0;
	lr =	simm.s32 $0x1  }
0x2: {  	[smem:$0x3F9F] =	sst lr;
	_ =	strace $0xD0000000  }
0x3: {  	_ = 	snop  }
0x4: {  	_ = 	snop  }
0x5: {  	_ = 	snop  }
0x6: {  	_ = 	snop  }
0x7: {  	_ = 	snop  }
__scs_overlays_trampoline_lowered:
0x8: {  	[smem:$0x3FAE] =	sst s0  }
0x9: {  	[smem:$0x3FAF] =	sst s1  }
0xa: {  	[smem:$0x3FB0] =	sst s2  }
0xb: {  	[smem:$0x3FB1] =	sst s3  }
0xc: {  	[smem:$0x3FB2] =	sst s4  }
0xd: {  	[smem:$0x3FB3] =	sst s5  }
0xe: {  	[smem:$0x3FB4] =	sst s6  }
0xf: {  	[smem:$0x3FB5] =	sst s7  }
0x10: {  	[smem:$0x3FB6] =	sst s8  }
0x11: {  	[smem:$0x3FB7] =	sst s9;
	s0 =	simm.s32 @!p0 $0x0  }
0x12: {  	s1 =	sld [smem:$0x3F9D];
	s0 =	simm.s32 @p0 $0x1  }
0x13: {  	[smem:$0x3FB8] =	sst s0;
	s0 =	simm.s32 @!p1 $0x0  }
0x14: {  	s2 =	sld [smem:$0x3F9C];
	s0 =	simm.s32 @p1 $0x1  }
0x15: {  	[smem:$0x3FB9] =	sst s0;
	s0 =	simm.s32 @!p2 $0x0  }
0x16: {  	s3 =	sld [smem:$0x3FDB];
	s0 =	simm.s32 @p2 $0x1  }
0x17: {  	s4 =	simm.s32 $0x1BF5;
	[smem:$0x3FBB] =	sst s0  }
0x18: {  	s0 =	sld [smem:$0x3F9E];
	_ =	swait.ge [sflag:s4], $0x0  }
0x19: {  	s7 =	sld [smem:$0x3F9F]  }
0x1a: {  	s8 =	sadd.s32 $0xFFFFE003, lr  }
0x1b: {  	s9 =	sadd.s32 $0xFFFFFEF7, lr;
	s5 =	simm.s32 $0xFFFFFFFF;
	p2 =	slt.u32 s8, $0xFFFFF086  }
0x1c: {  	p1 =	slt.u32 s9, $0xF7A;
	s5 =	simm.s32 @!p2 $0x0  }
0x1d: {  	s5 =	simm.s32 @p1 $0x1;
	p0 =	seq.s32 s7, s2  }
0x1e: {  	s7 =	smul.u32 @!p0 $0xF7A, s2;
	p2 =	seq.s32 @!p0 s5, $0x0  }
0x1f: {  	s9 =	smul.u32 $0xF7A, s1;
	s8 =	simm.s32 @!p0 $0x1BF5;
	p2 =	por !p2, p0  }
0x20: {  	[sflag:s8] =	ssyncset.s32 @!p0 $0xFFFFF086;
	s6 =	sadd.s32 @!p0 s3, s7;
	s7 =	simm.s32 @!p0 $0x108  }
0x21: {  	s3 =	sadd.s32 s3, s9;
	s6 =	sadd.s32 @!p0 $0x88, s6;
	s7 =	simm.s32 @p2 $0x1082  }
0x22: {  	[simem:s7], [sflag:s8] =	dma.local @!p0 [hbm:s6], $0xF7A  }
0x23: {  	s9 =	sor.u32 $0xD0000000, s2;
	s6 =	simm.s32 $0x108;
	_ =	swait.ge @!p0 [sflag:s8], $0x0  }
0x24: {  	s3 =	sadd.s32 $0x88, s3;
	s6 =	simm.s32 @!p1 $0x1082;
	[sflag:s4] =	ssyncset.s32 $0xFFFFF086  }
0x25: {  	[simem:s6], [sflag:s4] =	dma.local [hbm:s3], $0xF7A  }
0x26: {  	[smem:$0x3F9F] =	sst s1;
	(tag) =	ssettag s2;
	_ =	strace s9  }
0x27: {  	s1 =	sld [smem:$0x3FAF]  }
0x28: {  	s2 =	sld [smem:$0x3FB0]  }
0x29: {  	s4 =	sld [smem:$0x3FB2]  }
0x2a: {  	p0 =	seq.s32 s5, $0x0;
	s5 =	sld [smem:$0x3FB3]  }
0x2b: {  	s6 =	sld [smem:$0x3FB4]  }
0x2c: {  	s7 =	sld [smem:$0x3FB5]  }
0x2d: {  	s3 =	simm.s32 $0x108;
	s8 =	sld [smem:$0x3FB6]  }
0x2e: {  	s3 =	simm.s32 @!p0 $0x1082;
	s9 =	sld [smem:$0x3FB7]  }
0x2f: {  	lr =	sadd.s32 s0, s3;
	s0 =	sld [smem:$0x3FAE]  }
0x30: {  	s3 =	sld [smem:$0x3FB1]  }
0x31: {  	[smem:$0x3FBA] =	sst s10  }
0x32: {  	s10 =	sld [smem:$0x3FB8];
	_ =	sdelay $0x3  }
0x33: {  	p0 =	seq.s32 s10, $0x1;
	s10 =	sld [smem:$0x3FBA];
	_ =	sdelay $0x3  }
0x34: {  	[smem:$0x3FBA] =	sst s10  }
0x35: {  	s10 =	sld [smem:$0x3FB9];
	_ =	sdelay $0x3  }
0x36: {  	p1 =	seq.s32 s10, $0x1;
	s10 =	sld [smem:$0x3FBA];
	_ =	sdelay $0x3  }
0x37: {  	[smem:$0x3FBA] =	sst s10  }
0x38: {  	s10 =	sld [smem:$0x3FBB]  }
0x39: {  	_ = 	snop;
	(pc) =	sbr.ind lr, $3  }
0x3a: {  	_ = 	snop  }
0x3b: {  	_ = 	snop  }
0x3c: {  	p2 =	seq.s32 s10, $0x1;
	s10 =	sld [smem:$0x3FBA]  }
0x3d: {  	_ =	shalt  }
0x3e: {  	_ =	shalt  }
0x3f: {  	_ =	shalt  }
0x40: {  	_ =	shalt  }
0x41: {  	_ =	shalt  }
0x42: {  	_ =	shalt  }
0x43: {  	_ =	shalt  }
0x44: {  	_ =	shalt  }
0x45: {  	_ =	shalt  }
0x46: {  	_ =	shalt  }
0x47: {  	_ =	shalt  }
0x48: {  	_ =	shalt  }
0x49: {  	_ =	shalt  }
0x4a: {  	_ =	shalt  }
0x4b: {  	_ =	shalt  }
0x4c: {  	_ =	shalt  }
0x4d: {  	_ =	shalt  }
0x4e: {  	_ =	shalt  }
0x4f: {  	_ =	shalt  }
0x50: {  	_ =	shalt  }
0x51: {  	_ =	shalt  }
0x52: {  	_ =	shalt  }
0x53: {  	_ =	shalt  }
0x54: {  	_ =	shalt  }
0x55: {  	_ =	shalt  }
0x56: {  	_ =	shalt  }
0x57: {  	_ =	shalt  }
0x58: {  	_ =	shalt  }
0x59: {  	_ =	shalt  }
0x5a: {  	_ =	shalt  }
0x5b: {  	_ =	shalt  }
0x5c: {  	_ =	shalt  }
0x5d: {  	_ =	shalt  }
0x5e: {  	_ =	shalt  }
0x5f: {  	_ =	shalt  }
0x60: {  	_ =	shalt  }
0x61: {  	_ =	shalt  }
0x62: {  	_ =	shalt  }
0x63: {  	_ =	shalt  }
0x64: {  	_ =	shalt  }
0x65: {  	_ =	shalt  }
0x66: {  	_ =	shalt  }
0x67: {  	_ =	shalt  }
0x68: {  	_ =	shalt  }
0x69: {  	_ =	shalt  }
0x6a: {  	_ =	shalt  }
0x6b: {  	_ =	shalt  }
0x6c: {  	_ =	shalt  }
0x6d: {  	_ =	shalt  }
0x6e: {  	_ =	shalt  }
0x6f: {  	_ =	shalt  }
0x70: {  	_ =	shalt  }
0x71: {  	_ =	shalt  }
0x72: {  	_ =	shalt  }
0x73: {  	_ =	shalt  }
0x74: {  	_ =	shalt  }
0x75: {  	_ =	shalt  }
0x76: {  	_ =	shalt  }
0x77: {  	_ =	shalt  }
0x78: {  	_ =	shalt  }
0x79: {  	_ =	shalt  }
0x7a: {  	_ =	shalt  }
0x7b: {  	_ =	shalt  }
0x7c: {  	_ =	shalt  }
0x7d: {  	_ =	shalt  }
0x7e: {  	_ =	shalt  }
0x7f: {  	_ =	shalt  }
0x80: {  	_ =	shalt  }
0x81: {  	_ =	shalt  }
0x82: {  	_ =	shalt  }
0x83: {  	_ =	shalt  }
0x84: {  	_ =	shalt  }
0x85: {  	_ =	shalt  }
0x86: {  	_ =	shalt  }
0x87: {  	_ =	shalt  }
.Lfunc_end0:
.L_simem_size_0:
called_computation_lowered:
.L_overlay_start_0:
0x88: {  	s2 =	sld [smem:$0x3FD9]  }
0x89: {  	s3 =	sld [smem:$0x3FFE];
	_ =	sdelay $0x1  }
0x8a: {  	s1 =	srdreg.scid  }
0x8b: {  	s0 =	sand.u32 $0x1, s1  }
0x8c: {  	s17 =	sshll.u32 s0, $0xA;
	s2 =	sadd.s32 s3, s2  }
0x8d: {  	s2 =	sadd.s32 s2, s17  }
0x8e: {  	[smem:$0x3FC6] =	sst s2  }
0x8f: {  	_ = 	snop  }
0x90: {  	s2 =	sld [smem:$0x3FD0];
	(tm) =	ssettm $0x1  }
0x91: {  	s18 =	sld [smem:$0x3FFB];
	_ =	sdelay $0x3  }
0x92: {  	_ =	strace s18  }
0x93: {  	s3 =	sld [smem:$0x3FFC];
	_ =	sdelay $0x3  }
0x94: {  	_ =	strace s3  }
0x95: {  	s3 =	sld [smem:$0x3FFD];
	_ =	sdelay $0x3  }
0x96: {  	_ =	strace s3  }
0x97: {  	_ =	strace $0x8FFFFFFF  }
0x98: {  	s19 =	sld [smem:$0x3FDB];
	_ =	sdelay $0x1  }
0x99: {  	s4 =	simm.s32 $_scs_section_size  }
0x9a: {  	s5 =	simm.s32 $_size__tile_overlayer_lowered;
	s6 =	simm.s32 $_tile_overlayer_lowered  }
0x9b: {  	s22 =	simm.s32 $0x1BFF;
	s21 =	sshll.u32 s6, $0x1;
	s3 =	sadd.s32 s4, s19  }
0x9c: {  	s7 =	simm.s32 $0x0;
	s20 =	sshll.u32 s5, $0x1;
	s5 =	sadd.s32 s21, s3  }
0x9d: {  	[timem:s7], [sflag:s22] =	dma.local [hbm:s5], s20  }
0x9e: {  	_ =	swait.ge [sflag:s22], s20  }
0x9f: {  	s4 =	ssub.s32 $0x0, s20;
	[sflag:s22] =	ssyncset.done $0x0  }
0xa0: {  	[sflag:s22] =	ssyncadd.s32 s4;
	_ =	sdelay $0x1  }
0xa1: {  	s23 =	simm.s32 $0x1B8B  }
0xa2: {  	_ =	swait.ge [sflag:s23], $0x1  }
0xa3: {  	[sflag:s23] =	ssyncset.done $0x0  }
0xa4: {  	s25 =	simm.s32 $0x1B8E;
	s24 =	sld [smem:$0x3FFE];
	[sflag:s23] =	ssyncadd.s32 $0xFFFFFFFF  }
0xa5: {  	s26 =	simm.s32 $execute0_lowered;
	[smem:$0x3FD2] =	sst s25  }
0xa6: {  	s5 =	sshll.u32 s26, $0x1;
	_ =	strace $0x80000046;
	[dreg:$0x1] =	wrdreg $0xFFFFFFFF  }
0xa7: {  	s28 =	simm.s32 $_size_execute0_lowered;
	s3 =	sadd.s32 s3, s5;
	[dreg:$0x0] =	wrdreg $0x0  }
0xa8: {  	s5 =	sshll.u32 s28, $0x1;
	[dreg:$0x2] =	wrdreg s3  }
0xa9: {  	[dreg:$0x3] =	wrdreg s5  }
0xaa: {  	[dreg:$0x4] =	wrdreg $0xC0  }
0xab: {  	_ =	task [dreg:s7], $0x5FFFF  }
0xac: {  	[dreg:$0x1] =	wrdreg $0xFFFFFFFF  }
0xad: {  	[dreg:$0x0] =	wrdreg $0x60  }
0xae: {  	[dreg:$0x2] =	wrdreg s24  }
0xaf: {  	[dreg:$0x3] =	wrdreg s2  }
0xb0: {  	[dreg:$0x4] =	wrdreg $0x11BC00  }
0xb1: {  	[dreg:$0x5] =	wrdreg $0x9  }
0xb2: {  	_ =	task.clear_ibuf [dreg:s7], $0x6FFFF;
	_ =	strace $0x90000046  }
0xb3: {  	s29 =	simm.s32 $0x9;
	_ =	strace $0x80000048  }
0xb4: {  	_ =	swait.ge [sflag:s29], $0x1  }
0xb5: {  	[sflag:s29] =	ssyncadd.s32 $0xFFFFFFFF  }
0xb6: {  	_ =	strace $0x90000048  }
0xb7: {  	_ =	sfence  }
0xb8: {  	s30 =	sld [smem:$0x0];
	_ =	sdelay $0x2  }
0xb9: {  	s31 =	sshll.u32 s1, $0xD;
	s1 =	sshrl.u32 s1, $0x2  }
0xba: {  	s3 =	sand.u32 $0x4000, s31;
	s1 =	sadd.s32 s1, s30  }
0xbb: {  	s0 =	sor.u32 s3, s0;
	s1 =	sshll.u32 s1, $0x11  }
0xbc: {  	s0 =	sor.u32 s1, s0  }
0xbd: {  	s0 =	sadd.s32 $0x8F2B, s0  }
0xbe: {  	[sflag:s0] =	ssyncadd.remote.s32 $0x1  }
0xbf: {  	_ =	sfence.sel $0xFFFF  }
0xc0: {  	[dreg:$0x0] =	wrdreg $0xFFFFFFFF;
	(pc) =	sbr.abs _section_cstart, $3  }
0xc1: {  	[dreg:$0x1] =	wrdreg $0xFFFFFFFF  }
0xc2: {  	_ =	task.clear_ibuf [dreg:s7], $0x2FFFF;
	_ =	strace $0x9FFFFFFF  }
0xc3: {  	(tm) =	ssettm $0x7FFFFFFF  }
tec
execute0_lowered:
.L_overlay_start_1:
0x0: {  	(tag) =	ssettag $0x1  }
0x1: {  	s5 =	rddreg [dreg:$0x0]  }
0x2: {  	s1 =	rddreg [dreg:$0x1];
	s0 =	stileid.u32  }
0x3: {  	s3 =	srdreg.scid;
	v0 =	vimm.s32 $0xFEDCBA98;
	s2 =	rddreg [dreg:$0x2];
	v1 =	vimm.s32 $0x76543210;
	v2 =	vimm.s32 $0xBA98FEDC  }
0x4: {  	v3 =	vimm.s32 $0x32107654;
	s13 =	simm.s32 $0x190;
	s14 =	simm.s32 $0x4E20;
	s15 =	simm.s32 $0xB420  }
0x5: {  	v4 =	vimm.s32 $0xDCFE98BA;
	v5 =	vimm.s32 $0x54761032;
	s16 =	simm.s32 $0x1;
	s17 =	simm.s32 $0x11A20;
	s18 =	simm.s32 $0x2  }
0x6: {  	v6 =	vimm.s32 $0xEFCDAB89;
	v7 =	vimm.s32 $0x67452301;
	s19 =	simm.s32 $0x4;
	s20 =	simm.s32 $0x11AF0;
	s21 =	simm.s32 $0x3  }
0x7: {  	s22 =	simm.s32 $0x0;
	s6 =	sand.u32 $0x1, s3;
	v0 =	vunpack.c.l.s4.s8 v0;
	s3 =	simm.s32 $0x0;
	v1 =	vunpack.c.l.s4.s8 v1;
	v2 =	vunpack.c.l.s4.s8 v2  }
0x8: {  	s4 =	sshll.u32 s0, $0x1;
	s7 =	smul.u32 $0x9C40, s0;
	v3 =	vunpack.c.l.s4.s8 v3;
	v4 =	vunpack.c.l.s4.s8 v4;
	v5 =	vunpack.c.l.s4.s8 v5;
	[smem:$0x7FF] =	sst s3  }
0x9: {  	s31 =	sshll.u32 s0, $0x6;
	v6 =	vunpack.c.l.s4.s8 v6;
	v7 =	vunpack.c.l.s4.s8 v7;
	s8 =	sor.u32 s6, s4;
	s4 =	rddreg [dreg:$0x3];
	v0 =	vunpack.c.0.s8.s32 v0  }
0xa: {  	s6 =	ssub.s32 $0x2, s6;
	s9 =	smul.u32 $0x9C4, s8;
	_ =	strace $0x80000047;
	v2 =	vunpack.c.0.s8.s32 v2;
	v3 =	vunpack.c.0.s8.s32 v3;
	v4 =	vunpack.c.0.s8.s32 v4  }
.Ltmp0:
0xb: {  	s10 =	sshrl.u32 s7, $0x3;
	s30 =	sshrl.u32 s6, $0x1;
	v5 =	vunpack.c.0.s8.s32 v5;
	v6 =	vunpack.c.0.s8.s32 v6;
	v7 =	vunpack.c.0.s8.s32 v7;
	(pc) =	sbr.rel .LBB2_1-.Ltmp0, $4  }
0xc: {  	s12 =	sadd.s32 s7, s2;
	s7 =	sor.u32 $0x1C05, s31;
	v1 =	vunpack.c.0.s8.s32 v1;
	s10 =	sadd.s32 s10, s5;
	v2 =	vcombine.low v3, v2  }
0xd: {  	s11 =	ssub.s32 s6, s30;
	s9 =	sadd.s32 s9, s5;
	s5 =	smul.u32 $0x2710, s8;
	v3 =	vcombine.low v5, v4;
	v4 =	vcombine.low v7, v6;
	v0 =	vand.u32 $0xF, v0  }
0xe: {  	s6 =	sadd.s32 $0x200, s10;
	s10 =	smax.u32 s11, $0x1;
	s11 =	sshrl.u32 s12, $0x3;
	v0 =	vcombine.low v0, v1;
	v1 =	vand.u32 $0xF, v2  }
0xf: {  	s12 =	simm.s32 $0x5;
	s8 =	sadd.s32 $0x13C00, s9;
	s9 =	sadd.s32 $0xC8, s5;
	v2 =	vand.u32 $0xF, v3;
	v3 =	vand.u32 $0xF, v4;
	v4 =	vlaneseq.u32  }
.LBB2_16:
0x10: {  	s22 =	sadd.s32 $0x1, s22  }
0x11: {  	_ =	swait.ge [sflag:s21], $0xC8;
	p0 =	sne.s32 s22, s10  }
.Ltmp1:
0x12: {  	[sflag:s21] =	ssyncset.done $0x0;
	(pc) =	sbr.rel @!p0 .LBB2_17-.Ltmp1, $4  }
0x13: {  	[sflag:s21] =	ssyncadd.s32 $0xFFFFFF38  }
0x14: {  	_ =	swait.ge [sflag:s19], $0xC8  }
0x15: {  	[sflag:s19] =	ssyncset.done $0x0  }
0x16: {  	[sflag:s19] =	ssyncadd.s32 $0xFFFFFF38  }
.LBB2_1:
0x17: {  	[spmem:s11], [sflag:s7] =	dma.local [hbm:s6], $0x1388  }
0x18: {  	_ =	swait.ge [sflag:s12], $0x1388  }
0x19: {  	[sflag:s12] =	ssyncset.done $0x0  }
0x1a: {  	[sflag:s12] =	ssyncadd.s32 $0xFFFFEC78  }
0x1b: {  	[tilespmem:s3], [sflag:$0x5] =	stream.linear.gather [hbm4b:s8+s3], $0x4E20, $0x38;
	[tilespmem:$0x1B800] =	vst v63  }
0x1c: {  	_ =	swait.ge [sflag:s12], $0x4E20  }
0x1d: {  	[sflag:s12] =	ssyncset.done $0x0  }
0x1e: {  	[sflag:s12] =	ssyncadd.s32 $0xFFFFB1E0  }
0x1f: {  	[bflag:$0x0] =	sbarrier.arrive $0xFFFF  }
0x20: {  	[tilespmem:s14], [sflag:$0x1] =	stream.indirect.gather [spmem:s2], $0x40, s3, s13, $0xb8;
	[tilespmem:$0x1B800] =	vst v63  }
0x21: {  	s23 =	simm.s32 $0x0  }
0x22: {  	[tilespmem:s15], [sflag:$0x2] =	stream.indirect.gather [spmem:s2], $0x40, s13, s13, $0xb8;
	[tilespmem:$0x1B800] =	vst v63  }
.LBB2_2:
0x23: {  	_ =	swait.ge [sflag:s16], $0x6400  }
0x24: {  	p0 =	seq.s32 s23, $0x0;
	[sflag:s16] =	ssyncset.done $0x0  }
0x25: {  	s24 =	simm.s32 @!p0 $0x3;
	[sflag:s16] =	ssyncadd.s32 $0xFFFF9C00  }
0x26: {  	_ =	swait.ge @!p0 [sflag:s24], $0xC8  }
0x27: {  	[sflag:s24] =	ssyncset.done @!p0 $0x0  }
0x28: {  	[sflag:s24] =	ssyncadd.s32 @!p0 $0xFFFFFF38;
	s24 =	simm.s32 $0x0  }
.LBB2_3:
0x29: {  	s25 =	sshll.u32 s24, $0x4;
	p1 =	por $0x1, $0x1;
	v5 =	vimm.f32 $0.0e+00;
	s26 =	simm.s32 $0x0  }
.LBB2_4:
0x2a: {  	s28 =	sor.u32 s25, s26  }
0x2b: {  	s28 =	sshll.u32 s28, $0x6  }
0x2c: {  	s28 =	sand.u32 $0x3FFFFFC0, s28  }
0x2d: {  	v6 =	vld [tilespmem:s28+$0x4E20]  }
0x2e: {  	v7 =	vld [tilespmem:s28+$0x8020]  }
0x2f: {  	v8 =	vld [tilespmem:s28+$0x4E30]  }
0x30: {  	v9 =	vld [tilespmem:s28+$0x8030]  }
0x31: {  	v45 =	vld [tilespmem:s28+$0x4E40]  }
0x32: {  	v47 =	vld [tilespmem:s28+$0x4E60]  }
0x33: {  	v48 =	vld [tilespmem:s28+$0x8060]  }
0x34: {  	v14 =	vld [tilespmem:s28+$0x4E50]  }
0x35: {  	v52 =	vld [tilespmem:s28+$0x8050]  }
0x36: {  	v53 =	vld [tilespmem:s28+$0x4E70]  }
0x37: {  	v54 =	vld [tilespmem:s28+$0x8070]  }
0x38: {  	v57 =	vld [tilespmem:s28+$0x4E80]  }
0x39: {  	v58 =	vld [tilespmem:s28+$0x8080]  }
0x3a: {  	v60 =	vld [tilespmem:s28+$0x4E90]  }
0x3b: {  	v61 =	vld [tilespmem:s28+$0x8090]  }
0x3c: {  	v22 =	vld [tilespmem:s28+$0x80A0];
	v10 =	vshll.u32 v6, $0x10;
	v11 =	vshll.u32 v7, $0x10  }
0x3d: {  	v26 =	vld [tilespmem:s28+$0x4EB0];
	v6 =	vand.u32 $0xFFFF0000, v6;
	v7 =	vand.u32 $0xFFFF0000, v7;
	v12 =	vshll.u32 v8, $0x10  }
0x3e: {  	v28 =	vld [tilespmem:s28+$0x80B0];
	v13 =	vshll.u32 v9, $0x10;
	v8 =	vand.u32 $0xFFFF0000, v8;
	v9 =	vand.u32 $0xFFFF0000, v9  }
0x3f: {  	v33 =	vld [tilespmem:s28+$0x4EC0];
	v49 =	vshll.u32 v45, $0x10;
	v55 =	vshll.u32 v47, $0x10;
	v15 =	vshll.u32 v48, $0x10  }
0x40: {  	v35 =	vld [tilespmem:s28+$0x80C0];
	v56 =	vshll.u32 v14, $0x10;
	v14 =	vand.u32 $0xFFFF0000, v14;
	v16 =	vshll.u32 v52, $0x10  }
0x41: {  	v17 =	vshll.u32 v53, $0x10;
	v18 =	vshll.u32 v54, $0x10;
	v62 =	vshll.u32 v57, $0x10  }
0x42: {  	v63 =	vshll.u32 v58, $0x10;
	v20 =	vshll.u32 v60, $0x10;
	v21 =	vshll.u32 v61, $0x10  }
0x43: {  	v24 =	vand.u32 $0xFFFF0000, v60;
	v30 =	vshll.u32 v22, $0x10;
	v32 =	vand.u32 $0xFFFF0000, v22  }
0x44: {  	v42 =	vld [tilespmem:s28+$0x80E0];
	v36 =	vshll.u32 v26, $0x10;
	v37 =	vshll.u32 v28, $0x10;
	v43 =	vshll.u32 v33, $0x10  }
0x45: {  	v40 =	vld [tilespmem:s28+$0x4EE0];
	v44 =	vshll.u32 v35, $0x10;
	v10 =	vmul.f32 v11, v10;
	v6 =	vmul.f32 v7, v6  }
0x46: {  	v22 =	vld [tilespmem:s28+$0x4F20];
	v46 =	vmul.f32 v13, v12;
	v8 =	vmul.f32 v9, v8;
	v11 =	vand.u32 $0xFFFF0000, v45  }
0x47: {  	v7 =	vld [tilespmem:s28+$0x8040];
	v12 =	vand.u32 $0xFFFF0000, v47;
	v9 =	vand.u32 $0xFFFF0000, v48;
	v59 =	vmul.f32 v18, v17  }
0x48: {  	v13 =	vand.u32 $0xFFFF0000, v53;
	v23 =	vmul.f32 v21, v20;
	v10 =	vadd.f32 $0.0e+00, v10  }
0x49: {  	v38 =	vmul.f32 v37, v36;
	v45 =	vmov s26;
	v53 =	vshll.u32 v42, $0x10  }
0x4a: {  	v18 =	vld [tilespmem:s28+$0x4EA0];
	v9 =	vmul.f32 v9, v12;
	v12 =	vand.u32 $0xFFFF0000, v28;
	v6 =	vadd.f32 v10, v6  }
0x4b: {  	v47 =	vld [tilespmem:s28+$0x4ED0];
	vm0 =	veq.s32 v45, v4;
	v10 =	vand.u32 $0xFFFF0000, v52;
	v52 =	vshll.u32 v40, $0x10  }
0x4c: {  	v37 =	vand.u32 $0xFFFF0000, v22;
	v50 =	vshll.u32 v7, $0x10;
	v6 =	vadd.f32 v46, v6  }
0x4d: {  	v7 =	vand.u32 $0xFFFF0000, v7;
	v10 =	vmul.f32 v10, v14;
	v14 =	vand.u32 $0xFFFF0000, v57;
	v57 =	vld [tilespmem:s28+$0x8100]  }
0x4e: {  	v51 =	vmul.f32 v50, v49;
	v7 =	vmul.f32 v7, v11;
	v49 =	vld [tilespmem:s28+$0x4EF0];
	v6 =	vadd.f32 v6, v8  }
0x4f: {  	v29 =	vshll.u32 v18, $0x10;
	v11 =	vmul.f32 v16, v56;
	v46 =	vmul.f32 v44, v43  }
0x50: {  	v56 =	vshll.u32 v47, $0x10;
	v8 =	vand.u32 $0xFFFF0000, v54;
	v6 =	vadd.f32 v51, v6  }
0x51: {  	v54 =	vand.u32 $0xFFFF0000, v40;
	v8 =	vmul.f32 v8, v13;
	v13 =	vmul.f32 v63, v62;
	v62 =	vld [tilespmem:s28+$0x8110]  }
0x52: {  	v21 =	vshll.u32 v57, $0x10;
	v6 =	vadd.f32 v6, v7;
	v7 =	vmul.f32 v15, v55  }
0x53: {  	s29 =	sor.u32 $0x1, s26;
	v16 =	vand.u32 $0xFFFF0000, v49;
	v15 =	vand.u32 $0xFFFF0000, v58;
	v58 =	vshll.u32 v49, $0x10  }
0x54: {  	v55 =	vld [tilespmem:s28+$0x4F00];
	v49 =	vmov s29;
	v17 =	vmul.f32 v15, v14;
	v7 =	vadd.f32 $0.0e+00, v7  }
0x55: {  	v50 =	vld [tilespmem:s28+$0x80F0];
	v14 =	vand.u32 $0xFFFF0000, v33;
	vm9 =	veq.s32 v49, v4;
	v6 =	vadd.f32 v11, v6  }
0x56: {  	v44 =	vld [tilespmem:s28+$0x4F60];
	v11 =	vand.u32 $0xFFFF0000, v47;
	v28 =	vshll.u32 v62, $0x10;
	v7 =	vadd.f32 v7, v9  }
0x57: {  	v51 =	vld [tilespmem:s28+$0x80D0];
	v6 =	vadd.f32 v6, v10;
	v9 =	vand.u32 $0xFFFF0000, v61;
	v10 =	vand.u32 $0xFFFF0000, v18  }
0x58: {  	v61 =	vld [tilespmem:s28+$0x4F10];
	v25 =	vmul.f32 v9, v24;
	v10 =	vmul.f32 v32, v10;
	v9 =	vand.u32 $0xFFFF0000, v26  }
0x59: {  	v63 =	vshll.u32 v55, $0x10;
	v7 =	vadd.f32 v59, v7;
	v19 =	vperm.xlane v6, v0  }
0x5a: {  	v24 =	vld [tilespmem:s28+$0x8120];
	v9 =	vmul.f32 v12, v9;
	v59 =	vshll.u32 v50, $0x10;
	v12 =	vand.u32 $0xFFFF0000, v57  }
0x5b: {  	v57 =	vshll.u32 v44, $0x10;
	v60 =	vmul.f32 v59, v58;
	v59 =	vand.u32 $0xFFFF0000, v44  }
0x5c: {  	v7 =	vadd.f32 v7, v8;
	v6 =	vadd.f32 v6, v19;
	v19 =	vshll.u32 v51, $0x10  }
0x5d: {  	v8 =	vmul.f32 v30, v29;
	v15 =	vmul.f32 v19, v56;
	v33 =	vand.u32 $0xFFFF0000, v61  }
0x5e: {  	v7 =	vadd.f32 v13, v7;
	v27 =	vperm.xlane v6, v1;
	v13 =	vand.u32 $0xFFFF0000, v35  }
0x5f: {  	v8 =	vadd.f32 $0.0e+00, v8;
	v35 =	vshll.u32 v24, $0x10;
	v13 =	vmul.f32 v13, v14  }
0x60: {  	v56 =	vld [tilespmem:s28+$0x8150];
	v14 =	vand.u32 $0xFFFF0000, v51;
	v7 =	vadd.f32 v7, v17;
	v6 =	vadd.f32 v6, v27  }
0x61: {  	v51 =	vld [tilespmem:s28+$0x4F50];
	v8 =	vadd.f32 v8, v10;
	v10 =	vand.u32 $0xFFFF0000, v42;
	v11 =	vmul.f32 v14, v11  }
0x62: {  	v29 =	vld [tilespmem:s28+$0x4F30];
	v27 =	vshll.u32 v61, $0x10;
	v7 =	vadd.f32 v23, v7;
	v34 =	vperm.xlane v6, v2  }
0x63: {  	v14 =	vand.u32 $0xFFFF0000, v24;
	v10 =	vmul.f32 v10, v54;
	v54 =	vld [tilespmem:s28+$0x4F70];
	v8 =	vadd.f32 v38, v8  }
0x64: {  	v23 =	vmul.f32 v21, v63;
	v38 =	vld [tilespmem:s28+$0x4F40];
	v7 =	vadd.f32 v7, v25;
	v6 =	vadd.f32 v6, v34  }
0x65: {  	v21 =	vld [tilespmem:s28+$0x4FA0];
	v8 =	vadd.f32 v8, v9;
	v9 =	vand.u32 $0xFFFF0000, v50;
	v34 =	vshll.u32 v22, $0x10  }
0x66: {  	v61 =	vshll.u32 v51, $0x10;
	v22 =	vshll.u32 v56, $0x10;
	v9 =	vmul.f32 v9, v16  }
0x67: {  	v32 =	vld [tilespmem:s28+$0x8130];
	v40 =	vshll.u32 v29, $0x10;
	v36 =	vmul.f32 v35, v34;
	v17 =	vmul.f32 v22, v61  }
0x68: {  	v31 =	vperm.xlane v7, v0;
	v41 =	vperm.xlane v6, v3;
	v8 =	vadd.f32 v46, v8  }
0x69: {  	v46 =	vld [tilespmem:s28+$0x8160];
	v63 =	vshll.u32 v54, $0x10;
	v18 =	vand.u32 $0xFFFF0000, v54;
	v47 =	vshll.u32 v38, $0x10  }
0x6a: {  	v16 =	vand.u32 $0xFFFF0000, v38;
	v38 =	vand.u32 $0xFFFF0000, v21;
	v7 =	vadd.f32 v7, v31  }
0x6b: {  	v6 =	vadd.f32 v6, v41;
	v8 =	vadd.f32 v8, v13;
	v13 =	vand.u32 $0xFFFF0000, v55  }
0x6c: {  	v31 =	vmul.f32 v28, v27;
	v41 =	vshll.u32 v32, $0x10;
	v39 =	vperm.xlane v7, v1  }
0x6d: {  	v26 =	vmul.f32 v12, v13;
	v12 =	vmul.f32 v14, v37;
	v8 =	vadd.f32 v15, v8  }
0x6e: {  	v55 =	vld [tilespmem:s28+$0x8170];
	v13 =	vand.u32 $0xFFFF0000, v29;
	v20 =	vshll.u32 v46, $0x10;
	v7 =	vadd.f32 v7, v39  }
0x6f: {  	v8 =	vadd.f32 v8, v11;
	v39 =	vld [tilespmem:s28+$0x8140];
	v11 =	vand.u32 $0xFFFF0000, v32;
	v58 =	vmul.f32 v20, v57  }
0x70: {  	v32 =	vld [tilespmem:s28+$0x81B0];
	v45 =	vmul.f32 v11, v13;
	v11 =	vand.u32 $0xFFFF0000, v46;
	v48 =	vperm.xlane v7, v2  }
0x71: {  	v30 =	vperm.xlane v8, v0;
	v13 =	vadd.f32 $0.0e+00, v58;
	v11 =	vmul.f32 v11, v59  }
0x72: {  	v5 =	vsel vm0, v6, v5;
	v6 =	vadd.f32 v7, v48;
	v7 =	vmul.f32 v53, v52  }
0x73: {  	v24 =	vshll.u32 v55, $0x10;
	v8 =	vadd.f32 v8, v30;
	v11 =	vadd.f32 v13, v11  }
0x74: {  	v13 =	vld [tilespmem:s28+$0x4F90];
	v48 =	vshll.u32 v39, $0x10;
	v14 =	vand.u32 $0xFFFF0000, v39;
	v7 =	vadd.f32 $0.0e+00, v7  }
0x75: {  	v44 =	vshll.u32 v32, $0x10;
	v25 =	vperm.xlane v6, v3;
	v42 =	vperm.xlane v8, v1  }
0x76: {  	v50 =	vmul.f32 v48, v47;
	v14 =	vmul.f32 v14, v16;
	v47 =	vld [tilespmem:s28+$0x4FF0];
	v7 =	vadd.f32 v7, v10  }
0x77: {  	v16 =	vand.u32 $0xFFFF0000, v56;
	v6 =	vadd.f32 v6, v25;
	v10 =	vand.u32 $0xFFFF0000, v62;
	v62 =	vld [tilespmem:s28+$0x8180]  }
0x78: {  	v8 =	vadd.f32 v8, v42;
	v25 =	vmul.f32 v24, v63;
	v24 =	vld [tilespmem:s28+$0x81C0];
	v7 =	vadd.f32 v60, v7  }
0x79: {  	v37 =	vld [tilespmem:s28+$0x8190];
	v10 =	vmul.f32 v10, v33;
	v33 =	vshll.u32 v21, $0x10;
	v42 =	vshll.u32 v13, $0x10  }
0x7a: {  	v13 =	vand.u32 $0xFFFF0000, v13;
	v52 =	vperm.xlane v8, v2;
	v60 =	vld [tilespmem:s28+$0x4F80];
	v7 =	vadd.f32 v7, v9  }
0x7b: {  	v11 =	vadd.f32 v25, v11;
	v5 =	vsel vm9, v6, v5;
	v9 =	vadd.f32 $0.0e+00, v36;
	v36 =	vld [tilespmem:s28+$0x81E0]  }
0x7c: {  	v56 =	vshll.u32 v47, $0x10;
	v8 =	vadd.f32 v8, v52;
	v7 =	vadd.f32 v23, v7;
	v23 =	vld [tilespmem:s28+$0x4FE0]  }
0x7d: {  	v28 =	vshll.u32 v62, $0x10;
	v52 =	vshll.u32 v24, $0x10;
	v24 =	vand.u32 $0xFFFF0000, v24  }
0x7e: {  	v9 =	vadd.f32 v9, v12;
	v12 =	vand.u32 $0xFFFF0000, v51;
	v7 =	vadd.f32 v7, v26  }
0x7f: {  	v27 =	vshll.u32 v60, $0x10;
	v12 =	vmul.f32 v16, v12;
	v16 =	vand.u32 $0xFFFF0000, v37;
	v26 =	vld [tilespmem:s28+$0x81A0]  }
0x80: {  	v13 =	vmul.f32 v16, v13;
	v25 =	vshll.u32 v36, $0x10;
	v7 =	vadd.f32 v31, v7  }
0x81: {  	v59 =	vld [tilespmem:s28+$0x8200];
	v15 =	vand.u32 $0xFFFF0000, v36;
	v31 =	vmul.f32 v28, v27;
	v48 =	vshll.u32 v23, $0x10  }
0x82: {  	v28 =	vld [tilespmem:s28+$0x8210];
	v51 =	vand.u32 $0xFFFF0000, v23;
	v7 =	vadd.f32 v7, v10;
	v10 =	vmul.f32 v41, v40  }
0x83: {  	v29 =	vld [tilespmem:s28+$0x4FB0];
	v30 =	vand.u32 $0xFFFF0000, v60;
	v49 =	vmul.f32 v25, v48;
	v15 =	vmul.f32 v15, v51  }
0x84: {  	v41 =	vld [tilespmem:s28+$0x4FC0];
	v34 =	vshll.u32 v26, $0x10;
	v19 =	vand.u32 $0xFFFF0000, v26;
	v43 =	vperm.xlane v7, v0  }
0x85: {  	v9 =	vadd.f32 v10, v9;
	v10 =	vand.u32 $0xFFFF0000, v55;
	v35 =	vmul.f32 v34, v33  }
0x86: {  	v27 =	vshll.u32 v59, $0x10;
	v26 =	vld [tilespmem:s28+$0x81F0];
	v40 =	vmul.f32 v19, v38;
	v10 =	vmul.f32 v10, v18  }
0x87: {  	v58 =	vld [tilespmem:s28+$0x5000];
	v38 =	vshll.u32 v28, $0x10;
	v7 =	vadd.f32 v7, v43;
	v9 =	vadd.f32 v9, v45  }
0x88: {  	v39 =	vadd.f32 $0.0e+00, v35;
	v43 =	vshll.u32 v29, $0x10;
	v45 =	vand.u32 $0xFFFF0000, v29  }
0x89: {  	v10 =	vadd.f32 v11, v10;
	v46 =	vmul.f32 v44, v43;
	v18 =	vand.u32 $0xFFFF0000, v41  }
0x8a: {  	v55 =	vld [tilespmem:s28+$0x4FD0];
	v53 =	vperm.xlane v7, v1;
	v9 =	vadd.f32 v50, v9;
	v50 =	vshll.u32 v41, $0x10  }
0x8b: {  	v57 =	vshll.u32 v26, $0x10;
	v60 =	vmul.f32 v24, v18;
	v63 =	vand.u32 $0xFFFF0000, v26  }
0x8c: {  	v26 =	vshll.u32 v58, $0x10;
	v41 =	vand.u32 $0xFFFF0000, v28;
	v9 =	vadd.f32 v9, v14  }
0x8d: {  	v10 =	vadd.f32 v31, v10;
	v54 =	vmul.f32 v52, v50;
	v14 =	vand.u32 $0xFFFF0000, v62  }
0x8e: {  	v11 =	vmul.f32 v14, v30;
	v9 =	vadd.f32 v17, v9;
	v17 =	vand.u32 $0xFFFF0000, v32  }
0x8f: {  	v29 =	vshll.u32 v55, $0x10;
	v14 =	vmul.f32 v17, v45;
	v17 =	vadd.f32 $0.0e+00, v49  }
0x90: {  	v61 =	vld [tilespmem:s28+$0x81D0];
	v16 =	vmul.f32 v27, v26;
	v10 =	vadd.f32 v10, v11;
	v11 =	vadd.f32 v39, v40  }
0x91: {  	v24 =	vld [tilespmem:s28+$0x5010];
	v31 =	vand.u32 $0xFFFF0000, v58;
	v15 =	vadd.f32 v17, v15;
	v17 =	vmul.f32 v57, v56  }
0x92: {  	v7 =	vadd.f32 v7, v53;
	v62 =	vand.u32 $0xFFFF0000, v47;
	v11 =	vadd.f32 v46, v11  }
0x93: {  	v53 =	vshll.u32 v37, $0x10;
	v15 =	vadd.f32 v17, v15;
	v17 =	vmul.f32 v63, v62  }
0x94: {  	v19 =	vmul.f32 v53, v42;
	v32 =	vand.u32 $0xFFFF0000, v59;
	v11 =	vadd.f32 v11, v14  }
0x95: {  	v30 =	vshll.u32 v61, $0x10;
	v34 =	vmul.f32 v32, v31;
	v15 =	vadd.f32 v15, v17  }
0x96: {  	v37 =	vshll.u32 v24, $0x10;
	v39 =	vand.u32 $0xFFFF0000, v55;
	v11 =	vadd.f32 v54, v11  }
0x97: {  	v40 =	vand.u32 $0xFFFF0000, v61;
	v10 =	vadd.f32 v19, v10;
	v33 =	vadd.f32 v16, v15  }
0x98: {  	v9 =	vadd.f32 v9, v12;
	v17 =	vmul.f32 v30, v29;
	v11 =	vadd.f32 v11, v60  }
0x99: {  	v12 =	vmul.f32 v38, v37;
	v6 =	vadd.f32 v10, v13;
	v36 =	vadd.f32 v33, v34  }
0x9a: {  	v13 =	vmul.f32 v40, v39;
	v14 =	vand.u32 $0xFFFF0000, v24;
	v35 =	vadd.f32 v17, v11  }
0x9b: {  	s29 =	sor.u32 $0x2, s26;
	v42 =	vperm.xlane v9, v0;
	v14 =	vmul.f32 v41, v14;
	v11 =	vadd.f32 v12, v36  }
0x9c: {  	v48 =	vmov s29;
	v44 =	vperm.xlane v6, v0;
	v10 =	vadd.f32 v35, v13  }
0x9d: {  	v43 =	vperm.xlane v8, v3;
	v9 =	vadd.f32 v9, v42;
	v11 =	vadd.f32 v11, v14  }
0x9e: {  	v45 =	vperm.xlane v7, v2;
	v6 =	vadd.f32 v6, v44;
	v46 =	vperm.xlane v10, v0  }
0x9f: {  	v8 =	vadd.f32 v8, v43;
	v47 =	vperm.xlane v9, v1;
	v14 =	vperm.xlane v11, v0  }
0xa0: {  	v7 =	vadd.f32 v7, v45;
	v49 =	vperm.xlane v6, v1;
	v10 =	vadd.f32 v10, v46  }
0xa1: {  	vm10 =	veq.s32 v48, v4;
	v9 =	vadd.f32 v9, v47;
	v11 =	vadd.f32 v11, v14  }
0xa2: {  	v50 =	vperm.xlane v7, v3;
	v6 =	vadd.f32 v6, v49;
	v51 =	vperm.xlane v10, v1  }
0xa3: {  	v5 =	vsel vm10, v8, v5;
	v52 =	vperm.xlane v9, v2;
	v14 =	vperm.xlane v11, v1  }
0xa4: {  	s30 =	sor.u32 $0x3, s26;
	v7 =	vadd.f32 v7, v50;
	v53 =	vperm.xlane v6, v2;
	v10 =	vadd.f32 v10, v51  }
0xa5: {  	v54 =	vmov s30;
	v8 =	vadd.f32 v9, v52;
	v11 =	vadd.f32 v11, v14  }
0xa6: {  	vm11 =	veq.s32 v54, v4;
	v6 =	vadd.f32 v6, v53;
	v55 =	vperm.xlane v10, v2  }
0xa7: {  	s31 =	sor.u32 $0x4, s26;
	v5 =	vsel vm11, v7, v5;
	v7 =	vperm.xlane v8, v3;
	v56 =	vperm.xlane v11, v2  }
0xa8: {  	v57 =	vmov s31;
	v58 =	vperm.xlane v6, v3;
	v9 =	vadd.f32 v10, v55  }
0xa9: {  	s29 =	sor.u32 $0x5, s26;
	vm12 =	veq.s32 v57, v4;
	v7 =	vadd.f32 v8, v7;
	v59 =	vadd.f32 v11, v56  }
0xaa: {  	p2 =	por p1, p1;
	v60 =	vmov s29;
	v6 =	vadd.f32 v6, v58;
	v61 =	vperm.xlane v9, v3  }
.Ltmp2:
0xab: {  	s30 =	sor.u32 $0x6, s26;
	vm13 =	veq.s32 v60, v4;
	v5 =	vsel vm12, v7, v5;
	v7 =	vperm.xlane v59, v3;
	(pc) =	sbr.rel @p2 .LBB2_4-.Ltmp2, $4  }
0xac: {  	s31 =	sor.u32 $0x7, s26;
	v62 =	vmov s30;
	v5 =	vsel vm13, v6, v5;
	v6 =	vadd.f32 v9, v61  }
0xad: {  	v63 =	vmov s31;
	vm14 =	veq.s32 v62, v4;
	v7 =	vadd.f32 v59, v7  }
0xae: {  	vm15 =	veq.s32 v63, v4;
	v5 =	vsel vm14, v6, v5  }
0xaf: {  	p1 =	por $0x0, $0x0;
	s26 =	simm.s32 $0x8;
	v5 =	vsel vm15, v7, v5  }
0xb0: {  	s24 =	sadd.s32 $0x1, s24  }
0xb1: {  	p1 =	sne.s32 s24, $0xD  }
.Ltmp3:
0xb2: {  	_ = 	snop;
	(pc) =	sbr.rel @p1 .LBB2_3-.Ltmp3, $2  }
0xb3: {  	_ =	sdelay $0x2  }
0xb4: {  	[tilespmem:s25+$0x11A20] =	vst v5  }
0xb5: {  	s24 =	smul.u32 $0x190, s23;
	p1 =	sne.s32 s23, $0x18  }
.Ltmp4:
0xb6: {  	_ = 	snop;
	(pc) =	sbr.rel @p1 .LBB2_8-.Ltmp4, $4  }
0xb7: {  	s25 =	sadd.s32 s5, s24  }
0xb8: {  	s25 =	sshrl.u32 s25, $0x3  }
0xb9: {  	s25 =	sadd.s32 s1, s25  }
0xba: {  	[hbm4b:s25+s3] =	stream.linear.scatter [tilespmem:s17], [sflag:$0x3], $0xC8, $0x38;
	[tilespmem:$0x1B800] =	vst v63  }
.Ltmp5:
0xbb: {  	(pc) =	sbr.rel .LBB2_9-.Ltmp5, $4  }
0xbc: {  	_ = 	snop  }
0xbd: {  	_ =	swait.ge [sflag:s18], $0x6400  }
0xbe: {  	[sflag:s18] =	ssyncset.done $0x0  }
0xbf: {  	[sflag:s18] =	ssyncadd.s32 $0xFFFF9C00  }
.LBB2_8:
0xc0: {  	s25 =	smul.u32 $0xC80, s23;
	_ =	sdelay $0x1  }
0xc1: {  	s25 =	sshra.s32 s25, $0x2  }
.Ltmp6:
0xc2: {  	s25 =	sadd.s32 $0x320, s25;
	(pc) =	sbr.rel @p0 .LBB2_10-.Ltmp6, $4  }
0xc3: {  	[tilespmem:s14], [sflag:$0x1] =	stream.indirect.gather [spmem:s2], $0x40, s25, s13, $0xb8;
	[tilespmem:$0x1B800] =	vst v63  }
0xc4: {  	_ =	swait.ge [sflag:s18], $0x6400  }
0xc5: {  	[sflag:s18] =	ssyncset.done $0x0  }
0xc6: {  	[sflag:s18] =	ssyncadd.s32 $0xFFFF9C00  }
.LBB2_9:
0xc7: {  	_ =	swait.ge [sflag:s19], $0xC8  }
0xc8: {  	[sflag:s19] =	ssyncset.done $0x0  }
0xc9: {  	[sflag:s19] =	ssyncadd.s32 $0xFFFFFF38  }
.LBB2_10:
0xca: {  	s25 =	simm.s32 $0x0  }
.LBB2_11:
0xcb: {  	s26 =	sshll.u32 s25, $0x4;
	p0 =	por $0x1, $0x1;
	v5 =	vimm.f32 $0.0e+00;
	s28 =	simm.s32 $0x0  }
.LBB2_12:
0xcc: {  	s29 =	sor.u32 s26, s28  }
0xcd: {  	s29 =	sshll.u32 s29, $0x6  }
0xce: {  	s29 =	sand.u32 $0x3FFFFFC0, s29  }
0xcf: {  	v6 =	vld [tilespmem:s29+$0xB420]  }
0xd0: {  	v7 =	vld [tilespmem:s29+$0xE620]  }
0xd1: {  	v8 =	vld [tilespmem:s29+$0xB430]  }
0xd2: {  	v9 =	vld [tilespmem:s29+$0xE630]  }
0xd3: {  	v45 =	vld [tilespmem:s29+$0xB440]  }
0xd4: {  	v47 =	vld [tilespmem:s29+$0xB460]  }
0xd5: {  	v48 =	vld [tilespmem:s29+$0xE660]  }
0xd6: {  	v14 =	vld [tilespmem:s29+$0xB450]  }
0xd7: {  	v52 =	vld [tilespmem:s29+$0xE650]  }
0xd8: {  	v53 =	vld [tilespmem:s29+$0xB470]  }
0xd9: {  	v54 =	vld [tilespmem:s29+$0xE670]  }
0xda: {  	v57 =	vld [tilespmem:s29+$0xB480]  }
0xdb: {  	v58 =	vld [tilespmem:s29+$0xE680]  }
0xdc: {  	v60 =	vld [tilespmem:s29+$0xB490]  }
0xdd: {  	v61 =	vld [tilespmem:s29+$0xE690]  }
0xde: {  	v22 =	vld [tilespmem:s29+$0xE6A0];
	v10 =	vshll.u32 v6, $0x10;
	v11 =	vshll.u32 v7, $0x10  }
0xdf: {  	v26 =	vld [tilespmem:s29+$0xB4B0];
	v6 =	vand.u32 $0xFFFF0000, v6;
	v7 =	vand.u32 $0xFFFF0000, v7;
	v12 =	vshll.u32 v8, $0x10  }
0xe0: {  	v28 =	vld [tilespmem:s29+$0xE6B0];
	v13 =	vshll.u32 v9, $0x10;
	v8 =	vand.u32 $0xFFFF0000, v8;
	v9 =	vand.u32 $0xFFFF0000, v9  }
0xe1: {  	v33 =	vld [tilespmem:s29+$0xB4C0];
	v49 =	vshll.u32 v45, $0x10;
	v55 =	vshll.u32 v47, $0x10;
	v15 =	vshll.u32 v48, $0x10  }
0xe2: {  	v35 =	vld [tilespmem:s29+$0xE6C0];
	v56 =	vshll.u32 v14, $0x10;
	v14 =	vand.u32 $0xFFFF0000, v14;
	v16 =	vshll.u32 v52, $0x10  }
0xe3: {  	v17 =	vshll.u32 v53, $0x10;
	v18 =	vshll.u32 v54, $0x10;
	v62 =	vshll.u32 v57, $0x10  }
0xe4: {  	v63 =	vshll.u32 v58, $0x10;
	v20 =	vshll.u32 v60, $0x10;
	v21 =	vshll.u32 v61, $0x10  }
0xe5: {  	v24 =	vand.u32 $0xFFFF0000, v60;
	v30 =	vshll.u32 v22, $0x10;
	v32 =	vand.u32 $0xFFFF0000, v22  }
0xe6: {  	v42 =	vld [tilespmem:s29+$0xE6E0];
	v36 =	vshll.u32 v26, $0x10;
	v37 =	vshll.u32 v28, $0x10;
	v43 =	vshll.u32 v33, $0x10  }
0xe7: {  	v40 =	vld [tilespmem:s29+$0xB4E0];
	v44 =	vshll.u32 v35, $0x10;
	v10 =	vmul.f32 v11, v10;
	v6 =	vmul.f32 v7, v6  }
0xe8: {  	v22 =	vld [tilespmem:s29+$0xB520];
	v46 =	vmul.f32 v13, v12;
	v8 =	vmul.f32 v9, v8;
	v11 =	vand.u32 $0xFFFF0000, v45  }
0xe9: {  	v7 =	vld [tilespmem:s29+$0xE640];
	v12 =	vand.u32 $0xFFFF0000, v47;
	v9 =	vand.u32 $0xFFFF0000, v48;
	v59 =	vmul.f32 v18, v17  }
0xea: {  	v13 =	vand.u32 $0xFFFF0000, v53;
	v23 =	vmul.f32 v21, v20;
	v10 =	vadd.f32 $0.0e+00, v10  }
0xeb: {  	v38 =	vmul.f32 v37, v36;
	v45 =	vmov s28;
	v53 =	vshll.u32 v42, $0x10  }
0xec: {  	v18 =	vld [tilespmem:s29+$0xB4A0];
	v9 =	vmul.f32 v9, v12;
	v12 =	vand.u32 $0xFFFF0000, v28;
	v6 =	vadd.f32 v10, v6  }
0xed: {  	v47 =	vld [tilespmem:s29+$0xB4D0];
	vm0 =	veq.s32 v45, v4;
	v10 =	vand.u32 $0xFFFF0000, v52;
	v52 =	vshll.u32 v40, $0x10  }
0xee: {  	v37 =	vand.u32 $0xFFFF0000, v22;
	v50 =	vshll.u32 v7, $0x10;
	v6 =	vadd.f32 v46, v6  }
0xef: {  	v7 =	vand.u32 $0xFFFF0000, v7;
	v10 =	vmul.f32 v10, v14;
	v14 =	vand.u32 $0xFFFF0000, v57;
	v57 =	vld [tilespmem:s29+$0xE700]  }
0xf0: {  	v51 =	vmul.f32 v50, v49;
	v7 =	vmul.f32 v7, v11;
	v49 =	vld [tilespmem:s29+$0xB4F0];
	v6 =	vadd.f32 v6, v8  }
0xf1: {  	v29 =	vshll.u32 v18, $0x10;
	v11 =	vmul.f32 v16, v56;
	v46 =	vmul.f32 v44, v43  }
0xf2: {  	v56 =	vshll.u32 v47, $0x10;
	v8 =	vand.u32 $0xFFFF0000, v54;
	v6 =	vadd.f32 v51, v6  }
0xf3: {  	v54 =	vand.u32 $0xFFFF0000, v40;
	v8 =	vmul.f32 v8, v13;
	v13 =	vmul.f32 v63, v62;
	v62 =	vld [tilespmem:s29+$0xE710]  }
0xf4: {  	v21 =	vshll.u32 v57, $0x10;
	v6 =	vadd.f32 v6, v7;
	v7 =	vmul.f32 v15, v55  }
0xf5: {  	s30 =	sor.u32 $0x1, s28;
	v16 =	vand.u32 $0xFFFF0000, v49;
	v15 =	vand.u32 $0xFFFF0000, v58;
	v58 =	vshll.u32 v49, $0x10  }
0xf6: {  	v55 =	vld [tilespmem:s29+$0xB500];
	v49 =	vmov s30;
	v17 =	vmul.f32 v15, v14;
	v7 =	vadd.f32 $0.0e+00, v7  }
0xf7: {  	v50 =	vld [tilespmem:s29+$0xE6F0];
	v14 =	vand.u32 $0xFFFF0000, v33;
	vm9 =	veq.s32 v49, v4;
	v6 =	vadd.f32 v11, v6  }
0xf8: {  	v44 =	vld [tilespmem:s29+$0xB560];
	v11 =	vand.u32 $0xFFFF0000, v47;
	v28 =	vshll.u32 v62, $0x10;
	v7 =	vadd.f32 v7, v9  }
0xf9: {  	v51 =	vld [tilespmem:s29+$0xE6D0];
	v6 =	vadd.f32 v6, v10;
	v9 =	vand.u32 $0xFFFF0000, v61;
	v10 =	vand.u32 $0xFFFF0000, v18  }
0xfa: {  	v61 =	vld [tilespmem:s29+$0xB510];
	v25 =	vmul.f32 v9, v24;
	v10 =	vmul.f32 v32, v10;
	v9 =	vand.u32 $0xFFFF0000, v26  }
0xfb: {  	v63 =	vshll.u32 v55, $0x10;
	v7 =	vadd.f32 v59, v7;
	v19 =	vperm.xlane v6, v0  }
0xfc: {  	v24 =	vld [tilespmem:s29+$0xE720];
	v9 =	vmul.f32 v12, v9;
	v59 =	vshll.u32 v50, $0x10;
	v12 =	vand.u32 $0xFFFF0000, v57  }
0xfd: {  	v57 =	vshll.u32 v44, $0x10;
	v60 =	vmul.f32 v59, v58;
	v59 =	vand.u32 $0xFFFF0000, v44  }
0xfe: {  	v7 =	vadd.f32 v7, v8;
	v6 =	vadd.f32 v6, v19;
	v19 =	vshll.u32 v51, $0x10  }
0xff: {  	v8 =	vmul.f32 v30, v29;
	v15 =	vmul.f32 v19, v56;
	v33 =	vand.u32 $0xFFFF0000, v61  }
0x100: {  	v7 =	vadd.f32 v13, v7;
	v27 =	vperm.xlane v6, v1;
	v13 =	vand.u32 $0xFFFF0000, v35  }
0x101: {  	v8 =	vadd.f32 $0.0e+00, v8;
	v35 =	vshll.u32 v24, $0x10;
	v13 =	vmul.f32 v13, v14  }
0x102: {  	v56 =	vld [tilespmem:s29+$0xE750];
	v14 =	vand.u32 $0xFFFF0000, v51;
	v7 =	vadd.f32 v7, v17;
	v6 =	vadd.f32 v6, v27  }
0x103: {  	v51 =	vld [tilespmem:s29+$0xB550];
	v8 =	vadd.f32 v8, v10;
	v10 =	vand.u32 $0xFFFF0000, v42;
	v11 =	vmul.f32 v14, v11  }
0x104: {  	v29 =	vld [tilespmem:s29+$0xB530];
	v27 =	vshll.u32 v61, $0x10;
	v7 =	vadd.f32 v23, v7;
	v34 =	vperm.xlane v6, v2  }
0x105: {  	v14 =	vand.u32 $0xFFFF0000, v24;
	v10 =	vmul.f32 v10, v54;
	v54 =	vld [tilespmem:s29+$0xB570];
	v8 =	vadd.f32 v38, v8  }
0x106: {  	v23 =	vmul.f32 v21, v63;
	v38 =	vld [tilespmem:s29+$0xB540];
	v7 =	vadd.f32 v7, v25;
	v6 =	vadd.f32 v6, v34  }
0x107: {  	v21 =	vld [tilespmem:s29+$0xB5A0];
	v8 =	vadd.f32 v8, v9;
	v9 =	vand.u32 $0xFFFF0000, v50;
	v34 =	vshll.u32 v22, $0x10  }
0x108: {  	v61 =	vshll.u32 v51, $0x10;
	v22 =	vshll.u32 v56, $0x10;
	v9 =	vmul.f32 v9, v16  }
0x109: {  	v32 =	vld [tilespmem:s29+$0xE730];
	v40 =	vshll.u32 v29, $0x10;
	v36 =	vmul.f32 v35, v34;
	v17 =	vmul.f32 v22, v61  }
0x10a: {  	v31 =	vperm.xlane v7, v0;
	v41 =	vperm.xlane v6, v3;
	v8 =	vadd.f32 v46, v8  }
0x10b: {  	v46 =	vld [tilespmem:s29+$0xE760];
	v63 =	vshll.u32 v54, $0x10;
	v18 =	vand.u32 $0xFFFF0000, v54;
	v47 =	vshll.u32 v38, $0x10  }
0x10c: {  	v16 =	vand.u32 $0xFFFF0000, v38;
	v38 =	vand.u32 $0xFFFF0000, v21;
	v7 =	vadd.f32 v7, v31  }
0x10d: {  	v6 =	vadd.f32 v6, v41;
	v8 =	vadd.f32 v8, v13;
	v13 =	vand.u32 $0xFFFF0000, v55  }
0x10e: {  	v31 =	vmul.f32 v28, v27;
	v41 =	vshll.u32 v32, $0x10;
	v39 =	vperm.xlane v7, v1  }
0x10f: {  	v26 =	vmul.f32 v12, v13;
	v12 =	vmul.f32 v14, v37;
	v8 =	vadd.f32 v15, v8  }
0x110: {  	v55 =	vld [tilespmem:s29+$0xE770];
	v13 =	vand.u32 $0xFFFF0000, v29;
	v20 =	vshll.u32 v46, $0x10;
	v7 =	vadd.f32 v7, v39  }
0x111: {  	v8 =	vadd.f32 v8, v11;
	v39 =	vld [tilespmem:s29+$0xE740];
	v11 =	vand.u32 $0xFFFF0000, v32;
	v58 =	vmul.f32 v20, v57  }
0x112: {  	v32 =	vld [tilespmem:s29+$0xE7B0];
	v45 =	vmul.f32 v11, v13;
	v11 =	vand.u32 $0xFFFF0000, v46;
	v48 =	vperm.xlane v7, v2  }
0x113: {  	v30 =	vperm.xlane v8, v0;
	v13 =	vadd.f32 $0.0e+00, v58;
	v11 =	vmul.f32 v11, v59  }
0x114: {  	v5 =	vsel vm0, v6, v5;
	v6 =	vadd.f32 v7, v48;
	v7 =	vmul.f32 v53, v52  }
0x115: {  	v24 =	vshll.u32 v55, $0x10;
	v8 =	vadd.f32 v8, v30;
	v11 =	vadd.f32 v13, v11  }
0x116: {  	v13 =	vld [tilespmem:s29+$0xB590];
	v48 =	vshll.u32 v39, $0x10;
	v14 =	vand.u32 $0xFFFF0000, v39;
	v7 =	vadd.f32 $0.0e+00, v7  }
0x117: {  	v44 =	vshll.u32 v32, $0x10;
	v25 =	vperm.xlane v6, v3;
	v42 =	vperm.xlane v8, v1  }
0x118: {  	v50 =	vmul.f32 v48, v47;
	v14 =	vmul.f32 v14, v16;
	v47 =	vld [tilespmem:s29+$0xB5F0];
	v7 =	vadd.f32 v7, v10  }
0x119: {  	v16 =	vand.u32 $0xFFFF0000, v56;
	v6 =	vadd.f32 v6, v25;
	v10 =	vand.u32 $0xFFFF0000, v62;
	v62 =	vld [tilespmem:s29+$0xE780]  }
0x11a: {  	v8 =	vadd.f32 v8, v42;
	v25 =	vmul.f32 v24, v63;
	v24 =	vld [tilespmem:s29+$0xE7C0];
	v7 =	vadd.f32 v60, v7  }
0x11b: {  	v37 =	vld [tilespmem:s29+$0xE790];
	v10 =	vmul.f32 v10, v33;
	v33 =	vshll.u32 v21, $0x10;
	v42 =	vshll.u32 v13, $0x10  }
0x11c: {  	v13 =	vand.u32 $0xFFFF0000, v13;
	v52 =	vperm.xlane v8, v2;
	v60 =	vld [tilespmem:s29+$0xB580];
	v7 =	vadd.f32 v7, v9  }
0x11d: {  	v11 =	vadd.f32 v25, v11;
	v5 =	vsel vm9, v6, v5;
	v9 =	vadd.f32 $0.0e+00, v36;
	v36 =	vld [tilespmem:s29+$0xE7E0]  }
0x11e: {  	v56 =	vshll.u32 v47, $0x10;
	v8 =	vadd.f32 v8, v52;
	v7 =	vadd.f32 v23, v7;
	v23 =	vld [tilespmem:s29+$0xB5E0]  }
0x11f: {  	v28 =	vshll.u32 v62, $0x10;
	v52 =	vshll.u32 v24, $0x10;
	v24 =	vand.u32 $0xFFFF0000, v24  }
0x120: {  	v9 =	vadd.f32 v9, v12;
	v12 =	vand.u32 $0xFFFF0000, v51;
	v7 =	vadd.f32 v7, v26  }
0x121: {  	v27 =	vshll.u32 v60, $0x10;
	v12 =	vmul.f32 v16, v12;
	v16 =	vand.u32 $0xFFFF0000, v37;
	v26 =	vld [tilespmem:s29+$0xE7A0]  }
0x122: {  	v13 =	vmul.f32 v16, v13;
	v25 =	vshll.u32 v36, $0x10;
	v7 =	vadd.f32 v31, v7  }
0x123: {  	v59 =	vld [tilespmem:s29+$0xE800];
	v15 =	vand.u32 $0xFFFF0000, v36;
	v31 =	vmul.f32 v28, v27;
	v48 =	vshll.u32 v23, $0x10  }
0x124: {  	v28 =	vld [tilespmem:s29+$0xE810];
	v51 =	vand.u32 $0xFFFF0000, v23;
	v7 =	vadd.f32 v7, v10;
	v10 =	vmul.f32 v41, v40  }
0x125: {  	v29 =	vld [tilespmem:s29+$0xB5B0];
	v30 =	vand.u32 $0xFFFF0000, v60;
	v49 =	vmul.f32 v25, v48;
	v15 =	vmul.f32 v15, v51  }
0x126: {  	v41 =	vld [tilespmem:s29+$0xB5C0];
	v34 =	vshll.u32 v26, $0x10;
	v19 =	vand.u32 $0xFFFF0000, v26;
	v43 =	vperm.xlane v7, v0  }
0x127: {  	v9 =	vadd.f32 v10, v9;
	v10 =	vand.u32 $0xFFFF0000, v55;
	v35 =	vmul.f32 v34, v33  }
0x128: {  	v27 =	vshll.u32 v59, $0x10;
	v26 =	vld [tilespmem:s29+$0xE7F0];
	v40 =	vmul.f32 v19, v38;
	v10 =	vmul.f32 v10, v18  }
0x129: {  	v58 =	vld [tilespmem:s29+$0xB600];
	v38 =	vshll.u32 v28, $0x10;
	v7 =	vadd.f32 v7, v43;
	v9 =	vadd.f32 v9, v45  }
0x12a: {  	v39 =	vadd.f32 $0.0e+00, v35;
	v43 =	vshll.u32 v29, $0x10;
	v45 =	vand.u32 $0xFFFF0000, v29  }
0x12b: {  	v10 =	vadd.f32 v11, v10;
	v46 =	vmul.f32 v44, v43;
	v18 =	vand.u32 $0xFFFF0000, v41  }
0x12c: {  	v55 =	vld [tilespmem:s29+$0xB5D0];
	v53 =	vperm.xlane v7, v1;
	v9 =	vadd.f32 v50, v9;
	v50 =	vshll.u32 v41, $0x10  }
0x12d: {  	v57 =	vshll.u32 v26, $0x10;
	v60 =	vmul.f32 v24, v18;
	v63 =	vand.u32 $0xFFFF0000, v26  }
0x12e: {  	v26 =	vshll.u32 v58, $0x10;
	v41 =	vand.u32 $0xFFFF0000, v28;
	v9 =	vadd.f32 v9, v14  }
0x12f: {  	v10 =	vadd.f32 v31, v10;
	v54 =	vmul.f32 v52, v50;
	v14 =	vand.u32 $0xFFFF0000, v62  }
0x130: {  	v11 =	vmul.f32 v14, v30;
	v9 =	vadd.f32 v17, v9;
	v17 =	vand.u32 $0xFFFF0000, v32  }
0x131: {  	v29 =	vshll.u32 v55, $0x10;
	v14 =	vmul.f32 v17, v45;
	v17 =	vadd.f32 $0.0e+00, v49  }
0x132: {  	v61 =	vld [tilespmem:s29+$0xE7D0];
	v16 =	vmul.f32 v27, v26;
	v10 =	vadd.f32 v10, v11;
	v11 =	vadd.f32 v39, v40  }
0x133: {  	v24 =	vld [tilespmem:s29+$0xB610];
	v31 =	vand.u32 $0xFFFF0000, v58;
	v15 =	vadd.f32 v17, v15;
	v17 =	vmul.f32 v57, v56  }
0x134: {  	v7 =	vadd.f32 v7, v53;
	v62 =	vand.u32 $0xFFFF0000, v47;
	v11 =	vadd.f32 v46, v11  }
0x135: {  	v53 =	vshll.u32 v37, $0x10;
	v15 =	vadd.f32 v17, v15;
	v17 =	vmul.f32 v63, v62  }
0x136: {  	v19 =	vmul.f32 v53, v42;
	v32 =	vand.u32 $0xFFFF0000, v59;
	v11 =	vadd.f32 v11, v14  }
0x137: {  	v30 =	vshll.u32 v61, $0x10;
	v34 =	vmul.f32 v32, v31;
	v15 =	vadd.f32 v15, v17  }
0x138: {  	v37 =	vshll.u32 v24, $0x10;
	v39 =	vand.u32 $0xFFFF0000, v55;
	v11 =	vadd.f32 v54, v11  }
0x139: {  	v40 =	vand.u32 $0xFFFF0000, v61;
	v10 =	vadd.f32 v19, v10;
	v33 =	vadd.f32 v16, v15  }
0x13a: {  	v9 =	vadd.f32 v9, v12;
	v17 =	vmul.f32 v30, v29;
	v11 =	vadd.f32 v11, v60  }
0x13b: {  	v12 =	vmul.f32 v38, v37;
	v6 =	vadd.f32 v10, v13;
	v36 =	vadd.f32 v33, v34  }
0x13c: {  	v13 =	vmul.f32 v40, v39;
	v14 =	vand.u32 $0xFFFF0000, v24;
	v35 =	vadd.f32 v17, v11  }
0x13d: {  	s31 =	sor.u32 $0x2, s28;
	v42 =	vperm.xlane v9, v0;
	v14 =	vmul.f32 v41, v14;
	v11 =	vadd.f32 v12, v36  }
0x13e: {  	v48 =	vmov s31;
	v44 =	vperm.xlane v6, v0;
	v10 =	vadd.f32 v35, v13  }
0x13f: {  	v43 =	vperm.xlane v8, v3;
	v9 =	vadd.f32 v9, v42;
	v11 =	vadd.f32 v11, v14  }
0x140: {  	v45 =	vperm.xlane v7, v2;
	v6 =	vadd.f32 v6, v44;
	v46 =	vperm.xlane v10, v0  }
0x141: {  	v8 =	vadd.f32 v8, v43;
	v47 =	vperm.xlane v9, v1;
	v14 =	vperm.xlane v11, v0  }
0x142: {  	v7 =	vadd.f32 v7, v45;
	v49 =	vperm.xlane v6, v1;
	v10 =	vadd.f32 v10, v46  }
0x143: {  	vm10 =	veq.s32 v48, v4;
	v9 =	vadd.f32 v9, v47;
	v11 =	vadd.f32 v11, v14  }
0x144: {  	v50 =	vperm.xlane v7, v3;
	v6 =	vadd.f32 v6, v49;
	v51 =	vperm.xlane v10, v1  }
0x145: {  	v5 =	vsel vm10, v8, v5;
	v52 =	vperm.xlane v9, v2;
	v14 =	vperm.xlane v11, v1  }
0x146: {  	s30 =	sor.u32 $0x3, s28;
	v7 =	vadd.f32 v7, v50;
	v53 =	vperm.xlane v6, v2;
	v10 =	vadd.f32 v10, v51  }
0x147: {  	v54 =	vmov s30;
	v8 =	vadd.f32 v9, v52;
	v11 =	vadd.f32 v11, v14  }
0x148: {  	vm11 =	veq.s32 v54, v4;
	v6 =	vadd.f32 v6, v53;
	v55 =	vperm.xlane v10, v2  }
0x149: {  	s31 =	sor.u32 $0x4, s28;
	v5 =	vsel vm11, v7, v5;
	v7 =	vperm.xlane v8, v3;
	v56 =	vperm.xlane v11, v2  }
0x14a: {  	v57 =	vmov s31;
	v58 =	vperm.xlane v6, v3;
	v9 =	vadd.f32 v10, v55  }
0x14b: {  	vm12 =	veq.s32 v57, v4;
	s30 =	sor.u32 $0x5, s28;
	v7 =	vadd.f32 v8, v7;
	v59 =	vadd.f32 v11, v56  }
0x14c: {  	p1 =	por p0, p0;
	v60 =	vmov s30;
	v6 =	vadd.f32 v6, v58;
	v61 =	vperm.xlane v9, v3  }
.Ltmp7:
0x14d: {  	s31 =	sor.u32 $0x6, s28;
	vm13 =	veq.s32 v60, v4;
	v5 =	vsel vm12, v7, v5;
	v7 =	vperm.xlane v59, v3;
	(pc) =	sbr.rel @p1 .LBB2_12-.Ltmp7, $4  }
0x14e: {  	v62 =	vmov s31;
	s28 =	sor.u32 $0x7, s28;
	v5 =	vsel vm13, v6, v5;
	v6 =	vadd.f32 v9, v61  }
0x14f: {  	vm14 =	veq.s32 v62, v4;
	v63 =	vmov s28;
	v7 =	vadd.f32 v59, v7  }
0x150: {  	vm15 =	veq.s32 v63, v4;
	v5 =	vsel vm14, v6, v5  }
0x151: {  	p0 =	por $0x0, $0x0;
	s28 =	simm.s32 $0x8;
	v5 =	vsel vm15, v7, v5  }
0x152: {  	s25 =	sadd.s32 $0x1, s25  }
0x153: {  	p0 =	sne.s32 s25, $0xD  }
.Ltmp8:
0x154: {  	_ = 	snop;
	(pc) =	sbr.rel @p0 .LBB2_11-.Ltmp8, $2  }
0x155: {  	_ =	sdelay $0x2  }
0x156: {  	[tilespmem:s26+$0x11AF0] =	vst v5  }
0x157: {  	p0 =	seq.s32 s23, $0x18  }
.Ltmp9:
0x158: {  	_ = 	snop;
	(pc) =	sbr.rel @p0 .LBB2_16-.Ltmp9, $4  }
0x159: {  	s24 =	sadd.s32 s24, s9  }
0x15a: {  	s24 =	sshrl.u32 s24, $0x3  }
0x15b: {  	s24 =	sadd.s32 s1, s24  }
0x15c: {  	[hbm4b:s24+s3] =	stream.linear.scatter [tilespmem:s20], [sflag:$0x4], $0xC8, $0x38;
	[tilespmem:$0x1B800] =	vst v63  }
0x15d: {  	s24 =	smul.u32 $0xC80, s23  }
.Ltmp10:
0x15e: {  	_ = 	snop;
	(pc) =	sbr.rel .LBB2_2-.Ltmp10, $4  }
0x15f: {  	_ = 	snop  }
0x160: {  	s24 =	sshra.s32 s24, $0x2  }
0x161: {  	s23 =	sadd.s32 $0x1, s23;
	s24 =	sadd.s32 $0x4B0, s24  }
0x162: {  	[tilespmem:s15], [sflag:$0x2] =	stream.indirect.gather [spmem:s2], $0x40, s24, s13, $0xb8;
	[tilespmem:$0x1B800] =	vst v63  }
.LBB2_17:
0x163: {  	_ =	sfence.sel $0x180000  }
0x164: {  	[bflag:$0x0] =	sbarrier.arrive $0xFFFF  }
0x165: {  	p0 =	sne.s32 s0, $0x0;
	_ =	strace $0x90000047  }
0x166: {  	s0 =	sadd.s32 @!p0 $0x100000, s4;
	[bflag:$0x2] =	sbarrier.arrive $0xFFFF  }
0x167: {  	[sflag:s0] =	ssyncadd.tile.s32 @!p0 $0x1;
	_ =	shalt  }
.Lfunc_end2:
_tile_overlayer_lowered:
.L_overlay_start_2:
0x168: {  	(tag) =	ssettag $0x2  }
0x169: {  	s0 =	rddreg [dreg:$0x0];
	s2 =	stileid.u32  }
0x16a: {  	s1 =	rddreg [dreg:$0x1];
	p0 =	sne.s32 s2, $0x0  }
0x16b: {  	s3 =	rddreg [dreg:$0x2];
	[bflag:$0x3] =	sbarrier.arrive $0xFFFF;
	s2 =	simm.s32 @!p0 $0x1C05  }
0x16c: {  	[timem:s3], [sflag:s2] =	dma.local @!p0 [hbm:s0], s1  }
0x16d: {  	s0 =	simm.s32 @!p0 $0x5  }
0x16e: {  	_ =	swait.ge @!p0 [sflag:s0], s1  }
0x16f: {  	s1 =	ssub.s32 @!p0 $0x0, s1;
	[sflag:s0] =	ssyncset.done @!p0 $0x0  }
0x170: {  	[sflag:s0] =	ssyncadd.s32 @!p0 s1  }
0x171: {  	[bflag:$0x3] =	sbarrier.arrive $0xFFFF  }
0x172: {  	_ =	shalt  }

</sc_bundles>
